<compile_context>
chip_gen: v7x
topology: tpu7x:2x2x1
jax: 0.10.2.dev20260603
libtpu: 0.0.44.dev20260713+nightly
codegen_flags: <defaults>
</compile_context>

<pallas_src>
import functools

import jax
import jax.numpy as jnp
from jax import lax
from jax.experimental import pallas as pl
from jax.experimental.pallas import tpu as pltpu
from jax.experimental.pallas import tpu_sc as plsc

N = 10000
E = 320000
D = 128
G = 64
EPS = 1e-5

NC = 2
NS = 16
NW = NC * NS
EW = E // NW
K = 80
NCHUNK = EW // K
RPT = 632
RPT_LAST = N - (NS - 1) * RPT


def _sc_agg_body(h_hbm, src_hbm, dst_hbm, zero_hbm, out_hbm,
                 sidx_v, didx_v, rows0_v, rows1_v, rows2_v, acc_sh,
                 sem0, sem1, sem2, ssem0, ssem1, ssem2):
    c = lax.axis_index("c")
    s = lax.axis_index("s")
    wid = s * NC + c

    row_off = pl.multiple_of(s * RPT, 8)
    cnt_tail = s == NS - 1

    def init_copy(rows, size):
        @pl.when(c == 0)
        def _():
            pltpu.async_copy(h_hbm.at[pl.ds(rows, size)],
                             acc_sh.at[pl.ds(rows, size)], ssem1)

        @pl.when(c != 0)
        def _():
            pltpu.async_copy(zero_hbm.at[pl.ds(rows, size)],
                             acc_sh.at[pl.ds(rows, size)], ssem1)

    @pl.when(cnt_tail)
    def _():
        init_copy((NS - 1) * RPT, RPT_LAST)

    @pl.when(jnp.logical_not(cnt_tail))
    def _():
        init_copy(row_off, RPT)

    pltpu.async_copy(src_hbm.at[pl.ds(pl.multiple_of(wid * EW, 8), EW)],
                     sidx_v, sem1)
    pltpu.async_copy(dst_hbm.at[pl.ds(pl.multiple_of(wid * EW, 8), EW)],
                     didx_v, ssem0)

    def gather(i, buf, sem):
        pltpu.async_copy(h_hbm.at[sidx_v.at[pl.ds(i * K, K)]], buf, sem)

    def wait_gather(i, buf, sem):
        pltpu.make_async_copy(h_hbm.at[sidx_v.at[pl.ds(i * K, K)]],
                              buf, sem).wait()

    def scatter_add(i, buf, sem):
        pltpu.async_copy(buf, acc_sh.at[didx_v.at[pl.ds(i * K, K)]],
                         sem, add=True)

    def wait_scatter(i, buf, sem):
        pltpu.make_async_copy(buf, acc_sh.at[didx_v.at[pl.ds(i * K, K)]],
                              sem).wait()

    pltpu.make_async_copy(src_hbm.at[pl.ds(0, EW)], sidx_v, sem1).wait()
    gather(0, rows0_v, sem0)
    gather(1, rows1_v, sem1)
    gather(2, rows2_v, sem2)

    @pl.when(cnt_tail)
    def _():
        pltpu.make_async_copy(zero_hbm.at[pl.ds((NS - 1) * RPT, RPT_LAST)],
                              acc_sh.at[pl.ds((NS - 1) * RPT, RPT_LAST)],
                              ssem1).wait()

    @pl.when(jnp.logical_not(cnt_tail))
    def _():
        pltpu.make_async_copy(zero_hbm.at[pl.ds(row_off, RPT)],
                              acc_sh.at[pl.ds(row_off, RPT)], ssem1).wait()

    pltpu.make_async_copy(dst_hbm.at[pl.ds(0, EW)], didx_v, ssem0).wait()
    plsc.subcore_barrier()

    def tri(j, carry):
        i0 = 3 * j
        wait_gather(i0, rows0_v, sem0)
        scatter_add(i0, rows0_v, ssem0)
        wait_gather(i0 + 1, rows1_v, sem1)
        scatter_add(i0 + 1, rows1_v, ssem1)
        wait_scatter(i0, rows0_v, ssem0)

        @pl.when(i0 + 3 < NCHUNK)
        def _():
            gather(i0 + 3, rows0_v, sem0)

        wait_gather(i0 + 2, rows2_v, sem2)
        scatter_add(i0 + 2, rows2_v, ssem2)
        wait_scatter(i0 + 1, rows1_v, ssem1)

        @pl.when(i0 + 4 < NCHUNK)
        def _():
            gather(i0 + 4, rows1_v, sem1)

        wait_scatter(i0 + 2, rows2_v, ssem2)

        @pl.when(i0 + 5 < NCHUNK)
        def _():
            gather(i0 + 5, rows2_v, sem2)

        return carry

    lax.fori_loop(0, NCHUNK // 3, tri, 0)
    wait_gather(NCHUNK - 2, rows0_v, sem0)
    pltpu.sync_copy(rows0_v, acc_sh.at[didx_v.at[pl.ds((NCHUNK - 2) * K, K)]],
                    add=True)
    wait_gather(NCHUNK - 1, rows1_v, sem1)
    pltpu.sync_copy(rows1_v, acc_sh.at[didx_v.at[pl.ds((NCHUNK - 1) * K, K)]],
                    add=True)

    plsc.subcore_barrier()

    @pl.when(s < NS - 1)
    def _():
        pltpu.sync_copy(acc_sh.at[pl.ds(row_off, RPT)],
                        out_hbm.at[c, pl.ds(row_off, RPT)])

    @pl.when(s == NS - 1)
    def _():
        pltpu.sync_copy(acc_sh.at[pl.ds((NS - 1) * RPT, RPT_LAST)],
                        out_hbm.at[c, pl.ds((NS - 1) * RPT, RPT_LAST)])


@functools.cache
def _sc_agg_kernel():
    return pl.kernel(
        _sc_agg_body,
        out_type=jax.ShapeDtypeStruct((NC, N, D), jnp.float32),
        mesh=plsc.VectorSubcoreMesh(core_axis_name="c", subcore_axis_name="s",
                                    num_cores=NC, num_subcores=NS),
        scratch_types=[
            pltpu.VMEM((EW,), jnp.int32),
            pltpu.VMEM((EW,), jnp.int32),
            pltpu.VMEM((K, D), jnp.float32),
            pltpu.VMEM((K, D), jnp.float32),
            pltpu.VMEM((K, D), jnp.float32),
            pltpu.VMEM_SHARED((N, D), jnp.float32),
            pltpu.SemaphoreType.DMA,
            pltpu.SemaphoreType.DMA,
            pltpu.SemaphoreType.DMA,
            pltpu.SemaphoreType.DMA,
            pltpu.SemaphoreType.DMA,
            pltpu.SemaphoreType.DMA,
        ],
    )


def _sc_agg(h, src, dst, zero):
    return _sc_agg_kernel()(h, src, dst, zero)


def _tc_layer_body(agg_ref, xl_in_ref, w1_ref, b1_ref, w2_ref, b2_ref,
                   g_ref, be_ref, batch_ref, ho_ref, xl_ref, po_ref):
    h = agg_ref[0] + agg_ref[1]
    h = jnp.dot(h, w1_ref[...], preferred_element_type=jnp.float32)
    h = h + b1_ref[...]
    h = jnp.where(h > 0, h, 0.01 * h)
    h = jnp.dot(h, w2_ref[...], preferred_element_type=jnp.float32)
    h = h + b2_ref[...]
    h = jnp.where(h > 0, h, 0.01 * h)
    m = jnp.mean(h, axis=1, keepdims=True)
    hc = h - m
    v = jnp.mean(hc * hc, axis=1, keepdims=True)
    hn = hc * lax.rsqrt(v + EPS)
    bm = jnp.mean(hn, axis=0, keepdims=True)
    hb = hn - bm
    bv = jnp.mean(hb * hb, axis=0, keepdims=True)
    hb = hb * lax.rsqrt(bv + EPS) * g_ref[...] + be_ref[...]
    ho_ref[...] = hb
    xl_ref[...] = hb
    oh = (batch_ref[...] == lax.broadcasted_iota(jnp.int32, (G, 1), 0))
    po_ref[...] = jnp.dot(oh.astype(jnp.float32), hb,
                          preferred_element_type=jnp.float32)


@functools.cache
def _tc_layer_kernel(layer):
    return pl.pallas_call(
        _tc_layer_body,
        out_shape=(jax.ShapeDtypeStruct((N, D), jnp.float32),
                   jax.ShapeDtypeStruct((N, 3 * D), jnp.float32),
                   jax.ShapeDtypeStruct((G, D), jnp.float32)),
        in_specs=(
            pl.BlockSpec((NC, N, D), lambda i: (0, 0, 0)),
            pl.BlockSpec(memory_space=pltpu.MemorySpace.HBM),
            pl.BlockSpec((D, D), lambda i: (0, 0)),
            pl.BlockSpec((1, D), lambda i: (0, 0)),
            pl.BlockSpec((D, D), lambda i: (0, 0)),
            pl.BlockSpec((1, D), lambda i: (0, 0)),
            pl.BlockSpec((1, D), lambda i: (0, 0)),
            pl.BlockSpec((1, D), lambda i: (0, 0)),
            pl.BlockSpec((1, N), lambda i: (0, 0)),
        ),
        out_specs=(
            pl.BlockSpec((N, D), lambda i: (0, 0)),
            pl.BlockSpec((N, D), lambda i, new=layer: (0, new)),
            pl.BlockSpec((G, D), lambda i: (0, 0)),
        ),
        input_output_aliases={1: 1},
        grid=(1,),
    )


def kernel(x, edge_index, batch,
           W1_0, b1_0, W2_0, b2_0, gamma_0, beta_0,
           W1_1, b1_1, W2_1, b2_1, gamma_1, beta_1,
           W1_2, b1_2, W2_2, b2_2, gamma_2, beta_2):
    src = edge_index[0]
    dst = edge_index[1]
    zero = jnp.zeros((N, D), jnp.float32)
    batch2 = batch.reshape(1, N)
    params = [
        (W1_0, b1_0, W2_0, b2_0, gamma_0, beta_0),
        (W1_1, b1_1, W2_1, b2_1, gamma_1, beta_1),
        (W1_2, b1_2, W2_2, b2_2, gamma_2, beta_2),
    ]
    h = x
    xl = jnp.zeros((N, 3 * D), jnp.float32)
    pools = []
    for layer, (W1, b1, W2, b2, gamma, beta) in enumerate(params):
        agg = _sc_agg(h, src, dst, zero)
        h, xl, pool = _tc_layer_kernel(layer)(
            agg, xl, W1, b1.reshape(1, D), W2, b2.reshape(1, D),
            gamma.reshape(1, D), beta.reshape(1, D), batch2)
        pools.append(pool)
    x_global = jnp.concatenate(pools, axis=1)
    return (x_global, xl)

# --- scband reference (transcript-rebuilt; emitter-appended) ---
"""Pipeline reference for scband-encoder-10239202034097 (READ-ONLY COPY).

The authoritative reference and input builder live on the scoring server;
editing this copy changes nothing except your own understanding.
"""

import jax, jax.numpy as jnp
import numpy as np

N = 10000
E = 320000
D = 128
L = 3
G = 64
EPS = 1e-5


def setup_inputs(seed: int = 0) -> dict:
    key = jax.random.key(seed)
    ks = jax.random.split(key, 3 + 6 * L)
    inp = {}
    inp['x'] = jax.random.normal(ks[0], (N, D), dtype=jnp.float32)
    inp['edge_index'] = jax.random.randint(ks[1], (2, E), 0, N, dtype=jnp.int32)
    inp['batch'] = jnp.sort(jax.random.randint(ks[2], (N,), 0, G, dtype=jnp.int32))
    kidx = 3
    for i in range(L):
        in_dim = D  # num_features == dim == 128
        inp[f'W1_{i}'] = jax.random.normal(ks[kidx], (in_dim, D), dtype=jnp.float32) / np.sqrt(in_dim); kidx += 1
        inp[f'b1_{i}'] = jnp.zeros((D,), dtype=jnp.float32)
        inp[f'W2_{i}'] = jax.random.normal(ks[kidx], (D, D), dtype=jnp.float32) / np.sqrt(D); kidx += 1
        inp[f'b2_{i}'] = jnp.zeros((D,), dtype=jnp.float32)
        inp[f'gamma_{i}'] = jnp.ones((D,), dtype=jnp.float32)
        inp[f'beta_{i}'] = jnp.zeros((D,), dtype=jnp.float32)
    return inp


def _gin_conv(x, src, dst, W1, b1, W2, b2):
    # GINConv with eps=0: nn((1+eps)*x + sum_{j in N(i)} x_j)
    agg = jnp.zeros_like(x).at[dst].add(x[src])
    h = x + agg
    h = h @ W1 + b1
    h = jax.nn.leaky_relu(h, negative_slope=0.01)
    h = h @ W2 + b2
    return h


def _node_norm(x):
    # NodeNorm nn_type='n', unbiased=False, eps=1e-5
    mean = jnp.mean(x, axis=1, keepdims=True)
    var = jnp.var(x, axis=1, keepdims=True)
    std = jnp.sqrt(var + EPS)
    return (x - mean) / std


def _batch_norm(x, gamma, beta):
    # BatchNorm1d in training mode (batch statistics, biased variance, eps=1e-5)
    mean = jnp.mean(x, axis=0, keepdims=True)
    var = jnp.var(x, axis=0, keepdims=True)
    xn = (x - mean) / jnp.sqrt(var + EPS)
    return xn * gamma + beta


def reference(x, edge_index, batch,
              W1_0, b1_0, W2_0, b2_0, gamma_0, beta_0,
              W1_1, b1_1, W2_1, b2_1, gamma_1, beta_1,
              W1_2, b1_2, W2_2, b2_2, gamma_2, beta_2):
    src = edge_index[0]
    dst = edge_index[1]
    params = [
        (W1_0, b1_0, W2_0, b2_0, gamma_0, beta_0),
        (W1_1, b1_1, W2_1, b2_1, gamma_1, beta_1),
        (W1_2, b1_2, W2_2, b2_2, gamma_2, beta_2),
    ]
    xs = []
    h = x
    for (W1, b1, W2, b2, gamma, beta) in params:
        h = jax.nn.leaky_relu(_gin_conv(h, src, dst, W1, b1, W2, b2), negative_slope=0.01)
        h = _node_norm(h)
        h = _batch_norm(h, gamma, beta)
        xs.append(h)
    xpool = [jax.ops.segment_sum(t, batch, num_segments=G) for t in xs]
    x_global = jnp.concatenate(xpool, axis=1)
    x_local = jnp.concatenate(xs, axis=1)
    return (x_global, x_local)

if __name__ == "__main__":
    import jax
    _d = setup_inputs()
    print(jax.jit(kernel)(*tuple(_d.values())))

</pallas_src>

<mosaic_0001>
#map = affine_map<(d0, d1) -> (0, 0)>
#map1 = affine_map<(d0, d1) -> (0)>
#map2 = affine_map<(d0, d1) -> (0, 0, 0)>
module attributes {stable_mosaic.version = 14 : i64} {
  func.func @_sc_agg_body(%arg0: i32, %arg1: i32, %arg2: memref<10000x128xf32, #tpu.memory_space<hbm>>, %arg3: memref<320000xi32, #tpu.memory_space<hbm>>, %arg4: memref<320000xi32, #tpu.memory_space<hbm>>, %arg5: memref<10000x128xf32, #tpu.memory_space<hbm>>, %arg6: memref<2x10000x128xf32, #tpu.memory_space<hbm>>, %arg7: memref<10000xi32, #tpu.memory_space<vmem>>, %arg8: memref<10000xi32, #tpu.memory_space<vmem>>, %arg9: memref<80x128xf32, #tpu.memory_space<vmem>>, %arg10: memref<80x128xf32, #tpu.memory_space<vmem>>, %arg11: memref<80x128xf32, #tpu.memory_space<vmem>>, %arg12: memref<10000x128xf32, #tpu.memory_space<vmem_shared>>, %arg13: memref<!tpu.dma_semaphore, #tpu.memory_space<semaphore_mem>>, %arg14: memref<!tpu.dma_semaphore, #tpu.memory_space<semaphore_mem>>, %arg15: memref<!tpu.dma_semaphore, #tpu.memory_space<semaphore_mem>>, %arg16: memref<!tpu.dma_semaphore, #tpu.memory_space<semaphore_mem>>, %arg17: memref<!tpu.dma_semaphore, #tpu.memory_space<semaphore_mem>>, %arg18: memref<!tpu.dma_semaphore, #tpu.memory_space<semaphore_mem>>) attributes {dimension_semantics = [#tpu.dimension_semantics<core_parallel>, #tpu.dimension_semantics<subcore_parallel>], iteration_bounds = array<i64: 2, 16>, scalar_prefetch = 0 : i64, scratch_operands = 12 : i64, tpu.core_type = #tpu.core_type<sc_vector_subcore>, window_params = [{transform_indices = #map}, {transform_indices = #map1}, {transform_indices = #map1}, {transform_indices = #map}, {transform_indices = #map2}]} {
    %mul3A = arith.constant 2 : i32
    %mul3A_0 = arith.muli %arg1, %mul3A : i32
    %add3A = arith.addi %mul3A_0, %arg0 : i32
    %mul3A_1 = arith.constant 632 : i32
    %mul3A_2 = arith.muli %arg1, %mul3A_1 : i32
    %multiple_of3A = tpu.assume_multiple %mul3A_2, 8 : i32
    %eq3A = arith.constant 15 : i32
    %eq3A_3 = arith.cmpi eq, %arg1, %eq3A : i32
    %convert_element_type3A = arith.extui %eq3A_3 : i1 to i32
    %cond3A = arith.constant 0 : i32
    %cond3A_4 = arith.cmpi ne, %convert_element_type3A, %cond3A : i32
    scf.if %cond3A_4 {
      %eq3A_73 = arith.constant 0 : i32
      %eq3A_74 = arith.cmpi eq, %arg0, %eq3A_73 : i32
      %convert_element_type3A_75 = arith.extui %eq3A_74 : i1 to i32
      %cond3A_76 = arith.constant 0 : i32
      %cond3A_77 = arith.cmpi ne, %convert_element_type3A_75, %cond3A_76 : i32
      scf.if %cond3A_77 {
        %dma_start3A_82 = arith.constant 9480 : i32
        %dma_start3A_83 = arith.constant 0 : i32
        %dma_start3A_84 = tpu.memref_slice %arg12[%dma_start3A_82, %dma_start3A_83] : memref<10000x128xf32, #tpu.memory_space<vmem_shared>> -> memref<520x128xf32, #tpu.memory_space<vmem_shared>>
        %dma_start3A_85 = arith.constant 9480 : i32
        %dma_start3A_86 = arith.constant 0 : i32
        %dma_start3A_87 = tpu.memref_slice %arg2[%dma_start3A_85, %dma_start3A_86] : memref<10000x128xf32, #tpu.memory_space<hbm>> -> memref<520x128xf32, #tpu.memory_space<hbm>>
        tpu.enqueue_dma source(%dma_start3A_87 : memref<520x128xf32, #tpu.memory_space<hbm>>) target(%dma_start3A_84 : memref<520x128xf32, #tpu.memory_space<vmem_shared>>) target_semaphore(%arg17 : memref<!tpu.dma_semaphore, #tpu.memory_space<semaphore_mem>>)
      } else {
      }
      %ne3A = arith.constant 0 : i32
      %ne3A_78 = arith.cmpi ne, %arg0, %ne3A : i32
      %convert_element_type3A_79 = arith.extui %ne3A_78 : i1 to i32
      %cond3A_80 = arith.constant 0 : i32
      %cond3A_81 = arith.cmpi ne, %convert_element_type3A_79, %cond3A_80 : i32
      scf.if %cond3A_81 {
        %dma_start3A_82 = arith.constant 9480 : i32
        %dma_start3A_83 = arith.constant 0 : i32
        %dma_start3A_84 = tpu.memref_slice %arg12[%dma_start3A_82, %dma_start3A_83] : memref<10000x128xf32, #tpu.memory_space<vmem_shared>> -> memref<520x128xf32, #tpu.memory_space<vmem_shared>>
        %dma_start3A_85 = arith.constant 9480 : i32
        %dma_start3A_86 = arith.constant 0 : i32
        %dma_start3A_87 = tpu.memref_slice %arg5[%dma_start3A_85, %dma_start3A_86] : memref<10000x128xf32, #tpu.memory_space<hbm>> -> memref<520x128xf32, #tpu.memory_space<hbm>>
        tpu.enqueue_dma source(%dma_start3A_87 : memref<520x128xf32, #tpu.memory_space<hbm>>) target(%dma_start3A_84 : memref<520x128xf32, #tpu.memory_space<vmem_shared>>) target_semaphore(%arg17 : memref<!tpu.dma_semaphore, #tpu.memory_space<semaphore_mem>>)
      } else {
      }
    } else {
    }
    %not3A = arith.constant true
    %not3A_5 = arith.xori %eq3A_3, %not3A : i1
    %convert_element_type3A_6 = arith.extui %not3A_5 : i1 to i32
    %cond3A_7 = arith.constant 0 : i32
    %cond3A_8 = arith.cmpi ne, %convert_element_type3A_6, %cond3A_7 : i32
    scf.if %cond3A_8 {
      %eq3A_73 = arith.constant 0 : i32
      %eq3A_74 = arith.cmpi eq, %arg0, %eq3A_73 : i32
      %convert_element_type3A_75 = arith.extui %eq3A_74 : i1 to i32
      %cond3A_76 = arith.constant 0 : i32
      %cond3A_77 = arith.cmpi ne, %convert_element_type3A_75, %cond3A_76 : i32
      scf.if %cond3A_77 {
        %dma_start3A_82 = arith.constant 0 : i32
        %dma_start3A_83 = tpu.memref_slice %arg12[%multiple_of3A, %dma_start3A_82] : memref<10000x128xf32, #tpu.memory_space<vmem_shared>> -> memref<632x128xf32, #tpu.memory_space<vmem_shared>>
        %dma_start3A_84 = arith.constant 0 : i32
        %dma_start3A_85 = tpu.memref_slice %arg2[%multiple_of3A, %dma_start3A_84] : memref<10000x128xf32, #tpu.memory_space<hbm>> -> memref<632x128xf32, #tpu.memory_space<hbm>>
        tpu.enqueue_dma source(%dma_start3A_85 : memref<632x128xf32, #tpu.memory_space<hbm>>) target(%dma_start3A_83 : memref<632x128xf32, #tpu.memory_space<vmem_shared>>) target_semaphore(%arg17 : memref<!tpu.dma_semaphore, #tpu.memory_space<semaphore_mem>>)
      } else {
      }
      %ne3A = arith.constant 0 : i32
      %ne3A_78 = arith.cmpi ne, %arg0, %ne3A : i32
      %convert_element_type3A_79 = arith.extui %ne3A_78 : i1 to i32
      %cond3A_80 = arith.constant 0 : i32
      %cond3A_81 = arith.cmpi ne, %convert_element_type3A_79, %cond3A_80 : i32
      scf.if %cond3A_81 {
        %dma_start3A_82 = arith.constant 0 : i32
        %dma_start3A_83 = tpu.memref_slice %arg12[%multiple_of3A, %dma_start3A_82] : memref<10000x128xf32, #tpu.memory_space<vmem_shared>> -> memref<632x128xf32, #tpu.memory_space<vmem_shared>>
        %dma_start3A_84 = arith.constant 0 : i32
        %dma_start3A_85 = tpu.memref_slice %arg5[%multiple_of3A, %dma_start3A_84] : memref<10000x128xf32, #tpu.memory_space<hbm>> -> memref<632x128xf32, #tpu.memory_space<hbm>>
        tpu.enqueue_dma source(%dma_start3A_85 : memref<632x128xf32, #tpu.memory_space<hbm>>) target(%dma_start3A_83 : memref<632x128xf32, #tpu.memory_space<vmem_shared>>) target_semaphore(%arg17 : memref<!tpu.dma_semaphore, #tpu.memory_space<semaphore_mem>>)
      } else {
      }
    } else {
    }
    %mul3A_9 = arith.constant 10000 : i32
    %mul3A_10 = arith.muli %add3A, %mul3A_9 : i32
    %multiple_of3A_11 = tpu.assume_multiple %mul3A_10, 8 : i32
    %dma_start3A = tpu.memref_slice %arg3[%multiple_of3A_11] : memref<320000xi32, #tpu.memory_space<hbm>> -> memref<10000xi32, #tpu.memory_space<hbm>>
    %dma_start3A_12 = tpu.memref_slice %arg3[%multiple_of3A_11] : memref<320000xi32, #tpu.memory_space<hbm>> -> memref<10000xi32, #tpu.memory_space<hbm>>
    tpu.enqueue_dma source(%dma_start3A_12 : memref<10000xi32, #tpu.memory_space<hbm>>) target(%arg7 : memref<10000xi32, #tpu.memory_space<vmem>>) target_semaphore(%arg14 : memref<!tpu.dma_semaphore, #tpu.memory_space<semaphore_mem>>)
    %mul3A_13 = arith.constant 10000 : i32
    %mul3A_14 = arith.muli %add3A, %mul3A_13 : i32
    %multiple_of3A_15 = tpu.assume_multiple %mul3A_14, 8 : i32
    %dma_start3A_16 = tpu.memref_slice %arg4[%multiple_of3A_15] : memref<320000xi32, #tpu.memory_space<hbm>> -> memref<10000xi32, #tpu.memory_space<hbm>>
    %dma_start3A_17 = tpu.memref_slice %arg4[%multiple_of3A_15] : memref<320000xi32, #tpu.memory_space<hbm>> -> memref<10000xi32, #tpu.memory_space<hbm>>
    tpu.enqueue_dma source(%dma_start3A_17 : memref<10000xi32, #tpu.memory_space<hbm>>) target(%arg8 : memref<10000xi32, #tpu.memory_space<vmem>>) target_semaphore(%arg16 : memref<!tpu.dma_semaphore, #tpu.memory_space<semaphore_mem>>)
    %dma_wait3A = arith.constant 0 : i32
    %dma_wait3A_18 = tpu.memref_slice %arg3[%dma_wait3A] : memref<320000xi32, #tpu.memory_space<hbm>> -> memref<10000xi32, #tpu.memory_space<hbm>>
    %dma_wait3A_19 = arith.constant 0 : i32
    %dma_wait3A_20 = tpu.memref_slice %arg3[%dma_wait3A_19] : memref<320000xi32, #tpu.memory_space<hbm>> -> memref<10000xi32, #tpu.memory_space<hbm>>
    tpu.wait_dma2 semaphore(%arg14 : memref<!tpu.dma_semaphore, #tpu.memory_space<semaphore_mem>>) src(%dma_wait3A_20 : memref<10000xi32, #tpu.memory_space<hbm>>) dst(%arg7 : memref<10000xi32, #tpu.memory_space<vmem>>)
    %dma_start3A_21 = arith.constant 0 : i32
    %dma_start3A_22 = tpu.memref_slice %arg7[%dma_start3A_21] : memref<10000xi32, #tpu.memory_space<vmem>> -> memref<80xi32, #tpu.memory_space<vmem>>
    %dma_start3A_23 = arith.constant 0 : i32
    %dma_start3A_24 = arith.constant 0 : i32
    %dma_start3A_25 = tpu.memref_slice %arg2[%dma_start3A_23, %dma_start3A_24] : memref<10000x128xf32, #tpu.memory_space<hbm>> -> memref<10000x128xf32, #tpu.memory_space<hbm>>
    tpu.enqueue_indirect_dma source(%dma_start3A_25 : memref<10000x128xf32, #tpu.memory_space<hbm>>) target(%arg9 : memref<80x128xf32, #tpu.memory_space<vmem>>) offsets(%dma_start3A_22 : memref<80xi32, #tpu.memory_space<vmem>>) semaphore(%arg13 : memref<!tpu.dma_semaphore, #tpu.memory_space<semaphore_mem>>)
    %dma_start3A_26 = arith.constant 80 : i32
    %dma_start3A_27 = tpu.memref_slice %arg7[%dma_start3A_26] : memref<10000xi32, #tpu.memory_space<vmem>> -> memref<80xi32, #tpu.memory_space<vmem>>
    %dma_start3A_28 = arith.constant 0 : i32
    %dma_start3A_29 = arith.constant 0 : i32
    %dma_start3A_30 = tpu.memref_slice %arg2[%dma_start3A_28, %dma_start3A_29] : memref<10000x128xf32, #tpu.memory_space<hbm>> -> memref<10000x128xf32, #tpu.memory_space<hbm>>
    tpu.enqueue_indirect_dma source(%dma_start3A_30 : memref<10000x128xf32, #tpu.memory_space<hbm>>) target(%arg10 : memref<80x128xf32, #tpu.memory_space<vmem>>) offsets(%dma_start3A_27 : memref<80xi32, #tpu.memory_space<vmem>>) semaphore(%arg14 : memref<!tpu.dma_semaphore, #tpu.memory_space<semaphore_mem>>)
    %dma_start3A_31 = arith.constant 160 : i32
    %dma_start3A_32 = tpu.memref_slice %arg7[%dma_start3A_31] : memref<10000xi32, #tpu.memory_space<vmem>> -> memref<80xi32, #tpu.memory_space<vmem>>
    %dma_start3A_33 = arith.constant 0 : i32
    %dma_start3A_34 = arith.constant 0 : i32
    %dma_start3A_35 = tpu.memref_slice %arg2[%dma_start3A_33, %dma_start3A_34] : memref<10000x128xf32, #tpu.memory_space<hbm>> -> memref<10000x128xf32, #tpu.memory_space<hbm>>
    tpu.enqueue_indirect_dma source(%dma_start3A_35 : memref<10000x128xf32, #tpu.memory_space<hbm>>) target(%arg11 : memref<80x128xf32, #tpu.memory_space<vmem>>) offsets(%dma_start3A_32 : memref<80xi32, #tpu.memory_space<vmem>>) semaphore(%arg15 : memref<!tpu.dma_semaphore, #tpu.memory_space<semaphore_mem>>)
    %convert_element_type3A_36 = arith.extui %eq3A_3 : i1 to i32
    %cond3A_37 = arith.constant 0 : i32
    %cond3A_38 = arith.cmpi ne, %convert_element_type3A_36, %cond3A_37 : i32
    scf.if %cond3A_38 {
      %dma_wait3A_73 = arith.constant 9480 : i32
      %dma_wait3A_74 = arith.constant 0 : i32
      %dma_wait3A_75 = tpu.memref_slice %arg12[%dma_wait3A_73, %dma_wait3A_74] : memref<10000x128xf32, #tpu.memory_space<vmem_shared>> -> memref<520x128xf32, #tpu.memory_space<vmem_shared>>
      %dma_wait3A_76 = arith.constant 9480 : i32
      %dma_wait3A_77 = arith.constant 0 : i32
      %dma_wait3A_78 = tpu.memref_slice %arg5[%dma_wait3A_76, %dma_wait3A_77] : memref<10000x128xf32, #tpu.memory_space<hbm>> -> memref<520x128xf32, #tpu.memory_space<hbm>>
      tpu.wait_dma2 semaphore(%arg17 : memref<!tpu.dma_semaphore, #tpu.memory_space<semaphore_mem>>) src(%dma_wait3A_78 : memref<520x128xf32, #tpu.memory_space<hbm>>) dst(%dma_wait3A_75 : memref<520x128xf32, #tpu.memory_space<vmem_shared>>)
    } else {
    }
    %not3A_39 = arith.constant true
    %not3A_40 = arith.xori %eq3A_3, %not3A_39 : i1
    %convert_element_type3A_41 = arith.extui %not3A_40 : i1 to i32
    %cond3A_42 = arith.constant 0 : i32
    %cond3A_43 = arith.cmpi ne, %convert_element_type3A_41, %cond3A_42 : i32
    scf.if %cond3A_43 {
      %dma_wait3A_73 = arith.constant 0 : i32
      %dma_wait3A_74 = tpu.memref_slice %arg12[%multiple_of3A, %dma_wait3A_73] : memref<10000x128xf32, #tpu.memory_space<vmem_shared>> -> memref<632x128xf32, #tpu.memory_space<vmem_shared>>
      %dma_wait3A_75 = arith.constant 0 : i32
      %dma_wait3A_76 = tpu.memref_slice %arg5[%multiple_of3A, %dma_wait3A_75] : memref<10000x128xf32, #tpu.memory_space<hbm>> -> memref<632x128xf32, #tpu.memory_space<hbm>>
      tpu.wait_dma2 semaphore(%arg17 : memref<!tpu.dma_semaphore, #tpu.memory_space<semaphore_mem>>) src(%dma_wait3A_76 : memref<632x128xf32, #tpu.memory_space<hbm>>) dst(%dma_wait3A_74 : memref<632x128xf32, #tpu.memory_space<vmem_shared>>)
    } else {
    }
    %dma_wait3A_44 = arith.constant 0 : i32
    %dma_wait3A_45 = tpu.memref_slice %arg4[%dma_wait3A_44] : memref<320000xi32, #tpu.memory_space<hbm>> -> memref<10000xi32, #tpu.memory_space<hbm>>
    %dma_wait3A_46 = arith.constant 0 : i32
    %dma_wait3A_47 = tpu.memref_slice %arg4[%dma_wait3A_46] : memref<320000xi32, #tpu.memory_space<hbm>> -> memref<10000xi32, #tpu.memory_space<hbm>>
    tpu.wait_dma2 semaphore(%arg16 : memref<!tpu.dma_semaphore, #tpu.memory_space<semaphore_mem>>) src(%dma_wait3A_47 : memref<10000xi32, #tpu.memory_space<hbm>>) dst(%arg8 : memref<10000xi32, #tpu.memory_space<vmem>>)
    %barrier3A = arith.constant 0 : index
    tpu.barrier barrier_id(%barrier3A)
    %scan3A = arith.constant 0 : i32
    %scan3A_48 = arith.constant 0 : i32
    %scan3A_49 = arith.constant 41 : i32
    %scan3A_50 = arith.addi %scan3A_48, %scan3A_49 : i32
    %scan3A_51 = arith.constant 1 : i32
    scf.for %scan3A_73 = %scan3A_48 to %scan3A_50 step %scan3A_51  : i32 {
      %mul3A_74 = arith.constant 3 : i32
      %mul3A_75 = arith.muli %mul3A_74, %scan3A_73 : i32
      %mul3A_76 = arith.constant 80 : i32
      %mul3A_77 = arith.muli %mul3A_75, %mul3A_76 : i32
      %dma_wait3A_78 = tpu.memref_slice %arg7[%mul3A_77] : memref<10000xi32, #tpu.memory_space<vmem>> -> memref<80xi32, #tpu.memory_space<vmem>>
      %dma_wait3A_79 = arith.constant 0 : i32
      %dma_wait3A_80 = arith.constant 0 : i32
      %dma_wait3A_81 = tpu.memref_slice %arg2[%dma_wait3A_79, %dma_wait3A_80] : memref<10000x128xf32, #tpu.memory_space<hbm>> -> memref<10000x128xf32, #tpu.memory_space<hbm>>
      tpu.wait_indirect_dma semaphore(%arg13 : memref<!tpu.dma_semaphore, #tpu.memory_space<semaphore_mem>>) src(%dma_wait3A_81 : memref<10000x128xf32, #tpu.memory_space<hbm>>) dst(%arg9 : memref<80x128xf32, #tpu.memory_space<vmem>>)
      %mul3A_82 = arith.constant 80 : i32
      %mul3A_83 = arith.muli %mul3A_75, %mul3A_82 : i32
      %dma_start3A_84 = tpu.memref_slice %arg8[%mul3A_83] : memref<10000xi32, #tpu.memory_space<vmem>> -> memref<80xi32, #tpu.memory_space<vmem>>
      %dma_start3A_85 = arith.constant 0 : i32
      %dma_start3A_86 = arith.constant 0 : i32
      %dma_start3A_87 = tpu.memref_slice %arg12[%dma_start3A_85, %dma_start3A_86] : memref<10000x128xf32, #tpu.memory_space<vmem_shared>> -> memref<10000x128xf32, #tpu.memory_space<vmem_shared>>
      tpu.enqueue_indirect_dma source(%arg9 : memref<80x128xf32, #tpu.memory_space<vmem>>) target(%dma_start3A_87 : memref<10000x128xf32, #tpu.memory_space<vmem_shared>>) offsets(%dma_start3A_84 : memref<80xi32, #tpu.memory_space<vmem>>) semaphore(%arg16 : memref<!tpu.dma_semaphore, #tpu.memory_space<semaphore_mem>>) {add = true}
      %add3A_88 = arith.constant 1 : i32
      %add3A_89 = arith.addi %mul3A_75, %add3A_88 : i32
      %mul3A_90 = arith.constant 80 : i32
      %mul3A_91 = arith.muli %add3A_89, %mul3A_90 : i32
      %dma_wait3A_92 = tpu.memref_slice %arg7[%mul3A_91] : memref<10000xi32, #tpu.memory_space<vmem>> -> memref<80xi32, #tpu.memory_space<vmem>>
      %dma_wait3A_93 = arith.constant 0 : i32
      %dma_wait3A_94 = arith.constant 0 : i32
      %dma_wait3A_95 = tpu.memref_slice %arg2[%dma_wait3A_93, %dma_wait3A_94] : memref<10000x128xf32, #tpu.memory_space<hbm>> -> memref<10000x128xf32, #tpu.memory_space<hbm>>
      tpu.wait_indirect_dma semaphore(%arg14 : memref<!tpu.dma_semaphore, #tpu.memory_space<semaphore_mem>>) src(%dma_wait3A_95 : memref<10000x128xf32, #tpu.memory_space<hbm>>) dst(%arg10 : memref<80x128xf32, #tpu.memory_space<vmem>>)
      %add3A_96 = arith.constant 1 : i32
      %add3A_97 = arith.addi %mul3A_75, %add3A_96 : i32
      %mul3A_98 = arith.constant 80 : i32
      %mul3A_99 = arith.muli %add3A_97, %mul3A_98 : i32
      %dma_start3A_100 = tpu.memref_slice %arg8[%mul3A_99] : memref<10000xi32, #tpu.memory_space<vmem>> -> memref<80xi32, #tpu.memory_space<vmem>>
      %dma_start3A_101 = arith.constant 0 : i32
      %dma_start3A_102 = arith.constant 0 : i32
      %dma_start3A_103 = tpu.memref_slice %arg12[%dma_start3A_101, %dma_start3A_102] : memref<10000x128xf32, #tpu.memory_space<vmem_shared>> -> memref<10000x128xf32, #tpu.memory_space<vmem_shared>>
      tpu.enqueue_indirect_dma source(%arg10 : memref<80x128xf32, #tpu.memory_space<vmem>>) target(%dma_start3A_103 : memref<10000x128xf32, #tpu.memory_space<vmem_shared>>) offsets(%dma_start3A_100 : memref<80xi32, #tpu.memory_space<vmem>>) semaphore(%arg17 : memref<!tpu.dma_semaphore, #tpu.memory_space<semaphore_mem>>) {add = true}
      %mul3A_104 = arith.constant 80 : i32
      %mul3A_105 = arith.muli %mul3A_75, %mul3A_104 : i32
      %dma_wait3A_106 = tpu.memref_slice %arg8[%mul3A_105] : memref<10000xi32, #tpu.memory_space<vmem>> -> memref<80xi32, #tpu.memory_space<vmem>>
      %dma_wait3A_107 = arith.constant 0 : i32
      %dma_wait3A_108 = arith.constant 0 : i32
      %dma_wait3A_109 = tpu.memref_slice %arg12[%dma_wait3A_107, %dma_wait3A_108] : memref<10000x128xf32, #tpu.memory_space<vmem_shared>> -> memref<10000x128xf32, #tpu.memory_space<vmem_shared>>
      tpu.wait_indirect_dma semaphore(%arg16 : memref<!tpu.dma_semaphore, #tpu.memory_space<semaphore_mem>>) src(%arg9 : memref<80x128xf32, #tpu.memory_space<vmem>>) dst(%dma_wait3A_109 : memref<10000x128xf32, #tpu.memory_space<vmem_shared>>)
      %add3A_110 = arith.constant 3 : i32
      %add3A_111 = arith.addi %mul3A_75, %add3A_110 : i32
      %lt3A_112 = arith.constant 125 : i32
      %lt3A_113 = arith.cmpi slt, %add3A_111, %lt3A_112 : i32
      %convert_element_type3A_114 = arith.extui %lt3A_113 : i1 to i32
      %cond3A_115 = arith.constant 0 : i32
      %cond3A_116 = arith.cmpi ne, %convert_element_type3A_114, %cond3A_115 : i32
      scf.if %cond3A_116 {
        %add3A_163 = arith.constant 3 : i32
        %add3A_164 = arith.addi %mul3A_75, %add3A_163 : i32
        %mul3A_165 = arith.constant 80 : i32
        %mul3A_166 = arith.muli %add3A_164, %mul3A_165 : i32
        %dma_start3A_167 = tpu.memref_slice %arg7[%mul3A_166] : memref<10000xi32, #tpu.memory_space<vmem>> -> memref<80xi32, #tpu.memory_space<vmem>>
        %dma_start3A_168 = arith.constant 0 : i32
        %dma_start3A_169 = arith.constant 0 : i32
        %dma_start3A_170 = tpu.memref_slice %arg2[%dma_start3A_168, %dma_start3A_169] : memref<10000x128xf32, #tpu.memory_space<hbm>> -> memref<10000x128xf32, #tpu.memory_space<hbm>>
        tpu.enqueue_indirect_dma source(%dma_start3A_170 : memref<10000x128xf32, #tpu.memory_space<hbm>>) target(%arg9 : memref<80x128xf32, #tpu.memory_space<vmem>>) offsets(%dma_start3A_167 : memref<80xi32, #tpu.memory_space<vmem>>) semaphore(%arg13 : memref<!tpu.dma_semaphore, #tpu.memory_space<semaphore_mem>>)
      } else {
      }
      %add3A_117 = arith.constant 2 : i32
      %add3A_118 = arith.addi %mul3A_75, %add3A_117 : i32
      %mul3A_119 = arith.constant 80 : i32
      %mul3A_120 = arith.muli %add3A_118, %mul3A_119 : i32
      %dma_wait3A_121 = tpu.memref_slice %arg7[%mul3A_120] : memref<10000xi32, #tpu.memory_space<vmem>> -> memref<80xi32, #tpu.memory_space<vmem>>
      %dma_wait3A_122 = arith.constant 0 : i32
      %dma_wait3A_123 = arith.constant 0 : i32
      %dma_wait3A_124 = tpu.memref_slice %arg2[%dma_wait3A_122, %dma_wait3A_123] : memref<10000x128xf32, #tpu.memory_space<hbm>> -> memref<10000x128xf32, #tpu.memory_space<hbm>>
      tpu.wait_indirect_dma semaphore(%arg15 : memref<!tpu.dma_semaphore, #tpu.memory_space<semaphore_mem>>) src(%dma_wait3A_124 : memref<10000x128xf32, #tpu.memory_space<hbm>>) dst(%arg11 : memref<80x128xf32, #tpu.memory_space<vmem>>)
      %add3A_125 = arith.constant 2 : i32
      %add3A_126 = arith.addi %mul3A_75, %add3A_125 : i32
      %mul3A_127 = arith.constant 80 : i32
      %mul3A_128 = arith.muli %add3A_126, %mul3A_127 : i32
      %dma_start3A_129 = tpu.memref_slice %arg8[%mul3A_128] : memref<10000xi32, #tpu.memory_space<vmem>> -> memref<80xi32, #tpu.memory_space<vmem>>
      %dma_start3A_130 = arith.constant 0 : i32
      %dma_start3A_131 = arith.constant 0 : i32
      %dma_start3A_132 = tpu.memref_slice %arg12[%dma_start3A_130, %dma_start3A_131] : memref<10000x128xf32, #tpu.memory_space<vmem_shared>> -> memref<10000x128xf32, #tpu.memory_space<vmem_shared>>
      tpu.enqueue_indirect_dma source(%arg11 : memref<80x128xf32, #tpu.memory_space<vmem>>) target(%dma_start3A_132 : memref<10000x128xf32, #tpu.memory_space<vmem_shared>>) offsets(%dma_start3A_129 : memref<80xi32, #tpu.memory_space<vmem>>) semaphore(%arg18 : memref<!tpu.dma_semaphore, #tpu.memory_space<semaphore_mem>>) {add = true}
      %add3A_133 = arith.constant 1 : i32
      %add3A_134 = arith.addi %mul3A_75, %add3A_133 : i32
      %mul3A_135 = arith.constant 80 : i32
      %mul3A_136 = arith.muli %add3A_134, %mul3A_135 : i32
      %dma_wait3A_137 = tpu.memref_slice %arg8[%mul3A_136] : memref<10000xi32, #tpu.memory_space<vmem>> -> memref<80xi32, #tpu.memory_space<vmem>>
      %dma_wait3A_138 = arith.constant 0 : i32
      %dma_wait3A_139 = arith.constant 0 : i32
      %dma_wait3A_140 = tpu.memref_slice %arg12[%dma_wait3A_138, %dma_wait3A_139] : memref<10000x128xf32, #tpu.memory_space<vmem_shared>> -> memref<10000x128xf32, #tpu.memory_space<vmem_shared>>
      tpu.wait_indirect_dma semaphore(%arg17 : memref<!tpu.dma_semaphore, #tpu.memory_space<semaphore_mem>>) src(%arg10 : memref<80x128xf32, #tpu.memory_space<vmem>>) dst(%dma_wait3A_140 : memref<10000x128xf32, #tpu.memory_space<vmem_shared>>)
      %add3A_141 = arith.constant 4 : i32
      %add3A_142 = arith.addi %mul3A_75, %add3A_141 : i32
      %lt3A_143 = arith.constant 125 : i32
      %lt3A_144 = arith.cmpi slt, %add3A_142, %lt3A_143 : i32
      %convert_element_type3A_145 = arith.extui %lt3A_144 : i1 to i32
      %cond3A_146 = arith.constant 0 : i32
      %cond3A_147 = arith.cmpi ne, %convert_element_type3A_145, %cond3A_146 : i32
      scf.if %cond3A_147 {
        %add3A_163 = arith.constant 4 : i32
        %add3A_164 = arith.addi %mul3A_75, %add3A_163 : i32
        %mul3A_165 = arith.constant 80 : i32
        %mul3A_166 = arith.muli %add3A_164, %mul3A_165 : i32
        %dma_start3A_167 = tpu.memref_slice %arg7[%mul3A_166] : memref<10000xi32, #tpu.memory_space<vmem>> -> memref<80xi32, #tpu.memory_space<vmem>>
        %dma_start3A_168 = arith.constant 0 : i32
        %dma_start3A_169 = arith.constant 0 : i32
        %dma_start3A_170 = tpu.memref_slice %arg2[%dma_start3A_168, %dma_start3A_169] : memref<10000x128xf32, #tpu.memory_space<hbm>> -> memref<10000x128xf32, #tpu.memory_space<hbm>>
        tpu.enqueue_indirect_dma source(%dma_start3A_170 : memref<10000x128xf32, #tpu.memory_space<hbm>>) target(%arg10 : memref<80x128xf32, #tpu.memory_space<vmem>>) offsets(%dma_start3A_167 : memref<80xi32, #tpu.memory_space<vmem>>) semaphore(%arg14 : memref<!tpu.dma_semaphore, #tpu.memory_space<semaphore_mem>>)
      } else {
      }
      %add3A_148 = arith.constant 2 : i32
      %add3A_149 = arith.addi %mul3A_75, %add3A_148 : i32
      %mul3A_150 = arith.constant 80 : i32
      %mul3A_151 = arith.muli %add3A_149, %mul3A_150 : i32
      %dma_wait3A_152 = tpu.memref_slice %arg8[%mul3A_151] : memref<10000xi32, #tpu.memory_space<vmem>> -> memref<80xi32, #tpu.memory_space<vmem>>
      %dma_wait3A_153 = arith.constant 0 : i32
      %dma_wait3A_154 = arith.constant 0 : i32
      %dma_wait3A_155 = tpu.memref_slice %arg12[%dma_wait3A_153, %dma_wait3A_154] : memref<10000x128xf32, #tpu.memory_space<vmem_shared>> -> memref<10000x128xf32, #tpu.memory_space<vmem_shared>>
      tpu.wait_indirect_dma semaphore(%arg18 : memref<!tpu.dma_semaphore, #tpu.memory_space<semaphore_mem>>) src(%arg11 : memref<80x128xf32, #tpu.memory_space<vmem>>) dst(%dma_wait3A_155 : memref<10000x128xf32, #tpu.memory_space<vmem_shared>>)
      %add3A_156 = arith.constant 5 : i32
      %add3A_157 = arith.addi %mul3A_75, %add3A_156 : i32
      %lt3A_158 = arith.constant 125 : i32
      %lt3A_159 = arith.cmpi slt, %add3A_157, %lt3A_158 : i32
      %convert_element_type3A_160 = arith.extui %lt3A_159 : i1 to i32
      %cond3A_161 = arith.constant 0 : i32
      %cond3A_162 = arith.cmpi ne, %convert_element_type3A_160, %cond3A_161 : i32
      scf.if %cond3A_162 {
        %add3A_163 = arith.constant 5 : i32
        %add3A_164 = arith.addi %mul3A_75, %add3A_163 : i32
        %mul3A_165 = arith.constant 80 : i32
        %mul3A_166 = arith.muli %add3A_164, %mul3A_165 : i32
        %dma_start3A_167 = tpu.memref_slice %arg7[%mul3A_166] : memref<10000xi32, #tpu.memory_space<vmem>> -> memref<80xi32, #tpu.memory_space<vmem>>
        %dma_start3A_168 = arith.constant 0 : i32
        %dma_start3A_169 = arith.constant 0 : i32
        %dma_start3A_170 = tpu.memref_slice %arg2[%dma_start3A_168, %dma_start3A_169] : memref<10000x128xf32, #tpu.memory_space<hbm>> -> memref<10000x128xf32, #tpu.memory_space<hbm>>
        tpu.enqueue_indirect_dma source(%dma_start3A_170 : memref<10000x128xf32, #tpu.memory_space<hbm>>) target(%arg11 : memref<80x128xf32, #tpu.memory_space<vmem>>) offsets(%dma_start3A_167 : memref<80xi32, #tpu.memory_space<vmem>>) semaphore(%arg15 : memref<!tpu.dma_semaphore, #tpu.memory_space<semaphore_mem>>)
      } else {
      }
    }
    %scan3A_52 = arith.constant 41 : i32
    %dma_wait3A_53 = arith.constant 9840 : i32
    %dma_wait3A_54 = tpu.memref_slice %arg7[%dma_wait3A_53] : memref<10000xi32, #tpu.memory_space<vmem>> -> memref<80xi32, #tpu.memory_space<vmem>>
    %dma_wait3A_55 = arith.constant 0 : i32
    %dma_wait3A_56 = arith.constant 0 : i32
    %dma_wait3A_57 = tpu.memref_slice %arg2[%dma_wait3A_55, %dma_wait3A_56] : memref<10000x128xf32, #tpu.memory_space<hbm>> -> memref<10000x128xf32, #tpu.memory_space<hbm>>
    tpu.wait_indirect_dma semaphore(%arg13 : memref<!tpu.dma_semaphore, #tpu.memory_space<semaphore_mem>>) src(%dma_wait3A_57 : memref<10000x128xf32, #tpu.memory_space<hbm>>) dst(%arg9 : memref<80x128xf32, #tpu.memory_space<vmem>>)
    "tpu.region"() ({
      %run_scoped3A = tpu.sem_alloc : memref<!tpu.dma_semaphore, #tpu.memory_space<semaphore_mem>>
      %dma_start3A_73 = arith.constant 9840 : i32
      %dma_start3A_74 = tpu.memref_slice %arg8[%dma_start3A_73] : memref<10000xi32, #tpu.memory_space<vmem>> -> memref<80xi32, #tpu.memory_space<vmem>>
      %dma_start3A_75 = arith.constant 0 : i32
      %dma_start3A_76 = arith.constant 0 : i32
      %dma_start3A_77 = tpu.memref_slice %arg12[%dma_start3A_75, %dma_start3A_76] : memref<10000x128xf32, #tpu.memory_space<vmem_shared>> -> memref<10000x128xf32, #tpu.memory_space<vmem_shared>>
      tpu.enqueue_indirect_dma source(%arg9 : memref<80x128xf32, #tpu.memory_space<vmem>>) target(%dma_start3A_77 : memref<10000x128xf32, #tpu.memory_space<vmem_shared>>) offsets(%dma_start3A_74 : memref<80xi32, #tpu.memory_space<vmem>>) semaphore(%run_scoped3A : memref<!tpu.dma_semaphore, #tpu.memory_space<semaphore_mem>>) {add = true}
      %dma_wait3A_78 = arith.constant 9840 : i32
      %dma_wait3A_79 = tpu.memref_slice %arg8[%dma_wait3A_78] : memref<10000xi32, #tpu.memory_space<vmem>> -> memref<80xi32, #tpu.memory_space<vmem>>
      %dma_wait3A_80 = arith.constant 0 : i32
      %dma_wait3A_81 = arith.constant 0 : i32
      %dma_wait3A_82 = tpu.memref_slice %arg12[%dma_wait3A_80, %dma_wait3A_81] : memref<10000x128xf32, #tpu.memory_space<vmem_shared>> -> memref<10000x128xf32, #tpu.memory_space<vmem_shared>>
      tpu.wait_indirect_dma semaphore(%run_scoped3A : memref<!tpu.dma_semaphore, #tpu.memory_space<semaphore_mem>>) src(%arg9 : memref<80x128xf32, #tpu.memory_space<vmem>>) dst(%dma_wait3A_82 : memref<10000x128xf32, #tpu.memory_space<vmem_shared>>)
      tpu.yield
    }) : () -> ()
    %dma_wait3A_58 = arith.constant 9920 : i32
    %dma_wait3A_59 = tpu.memref_slice %arg7[%dma_wait3A_58] : memref<10000xi32, #tpu.memory_space<vmem>> -> memref<80xi32, #tpu.memory_space<vmem>>
    %dma_wait3A_60 = arith.constant 0 : i32
    %dma_wait3A_61 = arith.constant 0 : i32
    %dma_wait3A_62 = tpu.memref_slice %arg2[%dma_wait3A_60, %dma_wait3A_61] : memref<10000x128xf32, #tpu.memory_space<hbm>> -> memref<10000x128xf32, #tpu.memory_space<hbm>>
    tpu.wait_indirect_dma semaphore(%arg14 : memref<!tpu.dma_semaphore, #tpu.memory_space<semaphore_mem>>) src(%dma_wait3A_62 : memref<10000x128xf32, #tpu.memory_space<hbm>>) dst(%arg10 : memref<80x128xf32, #tpu.memory_space<vmem>>)
    "tpu.region"() ({
      %run_scoped3A = tpu.sem_alloc : memref<!tpu.dma_semaphore, #tpu.memory_space<semaphore_mem>>
      %dma_start3A_73 = arith.constant 9920 : i32
      %dma_start3A_74 = tpu.memref_slice %arg8[%dma_start3A_73] : memref<10000xi32, #tpu.memory_space<vmem>> -> memref<80xi32, #tpu.memory_space<vmem>>
      %dma_start3A_75 = arith.constant 0 : i32
      %dma_start3A_76 = arith.constant 0 : i32
      %dma_start3A_77 = tpu.memref_slice %arg12[%dma_start3A_75, %dma_start3A_76] : memref<10000x128xf32, #tpu.memory_space<vmem_shared>> -> memref<10000x128xf32, #tpu.memory_space<vmem_shared>>
      tpu.enqueue_indirect_dma source(%arg10 : memref<80x128xf32, #tpu.memory_space<vmem>>) target(%dma_start3A_77 : memref<10000x128xf32, #tpu.memory_space<vmem_shared>>) offsets(%dma_start3A_74 : memref<80xi32, #tpu.memory_space<vmem>>) semaphore(%run_scoped3A : memref<!tpu.dma_semaphore, #tpu.memory_space<semaphore_mem>>) {add = true}
      %dma_wait3A_78 = arith.constant 9920 : i32
      %dma_wait3A_79 = tpu.memref_slice %arg8[%dma_wait3A_78] : memref<10000xi32, #tpu.memory_space<vmem>> -> memref<80xi32, #tpu.memory_space<vmem>>
      %dma_wait3A_80 = arith.constant 0 : i32
      %dma_wait3A_81 = arith.constant 0 : i32
      %dma_wait3A_82 = tpu.memref_slice %arg12[%dma_wait3A_80, %dma_wait3A_81] : memref<10000x128xf32, #tpu.memory_space<vmem_shared>> -> memref<10000x128xf32, #tpu.memory_space<vmem_shared>>
      tpu.wait_indirect_dma semaphore(%run_scoped3A : memref<!tpu.dma_semaphore, #tpu.memory_space<semaphore_mem>>) src(%arg10 : memref<80x128xf32, #tpu.memory_space<vmem>>) dst(%dma_wait3A_82 : memref<10000x128xf32, #tpu.memory_space<vmem_shared>>)
      tpu.yield
    }) : () -> ()
    %barrier3A_63 = arith.constant 0 : index
    tpu.barrier barrier_id(%barrier3A_63)
    %lt3A = arith.constant 15 : i32
    %lt3A_64 = arith.cmpi slt, %arg1, %lt3A : i32
    %convert_element_type3A_65 = arith.extui %lt3A_64 : i1 to i32
    %cond3A_66 = arith.constant 0 : i32
    %cond3A_67 = arith.cmpi ne, %convert_element_type3A_65, %cond3A_66 : i32
    scf.if %cond3A_67 {
      "tpu.region"() ({
        %run_scoped3A = tpu.sem_alloc : memref<!tpu.dma_semaphore, #tpu.memory_space<semaphore_mem>>
        %dma_start3A_73 = arith.constant 0 : i32
        %dma_start3A_74 = tpu.memref_slice %arg6[%arg0, %multiple_of3A, %dma_start3A_73] : memref<2x10000x128xf32, #tpu.memory_space<hbm>> -> memref<1x632x128xf32, #tpu.memory_space<hbm>>
        %dma_start3A_75 = tpu.memref_squeeze %dma_start3A_74 : memref<1x632x128xf32, #tpu.memory_space<hbm>> -> memref<632x128xf32, #tpu.memory_space<hbm>>
        %dma_start3A_76 = arith.constant 0 : i32
        %dma_start3A_77 = tpu.memref_slice %arg12[%multiple_of3A, %dma_start3A_76] : memref<10000x128xf32, #tpu.memory_space<vmem_shared>> -> memref<632x128xf32, #tpu.memory_space<vmem_shared>>
        tpu.enqueue_dma source(%dma_start3A_77 : memref<632x128xf32, #tpu.memory_space<vmem_shared>>) target(%dma_start3A_75 : memref<632x128xf32, #tpu.memory_space<hbm>>) target_semaphore(%run_scoped3A : memref<!tpu.dma_semaphore, #tpu.memory_space<semaphore_mem>>)
        %dma_wait3A_78 = arith.constant 0 : i32
        %dma_wait3A_79 = tpu.memref_slice %arg6[%arg0, %multiple_of3A, %dma_wait3A_78] : memref<2x10000x128xf32, #tpu.memory_space<hbm>> -> memref<1x632x128xf32, #tpu.memory_space<hbm>>
        %dma_wait3A_80 = tpu.memref_squeeze %dma_wait3A_79 : memref<1x632x128xf32, #tpu.memory_space<hbm>> -> memref<632x128xf32, #tpu.memory_space<hbm>>
        %dma_wait3A_81 = arith.constant 0 : i32
        %dma_wait3A_82 = tpu.memref_slice %arg12[%multiple_of3A, %dma_wait3A_81] : memref<10000x128xf32, #tpu.memory_space<vmem_shared>> -> memref<632x128xf32, #tpu.memory_space<vmem_shared>>
        tpu.wait_dma2 semaphore(%run_scoped3A : memref<!tpu.dma_semaphore, #tpu.memory_space<semaphore_mem>>) src(%dma_wait3A_82 : memref<632x128xf32, #tpu.memory_space<vmem_shared>>) dst(%dma_wait3A_80 : memref<632x128xf32, #tpu.memory_space<hbm>>)
        tpu.yield
      }) : () -> ()
    } else {
    }
    %eq3A_68 = arith.constant 15 : i32
    %eq3A_69 = arith.cmpi eq, %arg1, %eq3A_68 : i32
    %convert_element_type3A_70 = arith.extui %eq3A_69 : i1 to i32
    %cond3A_71 = arith.constant 0 : i32
    %cond3A_72 = arith.cmpi ne, %convert_element_type3A_70, %cond3A_71 : i32
    scf.if %cond3A_72 {
      "tpu.region"() ({
        %run_scoped3A = tpu.sem_alloc : memref<!tpu.dma_semaphore, #tpu.memory_space<semaphore_mem>>
        %dma_start3A_73 = arith.constant 9480 : i32
        %dma_start3A_74 = arith.constant 0 : i32
        %dma_start3A_75 = tpu.memref_slice %arg6[%arg0, %dma_start3A_73, %dma_start3A_74] : memref<2x10000x128xf32, #tpu.memory_space<hbm>> -> memref<1x520x128xf32, #tpu.memory_space<hbm>>
        %dma_start3A_76 = tpu.memref_squeeze %dma_start3A_75 : memref<1x520x128xf32, #tpu.memory_space<hbm>> -> memref<520x128xf32, #tpu.memory_space<hbm>>
        %dma_start3A_77 = arith.constant 9480 : i32
        %dma_start3A_78 = arith.constant 0 : i32
        %dma_start3A_79 = tpu.memref_slice %arg12[%dma_start3A_77, %dma_start3A_78] : memref<10000x128xf32, #tpu.memory_space<vmem_shared>> -> memref<520x128xf32, #tpu.memory_space<vmem_shared>>
        tpu.enqueue_dma source(%dma_start3A_79 : memref<520x128xf32, #tpu.memory_space<vmem_shared>>) target(%dma_start3A_76 : memref<520x128xf32, #tpu.memory_space<hbm>>) target_semaphore(%run_scoped3A : memref<!tpu.dma_semaphore, #tpu.memory_space<semaphore_mem>>)
        %dma_wait3A_80 = arith.constant 9480 : i32
        %dma_wait3A_81 = arith.constant 0 : i32
        %dma_wait3A_82 = tpu.memref_slice %arg6[%arg0, %dma_wait3A_80, %dma_wait3A_81] : memref<2x10000x128xf32, #tpu.memory_space<hbm>> -> memref<1x520x128xf32, #tpu.memory_space<hbm>>
        %dma_wait3A_83 = tpu.memref_squeeze %dma_wait3A_82 : memref<1x520x128xf32, #tpu.memory_space<hbm>> -> memref<520x128xf32, #tpu.memory_space<hbm>>
        %dma_wait3A_84 = arith.constant 9480 : i32
        %dma_wait3A_85 = arith.constant 0 : i32
        %dma_wait3A_86 = tpu.memref_slice %arg12[%dma_wait3A_84, %dma_wait3A_85] : memref<10000x128xf32, #tpu.memory_space<vmem_shared>> -> memref<520x128xf32, #tpu.memory_space<vmem_shared>>
        tpu.wait_dma2 semaphore(%run_scoped3A : memref<!tpu.dma_semaphore, #tpu.memory_space<semaphore_mem>>) src(%dma_wait3A_86 : memref<520x128xf32, #tpu.memory_space<vmem_shared>>) dst(%dma_wait3A_83 : memref<520x128xf32, #tpu.memory_space<hbm>>)
        tpu.yield
      }) : () -> ()
    } else {
    }
    return
  }
}

#map = affine_map<(d0, d1) -> (0, 0)>
#map1 = affine_map<(d0, d1) -> (0)>
#map2 = affine_map<(d0, d1) -> (0, 0, 0)>
module attributes {stable_mosaic.version = 14 : i64} {
  func.func @_sc_agg_body(%arg0: i32, %arg1: i32, %arg2: memref<10000x128xf32, #tpu.memory_space<hbm>>, %arg3: memref<320000xi32, #tpu.memory_space<hbm>>, %arg4: memref<320000xi32, #tpu.memory_space<hbm>>, %arg5: memref<10000x128xf32, #tpu.memory_space<hbm>>, %arg6: memref<2x10000x128xf32, #tpu.memory_space<hbm>>, %arg7: memref<10000xi32, #tpu.memory_space<vmem>>, %arg8: memref<10000xi32, #tpu.memory_space<vmem>>, %arg9: memref<80x128xf32, #tpu.memory_space<vmem>>, %arg10: memref<80x128xf32, #tpu.memory_space<vmem>>, %arg11: memref<80x128xf32, #tpu.memory_space<vmem>>, %arg12: memref<10000x128xf32, #tpu.memory_space<vmem_shared>>, %arg13: memref<!tpu.dma_semaphore, #tpu.memory_space<semaphore_mem>>, %arg14: memref<!tpu.dma_semaphore, #tpu.memory_space<semaphore_mem>>, %arg15: memref<!tpu.dma_semaphore, #tpu.memory_space<semaphore_mem>>, %arg16: memref<!tpu.dma_semaphore, #tpu.memory_space<semaphore_mem>>, %arg17: memref<!tpu.dma_semaphore, #tpu.memory_space<semaphore_mem>>, %arg18: memref<!tpu.dma_semaphore, #tpu.memory_space<semaphore_mem>>) attributes {dimension_semantics = [#tpu.dimension_semantics<core_parallel>, #tpu.dimension_semantics<subcore_parallel>], iteration_bounds = array<i64: 2, 16>, scalar_prefetch = 0 : i64, scratch_operands = 12 : i64, tpu.core_type = #tpu.core_type<sc_vector_subcore>, window_params = [{transform_indices = #map}, {transform_indices = #map1}, {transform_indices = #map1}, {transform_indices = #map}, {transform_indices = #map2}]} {
    %mul3A = arith.constant 2 : i32
    %mul3A_0 = arith.muli %arg1, %mul3A : i32
    %add3A = arith.addi %mul3A_0, %arg0 : i32
    %mul3A_1 = arith.constant 632 : i32
    %mul3A_2 = arith.muli %arg1, %mul3A_1 : i32
    %multiple_of3A = tpu.assume_multiple %mul3A_2, 8 : i32
    %eq3A = arith.constant 15 : i32
    %eq3A_3 = arith.cmpi eq, %arg1, %eq3A : i32
    %convert_element_type3A = arith.extui %eq3A_3 : i1 to i32
    %cond3A = arith.constant 0 : i32
    %cond3A_4 = arith.cmpi ne, %convert_element_type3A, %cond3A : i32
    scf.if %cond3A_4 {
      %eq3A_73 = arith.constant 0 : i32
      %eq3A_74 = arith.cmpi eq, %arg0, %eq3A_73 : i32
      %convert_element_type3A_75 = arith.extui %eq3A_74 : i1 to i32
      %cond3A_76 = arith.constant 0 : i32
      %cond3A_77 = arith.cmpi ne, %convert_element_type3A_75, %cond3A_76 : i32
      scf.if %cond3A_77 {
        %dma_start3A_82 = arith.constant 9480 : i32
        %dma_start3A_83 = arith.constant 0 : i32
        %dma_start3A_84 = tpu.memref_slice %arg12[%dma_start3A_82, %dma_start3A_83] : memref<10000x128xf32, #tpu.memory_space<vmem_shared>> -> memref<520x128xf32, #tpu.memory_space<vmem_shared>>
        %dma_start3A_85 = arith.constant 9480 : i32
        %dma_start3A_86 = arith.constant 0 : i32
        %dma_start3A_87 = tpu.memref_slice %arg2[%dma_start3A_85, %dma_start3A_86] : memref<10000x128xf32, #tpu.memory_space<hbm>> -> memref<520x128xf32, #tpu.memory_space<hbm>>
        tpu.enqueue_dma source(%dma_start3A_87 : memref<520x128xf32, #tpu.memory_space<hbm>>) target(%dma_start3A_84 : memref<520x128xf32, #tpu.memory_space<vmem_shared>>) target_semaphore(%arg17 : memref<!tpu.dma_semaphore, #tpu.memory_space<semaphore_mem>>)
      } else {
      }
      %ne3A = arith.constant 0 : i32
      %ne3A_78 = arith.cmpi ne, %arg0, %ne3A : i32
      %convert_element_type3A_79 = arith.extui %ne3A_78 : i1 to i32
      %cond3A_80 = arith.constant 0 : i32
      %cond3A_81 = arith.cmpi ne, %convert_element_type3A_79, %cond3A_80 : i32
      scf.if %cond3A_81 {
        %dma_start3A_82 = arith.constant 9480 : i32
        %dma_start3A_83 = arith.constant 0 : i32
        %dma_start3A_84 = tpu.memref_slice %arg12[%dma_start3A_82, %dma_start3A_83] : memref<10000x128xf32, #tpu.memory_space<vmem_shared>> -> memref<520x128xf32, #tpu.memory_space<vmem_shared>>
        %dma_start3A_85 = arith.constant 9480 : i32
        %dma_start3A_86 = arith.constant 0 : i32
        %dma_start3A_87 = tpu.memref_slice %arg5[%dma_start3A_85, %dma_start3A_86] : memref<10000x128xf32, #tpu.memory_space<hbm>> -> memref<520x128xf32, #tpu.memory_space<hbm>>
        tpu.enqueue_dma source(%dma_start3A_87 : memref<520x128xf32, #tpu.memory_space<hbm>>) target(%dma_start3A_84 : memref<520x128xf32, #tpu.memory_space<vmem_shared>>) target_semaphore(%arg17 : memref<!tpu.dma_semaphore, #tpu.memory_space<semaphore_mem>>)
      } else {
      }
    } else {
    }
    %not3A = arith.constant true
    %not3A_5 = arith.xori %eq3A_3, %not3A : i1
    %convert_element_type3A_6 = arith.extui %not3A_5 : i1 to i32
    %cond3A_7 = arith.constant 0 : i32
    %cond3A_8 = arith.cmpi ne, %convert_element_type3A_6, %cond3A_7 : i32
    scf.if %cond3A_8 {
      %eq3A_73 = arith.constant 0 : i32
      %eq3A_74 = arith.cmpi eq, %arg0, %eq3A_73 : i32
      %convert_element_type3A_75 = arith.extui %eq3A_74 : i1 to i32
      %cond3A_76 = arith.constant 0 : i32
      %cond3A_77 = arith.cmpi ne, %convert_element_type3A_75, %cond3A_76 : i32
      scf.if %cond3A_77 {
        %dma_start3A_82 = arith.constant 0 : i32
        %dma_start3A_83 = tpu.memref_slice %arg12[%multiple_of3A, %dma_start3A_82] : memref<10000x128xf32, #tpu.memory_space<vmem_shared>> -> memref<632x128xf32, #tpu.memory_space<vmem_shared>>
        %dma_start3A_84 = arith.constant 0 : i32
        %dma_start3A_85 = tpu.memref_slice %arg2[%multiple_of3A, %dma_start3A_84] : memref<10000x128xf32, #tpu.memory_space<hbm>> -> memref<632x128xf32, #tpu.memory_space<hbm>>
        tpu.enqueue_dma source(%dma_start3A_85 : memref<632x128xf32, #tpu.memory_space<hbm>>) target(%dma_start3A_83 : memref<632x128xf32, #tpu.memory_space<vmem_shared>>) target_semaphore(%arg17 : memref<!tpu.dma_semaphore, #tpu.memory_space<semaphore_mem>>)
      } else {
      }
      %ne3A = arith.constant 0 : i32
      %ne3A_78 = arith.cmpi ne, %arg0, %ne3A : i32
      %convert_element_type3A_79 = arith.extui %ne3A_78 : i1 to i32
      %cond3A_80 = arith.constant 0 : i32
      %cond3A_81 = arith.cmpi ne, %convert_element_type3A_79, %cond3A_80 : i32
      scf.if %cond3A_81 {
        %dma_start3A_82 = arith.constant 0 : i32
        %dma_start3A_83 = tpu.memref_slice %arg12[%multiple_of3A, %dma_start3A_82] : memref<10000x128xf32, #tpu.memory_space<vmem_shared>> -> memref<632x128xf32, #tpu.memory_space<vmem_shared>>
        %dma_start3A_84 = arith.constant 0 : i32
        %dma_start3A_85 = tpu.memref_slice %arg5[%multiple_of3A, %dma_start3A_84] : memref<10000x128xf32, #tpu.memory_space<hbm>> -> memref<632x128xf32, #tpu.memory_space<hbm>>
        tpu.enqueue_dma source(%dma_start3A_85 : memref<632x128xf32, #tpu.memory_space<hbm>>) target(%dma_start3A_83 : memref<632x128xf32, #tpu.memory_space<vmem_shared>>) target_semaphore(%arg17 : memref<!tpu.dma_semaphore, #tpu.memory_space<semaphore_mem>>)
      } else {
      }
    } else {
    }
    %mul3A_9 = arith.constant 10000 : i32
    %mul3A_10 = arith.muli %add3A, %mul3A_9 : i32
    %multiple_of3A_11 = tpu.assume_multiple %mul3A_10, 8 : i32
    %dma_start3A = tpu.memref_slice %arg3[%multiple_of3A_11] : memref<320000xi32, #tpu.memory_space<hbm>> -> memref<10000xi32, #tpu.memory_space<hbm>>
    %dma_start3A_12 = tpu.memref_slice %arg3[%multiple_of3A_11] : memref<320000xi32, #tpu.memory_space<hbm>> -> memref<10000xi32, #tpu.memory_space<hbm>>
    tpu.enqueue_dma source(%dma_start3A_12 : memref<10000xi32, #tpu.memory_space<hbm>>) target(%arg7 : memref<10000xi32, #tpu.memory_space<vmem>>) target_semaphore(%arg14 : memref<!tpu.dma_semaphore, #tpu.memory_space<semaphore_mem>>)
    %mul3A_13 = arith.constant 10000 : i32
    %mul3A_14 = arith.muli %add3A, %mul3A_13 : i32
    %multiple_of3A_15 = tpu.assume_multiple %mul3A_14, 8 : i32
    %dma_start3A_16 = tpu.memref_slice %arg4[%multiple_of3A_15] : memref<320000xi32, #tpu.memory_space<hbm>> -> memref<10000xi32, #tpu.memory_space<hbm>>
    %dma_start3A_17 = tpu.memref_slice %arg4[%multiple_of3A_15] : memref<320000xi32, #tpu.memory_space<hbm>> -> memref<10000xi32, #tpu.memory_space<hbm>>
    tpu.enqueue_dma source(%dma_start3A_17 : memref<10000xi32, #tpu.memory_space<hbm>>) target(%arg8 : memref<10000xi32, #tpu.memory_space<vmem>>) target_semaphore(%arg16 : memref<!tpu.dma_semaphore, #tpu.memory_space<semaphore_mem>>)
    %dma_wait3A = arith.constant 0 : i32
    %dma_wait3A_18 = tpu.memref_slice %arg3[%dma_wait3A] : memref<320000xi32, #tpu.memory_space<hbm>> -> memref<10000xi32, #tpu.memory_space<hbm>>
    %dma_wait3A_19 = arith.constant 0 : i32
    %dma_wait3A_20 = tpu.memref_slice %arg3[%dma_wait3A_19] : memref<320000xi32, #tpu.memory_space<hbm>> -> memref<10000xi32, #tpu.memory_space<hbm>>
    tpu.wait_dma2 semaphore(%arg14 : memref<!tpu.dma_semaphore, #tpu.memory_space<semaphore_mem>>) src(%dma_wait3A_20 : memref<10000xi32, #tpu.memory_space<hbm>>) dst(%arg7 : memref<10000xi32, #tpu.memory_space<vmem>>)
    %dma_start3A_21 = arith.constant 0 : i32
    %dma_start3A_22 = tpu.memref_slice %arg7[%dma_start3A_21] : memref<10000xi32, #tpu.memory_space<vmem>> -> memref<80xi32, #tpu.memory_space<vmem>>
    %dma_start3A_23 = arith.constant 0 : i32
    %dma_start3A_24 = arith.constant 0 : i32
    %dma_start3A_25 = tpu.memref_slice %arg2[%dma_start3A_23, %dma_start3A_24] : memref<10000x128xf32, #tpu.memory_space<hbm>> -> memref<10000x128xf32, #tpu.memory_space<hbm>>
    tpu.enqueue_indirect_dma source(%dma_start3A_25 : memref<10000x128xf32, #tpu.memory_space<hbm>>) target(%arg9 : memref<80x128xf32, #tpu.memory_space<vmem>>) offsets(%dma_start3A_22 : memref<80xi32, #tpu.memory_space<vmem>>) semaphore(%arg13 : memref<!tpu.dma_semaphore, #tpu.memory_space<semaphore_mem>>)
    %dma_start3A_26 = arith.constant 80 : i32
    %dma_start3A_27 = tpu.memref_slice %arg7[%dma_start3A_26] : memref<10000xi32, #tpu.memory_space<vmem>> -> memref<80xi32, #tpu.memory_space<vmem>>
    %dma_start3A_28 = arith.constant 0 : i32
    %dma_start3A_29 = arith.constant 0 : i32
    %dma_start3A_30 = tpu.memref_slice %arg2[%dma_start3A_28, %dma_start3A_29] : memref<10000x128xf32, #tpu.memory_space<hbm>> -> memref<10000x128xf32, #tpu.memory_space<hbm>>
    tpu.enqueue_indirect_dma source(%dma_start3A_30 : memref<10000x128xf32, #tpu.memory_space<hbm>>) target(%arg10 : memref<80x128xf32, #tpu.memory_space<vmem>>) offsets(%dma_start3A_27 : memref<80xi32, #tpu.memory_space<vmem>>) semaphore(%arg14 : memref<!tpu.dma_semaphore, #tpu.memory_space<semaphore_mem>>)
    %dma_start3A_31 = arith.constant 160 : i32
    %dma_start3A_32 = tpu.memref_slice %arg7[%dma_start3A_31] : memref<10000xi32, #tpu.memory_space<vmem>> -> memref<80xi32, #tpu.memory_space<vmem>>
    %dma_start3A_33 = arith.constant 0 : i32
    %dma_start3A_34 = arith.constant 0 : i32
    %dma_start3A_35 = tpu.memref_slice %arg2[%dma_start3A_33, %dma_start3A_34] : memref<10000x128xf32, #tpu.memory_space<hbm>> -> memref<10000x128xf32, #tpu.memory_space<hbm>>
    tpu.enqueue_indirect_dma source(%dma_start3A_35 : memref<10000x128xf32, #tpu.memory_space<hbm>>) target(%arg11 : memref<80x128xf32, #tpu.memory_space<vmem>>) offsets(%dma_start3A_32 : memref<80xi32, #tpu.memory_space<vmem>>) semaphore(%arg15 : memref<!tpu.dma_semaphore, #tpu.memory_space<semaphore_mem>>)
    %convert_element_type3A_36 = arith.extui %eq3A_3 : i1 to i32
    %cond3A_37 = arith.constant 0 : i32
    %cond3A_38 = arith.cmpi ne, %convert_element_type3A_36, %cond3A_37 : i32
    scf.if %cond3A_38 {
      %dma_wait3A_73 = arith.constant 9480 : i32
      %dma_wait3A_74 = arith.constant 0 : i32
      %dma_wait3A_75 = tpu.memref_slice %arg12[%dma_wait3A_73, %dma_wait3A_74] : memref<10000x128xf32, #tpu.memory_space<vmem_shared>> -> memref<520x128xf32, #tpu.memory_space<vmem_shared>>
      %dma_wait3A_76 = arith.constant 9480 : i32
      %dma_wait3A_77 = arith.constant 0 : i32
      %dma_wait3A_78 = tpu.memref_slice %arg5[%dma_wait3A_76, %dma_wait3A_77] : memref<10000x128xf32, #tpu.memory_space<hbm>> -> memref<520x128xf32, #tpu.memory_space<hbm>>
      tpu.wait_dma2 semaphore(%arg17 : memref<!tpu.dma_semaphore, #tpu.memory_space<semaphore_mem>>) src(%dma_wait3A_78 : memref<520x128xf32, #tpu.memory_space<hbm>>) dst(%dma_wait3A_75 : memref<520x128xf32, #tpu.memory_space<vmem_shared>>)
    } else {
    }
    %not3A_39 = arith.constant true
    %not3A_40 = arith.xori %eq3A_3, %not3A_39 : i1
    %convert_element_type3A_41 = arith.extui %not3A_40 : i1 to i32
    %cond3A_42 = arith.constant 0 : i32
    %cond3A_43 = arith.cmpi ne, %convert_element_type3A_41, %cond3A_42 : i32
    scf.if %cond3A_43 {
      %dma_wait3A_73 = arith.constant 0 : i32
      %dma_wait3A_74 = tpu.memref_slice %arg12[%multiple_of3A, %dma_wait3A_73] : memref<10000x128xf32, #tpu.memory_space<vmem_shared>> -> memref<632x128xf32, #tpu.memory_space<vmem_shared>>
      %dma_wait3A_75 = arith.constant 0 : i32
      %dma_wait3A_76 = tpu.memref_slice %arg5[%multiple_of3A, %dma_wait3A_75] : memref<10000x128xf32, #tpu.memory_space<hbm>> -> memref<632x128xf32, #tpu.memory_space<hbm>>
      tpu.wait_dma2 semaphore(%arg17 : memref<!tpu.dma_semaphore, #tpu.memory_space<semaphore_mem>>) src(%dma_wait3A_76 : memref<632x128xf32, #tpu.memory_space<hbm>>) dst(%dma_wait3A_74 : memref<632x128xf32, #tpu.memory_space<vmem_shared>>)
    } else {
    }
    %dma_wait3A_44 = arith.constant 0 : i32
    %dma_wait3A_45 = tpu.memref_slice %arg4[%dma_wait3A_44] : memref<320000xi32, #tpu.memory_space<hbm>> -> memref<10000xi32, #tpu.memory_space<hbm>>
    %dma_wait3A_46 = arith.constant 0 : i32
    %dma_wait3A_47 = tpu.memref_slice %arg4[%dma_wait3A_46] : memref<320000xi32, #tpu.memory_space<hbm>> -> memref<10000xi32, #tpu.memory_space<hbm>>
    tpu.wait_dma2 semaphore(%arg16 : memref<!tpu.dma_semaphore, #tpu.memory_space<semaphore_mem>>) src(%dma_wait3A_47 : memref<10000xi32, #tpu.memory_space<hbm>>) dst(%arg8 : memref<10000xi32, #tpu.memory_space<vmem>>)
    %barrier3A = arith.constant 0 : index
    tpu.barrier barrier_id(%barrier3A)
    %scan3A = arith.constant 0 : i32
    %scan3A_48 = arith.constant 0 : i32
    %scan3A_49 = arith.constant 41 : i32
    %scan3A_50 = arith.addi %scan3A_48, %scan3A_49 : i32
    %scan3A_51 = arith.constant 1 : i32
    scf.for %scan3A_73 = %scan3A_48 to %scan3A_50 step %scan3A_51  : i32 {
      %mul3A_74 = arith.constant 3 : i32
      %mul3A_75 = arith.muli %mul3A_74, %scan3A_73 : i32
      %mul3A_76 = arith.constant 80 : i32
      %mul3A_77 = arith.muli %mul3A_75, %mul3A_76 : i32
      %dma_wait3A_78 = tpu.memref_slice %arg7[%mul3A_77] : memref<10000xi32, #tpu.memory_space<vmem>> -> memref<80xi32, #tpu.memory_space<vmem>>
      %dma_wait3A_79 = arith.constant 0 : i32
      %dma_wait3A_80 = arith.constant 0 : i32
      %dma_wait3A_81 = tpu.memref_slice %arg2[%dma_wait3A_79, %dma_wait3A_80] : memref<10000x128xf32, #tpu.memory_space<hbm>> -> memref<10000x128xf32, #tpu.memory_space<hbm>>
      tpu.wait_indirect_dma semaphore(%arg13 : memref<!tpu.dma_semaphore, #tpu.memory_space<semaphore_mem>>) src(%dma_wait3A_81 : memref<10000x128xf32, #tpu.memory_space<hbm>>) dst(%arg9 : memref<80x128xf32, #tpu.memory_space<vmem>>)
      %mul3A_82 = arith.constant 80 : i32
      %mul3A_83 = arith.muli %mul3A_75, %mul3A_82 : i32
      %dma_start3A_84 = tpu.memref_slice %arg8[%mul3A_83] : memref<10000xi32, #tpu.memory_space<vmem>> -> memref<80xi32, #tpu.memory_space<vmem>>
      %dma_start3A_85 = arith.constant 0 : i32
      %dma_start3A_86 = arith.constant 0 : i32
      %dma_start3A_87 = tpu.memref_slice %arg12[%dma_start3A_85, %dma_start3A_86] : memref<10000x128xf32, #tpu.memory_space<vmem_shared>> -> memref<10000x128xf32, #tpu.memory_space<vmem_shared>>
      tpu.enqueue_indirect_dma source(%arg9 : memref<80x128xf32, #tpu.memory_space<vmem>>) target(%dma_start3A_87 : memref<10000x128xf32, #tpu.memory_space<vmem_shared>>) offsets(%dma_start3A_84 : memref<80xi32, #tpu.memory_space<vmem>>) semaphore(%arg16 : memref<!tpu.dma_semaphore, #tpu.memory_space<semaphore_mem>>) {add = true}
      %add3A_88 = arith.constant 1 : i32
      %add3A_89 = arith.addi %mul3A_75, %add3A_88 : i32
      %mul3A_90 = arith.constant 80 : i32
      %mul3A_91 = arith.muli %add3A_89, %mul3A_90 : i32
      %dma_wait3A_92 = tpu.memref_slice %arg7[%mul3A_91] : memref<10000xi32, #tpu.memory_space<vmem>> -> memref<80xi32, #tpu.memory_space<vmem>>
      %dma_wait3A_93 = arith.constant 0 : i32
      %dma_wait3A_94 = arith.constant 0 : i32
      %dma_wait3A_95 = tpu.memref_slice %arg2[%dma_wait3A_93, %dma_wait3A_94] : memref<10000x128xf32, #tpu.memory_space<hbm>> -> memref<10000x128xf32, #tpu.memory_space<hbm>>
      tpu.wait_indirect_dma semaphore(%arg14 : memref<!tpu.dma_semaphore, #tpu.memory_space<semaphore_mem>>) src(%dma_wait3A_95 : memref<10000x128xf32, #tpu.memory_space<hbm>>) dst(%arg10 : memref<80x128xf32, #tpu.memory_space<vmem>>)
      %add3A_96 = arith.constant 1 : i32
      %add3A_97 = arith.addi %mul3A_75, %add3A_96 : i32
      %mul3A_98 = arith.constant 80 : i32
      %mul3A_99 = arith.muli %add3A_97, %mul3A_98 : i32
      %dma_start3A_100 = tpu.memref_slice %arg8[%mul3A_99] : memref<10000xi32, #tpu.memory_space<vmem>> -> memref<80xi32, #tpu.memory_space<vmem>>
      %dma_start3A_101 = arith.constant 0 : i32
      %dma_start3A_102 = arith.constant 0 : i32
      %dma_start3A_103 = tpu.memref_slice %arg12[%dma_start3A_101, %dma_start3A_102] : memref<10000x128xf32, #tpu.memory_space<vmem_shared>> -> memref<10000x128xf32, #tpu.memory_space<vmem_shared>>
      tpu.enqueue_indirect_dma source(%arg10 : memref<80x128xf32, #tpu.memory_space<vmem>>) target(%dma_start3A_103 : memref<10000x128xf32, #tpu.memory_space<vmem_shared>>) offsets(%dma_start3A_100 : memref<80xi32, #tpu.memory_space<vmem>>) semaphore(%arg17 : memref<!tpu.dma_semaphore, #tpu.memory_space<semaphore_mem>>) {add = true}
      %mul3A_104 = arith.constant 80 : i32
      %mul3A_105 = arith.muli %mul3A_75, %mul3A_104 : i32
      %dma_wait3A_106 = tpu.memref_slice %arg8[%mul3A_105] : memref<10000xi32, #tpu.memory_space<vmem>> -> memref<80xi32, #tpu.memory_space<vmem>>
      %dma_wait3A_107 = arith.constant 0 : i32
      %dma_wait3A_108 = arith.constant 0 : i32
      %dma_wait3A_109 = tpu.memref_slice %arg12[%dma_wait3A_107, %dma_wait3A_108] : memref<10000x128xf32, #tpu.memory_space<vmem_shared>> -> memref<10000x128xf32, #tpu.memory_space<vmem_shared>>
      tpu.wait_indirect_dma semaphore(%arg16 : memref<!tpu.dma_semaphore, #tpu.memory_space<semaphore_mem>>) src(%arg9 : memref<80x128xf32, #tpu.memory_space<vmem>>) dst(%dma_wait3A_109 : memref<10000x128xf32, #tpu.memory_space<vmem_shared>>)
      %add3A_110 = arith.constant 3 : i32
      %add3A_111 = arith.addi %mul3A_75, %add3A_110 : i32
      %lt3A_112 = arith.constant 125 : i32
      %lt3A_113 = arith.cmpi slt, %add3A_111, %lt3A_112 : i32
      %convert_element_type3A_114 = arith.extui %lt3A_113 : i1 to i32
      %cond3A_115 = arith.constant 0 : i32
      %cond3A_116 = arith.cmpi ne, %convert_element_type3A_114, %cond3A_115 : i32
      scf.if %cond3A_116 {
        %add3A_163 = arith.constant 3 : i32
        %add3A_164 = arith.addi %mul3A_75, %add3A_163 : i32
        %mul3A_165 = arith.constant 80 : i32
        %mul3A_166 = arith.muli %add3A_164, %mul3A_165 : i32
        %dma_start3A_167 = tpu.memref_slice %arg7[%mul3A_166] : memref<10000xi32, #tpu.memory_space<vmem>> -> memref<80xi32, #tpu.memory_space<vmem>>
        %dma_start3A_168 = arith.constant 0 : i32
        %dma_start3A_169 = arith.constant 0 : i32
        %dma_start3A_170 = tpu.memref_slice %arg2[%dma_start3A_168, %dma_start3A_169] : memref<10000x128xf32, #tpu.memory_space<hbm>> -> memref<10000x128xf32, #tpu.memory_space<hbm>>
        tpu.enqueue_indirect_dma source(%dma_start3A_170 : memref<10000x128xf32, #tpu.memory_space<hbm>>) target(%arg9 : memref<80x128xf32, #tpu.memory_space<vmem>>) offsets(%dma_start3A_167 : memref<80xi32, #tpu.memory_space<vmem>>) semaphore(%arg13 : memref<!tpu.dma_semaphore, #tpu.memory_space<semaphore_mem>>)
      } else {
      }
      %add3A_117 = arith.constant 2 : i32
      %add3A_118 = arith.addi %mul3A_75, %add3A_117 : i32
      %mul3A_119 = arith.constant 80 : i32
      %mul3A_120 = arith.muli %add3A_118, %mul3A_119 : i32
      %dma_wait3A_121 = tpu.memref_slice %arg7[%mul3A_120] : memref<10000xi32, #tpu.memory_space<vmem>> -> memref<80xi32, #tpu.memory_space<vmem>>
      %dma_wait3A_122 = arith.constant 0 : i32
      %dma_wait3A_123 = arith.constant 0 : i32
      %dma_wait3A_124 = tpu.memref_slice %arg2[%dma_wait3A_122, %dma_wait3A_123] : memref<10000x128xf32, #tpu.memory_space<hbm>> -> memref<10000x128xf32, #tpu.memory_space<hbm>>
      tpu.wait_indirect_dma semaphore(%arg15 : memref<!tpu.dma_semaphore, #tpu.memory_space<semaphore_mem>>) src(%dma_wait3A_124 : memref<10000x128xf32, #tpu.memory_space<hbm>>) dst(%arg11 : memref<80x128xf32, #tpu.memory_space<vmem>>)
      %add3A_125 = arith.constant 2 : i32
      %add3A_126 = arith.addi %mul3A_75, %add3A_125 : i32
      %mul3A_127 = arith.constant 80 : i32
      %mul3A_128 = arith.muli %add3A_126, %mul3A_127 : i32
      %dma_start3A_129 = tpu.memref_slice %arg8[%mul3A_128] : memref<10000xi32, #tpu.memory_space<vmem>> -> memref<80xi32, #tpu.memory_space<vmem>>
      %dma_start3A_130 = arith.constant 0 : i32
      %dma_start3A_131 = arith.constant 0 : i32
      %dma_start3A_132 = tpu.memref_slice %arg12[%dma_start3A_130, %dma_start3A_131] : memref<10000x128xf32, #tpu.memory_space<vmem_shared>> -> memref<10000x128xf32, #tpu.memory_space<vmem_shared>>
      tpu.enqueue_indirect_dma source(%arg11 : memref<80x128xf32, #tpu.memory_space<vmem>>) target(%dma_start3A_132 : memref<10000x128xf32, #tpu.memory_space<vmem_shared>>) offsets(%dma_start3A_129 : memref<80xi32, #tpu.memory_space<vmem>>) semaphore(%arg18 : memref<!tpu.dma_semaphore, #tpu.memory_space<semaphore_mem>>) {add = true}
      %add3A_133 = arith.constant 1 : i32
      %add3A_134 = arith.addi %mul3A_75, %add3A_133 : i32
      %mul3A_135 = arith.constant 80 : i32
      %mul3A_136 = arith.muli %add3A_134, %mul3A_135 : i32
      %dma_wait3A_137 = tpu.memref_slice %arg8[%mul3A_136] : memref<10000xi32, #tpu.memory_space<vmem>> -> memref<80xi32, #tpu.memory_space<vmem>>
      %dma_wait3A_138 = arith.constant 0 : i32
      %dma_wait3A_139 = arith.constant 0 : i32
      %dma_wait3A_140 = tpu.memref_slice %arg12[%dma_wait3A_138, %dma_wait3A_139] : memref<10000x128xf32, #tpu.memory_space<vmem_shared>> -> memref<10000x128xf32, #tpu.memory_space<vmem_shared>>
      tpu.wait_indirect_dma semaphore(%arg17 : memref<!tpu.dma_semaphore, #tpu.memory_space<semaphore_mem>>) src(%arg10 : memref<80x128xf32, #tpu.memory_space<vmem>>) dst(%dma_wait3A_140 : memref<10000x128xf32, #tpu.memory_space<vmem_shared>>)
      %add3A_141 = arith.constant 4 : i32
      %add3A_142 = arith.addi %mul3A_75, %add3A_141 : i32
      %lt3A_143 = arith.constant 125 : i32
      %lt3A_144 = arith.cmpi slt, %add3A_142, %lt3A_143 : i32
      %convert_element_type3A_145 = arith.extui %lt3A_144 : i1 to i32
      %cond3A_146 = arith.constant 0 : i32
      %cond3A_147 = arith.cmpi ne, %convert_element_type3A_145, %cond3A_146 : i32
      scf.if %cond3A_147 {
        %add3A_163 = arith.constant 4 : i32
        %add3A_164 = arith.addi %mul3A_75, %add3A_163 : i32
        %mul3A_165 = arith.constant 80 : i32
        %mul3A_166 = arith.muli %add3A_164, %mul3A_165 : i32
        %dma_start3A_167 = tpu.memref_slice %arg7[%mul3A_166] : memref<10000xi32, #tpu.memory_space<vmem>> -> memref<80xi32, #tpu.memory_space<vmem>>
        %dma_start3A_168 = arith.constant 0 : i32
        %dma_start3A_169 = arith.constant 0 : i32
        %dma_start3A_170 = tpu.memref_slice %arg2[%dma_start3A_168, %dma_start3A_169] : memref<10000x128xf32, #tpu.memory_space<hbm>> -> memref<10000x128xf32, #tpu.memory_space<hbm>>
        tpu.enqueue_indirect_dma source(%dma_start3A_170 : memref<10000x128xf32, #tpu.memory_space<hbm>>) target(%arg10 : memref<80x128xf32, #tpu.memory_space<vmem>>) offsets(%dma_start3A_167 : memref<80xi32, #tpu.memory_space<vmem>>) semaphore(%arg14 : memref<!tpu.dma_semaphore, #tpu.memory_space<semaphore_mem>>)
      } else {
      }
      %add3A_148 = arith.constant 2 : i32
      %add3A_149 = arith.addi %mul3A_75, %add3A_148 : i32
      %mul3A_150 = arith.constant 80 : i32
      %mul3A_151 = arith.muli %add3A_149, %mul3A_150 : i32
      %dma_wait3A_152 = tpu.memref_slice %arg8[%mul3A_151] : memref<10000xi32, #tpu.memory_space<vmem>> -> memref<80xi32, #tpu.memory_space<vmem>>
      %dma_wait3A_153 = arith.constant 0 : i32
      %dma_wait3A_154 = arith.constant 0 : i32
      %dma_wait3A_155 = tpu.memref_slice %arg12[%dma_wait3A_153, %dma_wait3A_154] : memref<10000x128xf32, #tpu.memory_space<vmem_shared>> -> memref<10000x128xf32, #tpu.memory_space<vmem_shared>>
      tpu.wait_indirect_dma semaphore(%arg18 : memref<!tpu.dma_semaphore, #tpu.memory_space<semaphore_mem>>) src(%arg11 : memref<80x128xf32, #tpu.memory_space<vmem>>) dst(%dma_wait3A_155 : memref<10000x128xf32, #tpu.memory_space<vmem_shared>>)
      %add3A_156 = arith.constant 5 : i32
      %add3A_157 = arith.addi %mul3A_75, %add3A_156 : i32
      %lt3A_158 = arith.constant 125 : i32
      %lt3A_159 = arith.cmpi slt, %add3A_157, %lt3A_158 : i32
      %convert_element_type3A_160 = arith.extui %lt3A_159 : i1 to i32
      %cond3A_161 = arith.constant 0 : i32
      %cond3A_162 = arith.cmpi ne, %convert_element_type3A_160, %cond3A_161 : i32
      scf.if %cond3A_162 {
        %add3A_163 = arith.constant 5 : i32
        %add3A_164 = arith.addi %mul3A_75, %add3A_163 : i32
        %mul3A_165 = arith.constant 80 : i32
        %mul3A_166 = arith.muli %add3A_164, %mul3A_165 : i32
        %dma_start3A_167 = tpu.memref_slice %arg7[%mul3A_166] : memref<10000xi32, #tpu.memory_space<vmem>> -> memref<80xi32, #tpu.memory_space<vmem>>
        %dma_start3A_168 = arith.constant 0 : i32
        %dma_start3A_169 = arith.constant 0 : i32
        %dma_start3A_170 = tpu.memref_slice %arg2[%dma_start3A_168, %dma_start3A_169] : memref<10000x128xf32, #tpu.memory_space<hbm>> -> memref<10000x128xf32, #tpu.memory_space<hbm>>
        tpu.enqueue_indirect_dma source(%dma_start3A_170 : memref<10000x128xf32, #tpu.memory_space<hbm>>) target(%arg11 : memref<80x128xf32, #tpu.memory_space<vmem>>) offsets(%dma_start3A_167 : memref<80xi32, #tpu.memory_space<vmem>>) semaphore(%arg15 : memref<!tpu.dma_semaphore, #tpu.memory_space<semaphore_mem>>)
      } else {
      }
    }
    %scan3A_52 = arith.constant 41 : i32
    %dma_wait3A_53 = arith.constant 9840 : i32
    %dma_wait3A_54 = tpu.memref_slice %arg7[%dma_wait3A_53] : memref<10000xi32, #tpu.memory_space<vmem>> -> memref<80xi32, #tpu.memory_space<vmem>>
    %dma_wait3A_55 = arith.constant 0 : i32
    %dma_wait3A_56 = arith.constant 0 : i32
    %dma_wait3A_57 = tpu.memref_slice %arg2[%dma_wait3A_55, %dma_wait3A_56] : memref<10000x128xf32, #tpu.memory_space<hbm>> -> memref<10000x128xf32, #tpu.memory_space<hbm>>
    tpu.wait_indirect_dma semaphore(%arg13 : memref<!tpu.dma_semaphore, #tpu.memory_space<semaphore_mem>>) src(%dma_wait3A_57 : memref<10000x128xf32, #tpu.memory_space<hbm>>) dst(%arg9 : memref<80x128xf32, #tpu.memory_space<vmem>>)
    "tpu.region"() ({
      %run_scoped3A = tpu.sem_alloc : memref<!tpu.dma_semaphore, #tpu.memory_space<semaphore_mem>>
      %dma_start3A_73 = arith.constant 9840 : i32
      %dma_start3A_74 = tpu.memref_slice %arg8[%dma_start3A_73] : memref<10000xi32, #tpu.memory_space<vmem>> -> memref<80xi32, #tpu.memory_space<vmem>>
      %dma_start3A_75 = arith.constant 0 : i32
      %dma_start3A_76 = arith.constant 0 : i32
      %dma_start3A_77 = tpu.memref_slice %arg12[%dma_start3A_75, %dma_start3A_76] : memref<10000x128xf32, #tpu.memory_space<vmem_shared>> -> memref<10000x128xf32, #tpu.memory_space<vmem_shared>>
      tpu.enqueue_indirect_dma source(%arg9 : memref<80x128xf32, #tpu.memory_space<vmem>>) target(%dma_start3A_77 : memref<10000x128xf32, #tpu.memory_space<vmem_shared>>) offsets(%dma_start3A_74 : memref<80xi32, #tpu.memory_space<vmem>>) semaphore(%run_scoped3A : memref<!tpu.dma_semaphore, #tpu.memory_space<semaphore_mem>>) {add = true}
      %dma_wait3A_78 = arith.constant 9840 : i32
      %dma_wait3A_79 = tpu.memref_slice %arg8[%dma_wait3A_78] : memref<10000xi32, #tpu.memory_space<vmem>> -> memref<80xi32, #tpu.memory_space<vmem>>
      %dma_wait3A_80 = arith.constant 0 : i32
      %dma_wait3A_81 = arith.constant 0 : i32
      %dma_wait3A_82 = tpu.memref_slice %arg12[%dma_wait3A_80, %dma_wait3A_81] : memref<10000x128xf32, #tpu.memory_space<vmem_shared>> -> memref<10000x128xf32, #tpu.memory_space<vmem_shared>>
      tpu.wait_indirect_dma semaphore(%run_scoped3A : memref<!tpu.dma_semaphore, #tpu.memory_space<semaphore_mem>>) src(%arg9 : memref<80x128xf32, #tpu.memory_space<vmem>>) dst(%dma_wait3A_82 : memref<10000x128xf32, #tpu.memory_space<vmem_shared>>)
      tpu.yield
    }) : () -> ()
    %dma_wait3A_58 = arith.constant 9920 : i32
    %dma_wait3A_59 = tpu.memref_slice %arg7[%dma_wait3A_58] : memref<10000xi32, #tpu.memory_space<vmem>> -> memref<80xi32, #tpu.memory_space<vmem>>
    %dma_wait3A_60 = arith.constant 0 : i32
    %dma_wait3A_61 = arith.constant 0 : i32
    %dma_wait3A_62 = tpu.memref_slice %arg2[%dma_wait3A_60, %dma_wait3A_61] : memref<10000x128xf32, #tpu.memory_space<hbm>> -> memref<10000x128xf32, #tpu.memory_space<hbm>>
    tpu.wait_indirect_dma semaphore(%arg14 : memref<!tpu.dma_semaphore, #tpu.memory_space<semaphore_mem>>) src(%dma_wait3A_62 : memref<10000x128xf32, #tpu.memory_space<hbm>>) dst(%arg10 : memref<80x128xf32, #tpu.memory_space<vmem>>)
    "tpu.region"() ({
      %run_scoped3A = tpu.sem_alloc : memref<!tpu.dma_semaphore, #tpu.memory_space<semaphore_mem>>
      %dma_start3A_73 = arith.constant 9920 : i32
      %dma_start3A_74 = tpu.memref_slice %arg8[%dma_start3A_73] : memref<10000xi32, #tpu.memory_space<vmem>> -> memref<80xi32, #tpu.memory_space<vmem>>
      %dma_start3A_75 = arith.constant 0 : i32
      %dma_start3A_76 = arith.constant 0 : i32
      %dma_start3A_77 = tpu.memref_slice %arg12[%dma_start3A_75, %dma_start3A_76] : memref<10000x128xf32, #tpu.memory_space<vmem_shared>> -> memref<10000x128xf32, #tpu.memory_space<vmem_shared>>
      tpu.enqueue_indirect_dma source(%arg10 : memref<80x128xf32, #tpu.memory_space<vmem>>) target(%dma_start3A_77 : memref<10000x128xf32, #tpu.memory_space<vmem_shared>>) offsets(%dma_start3A_74 : memref<80xi32, #tpu.memory_space<vmem>>) semaphore(%run_scoped3A : memref<!tpu.dma_semaphore, #tpu.memory_space<semaphore_mem>>) {add = true}
      %dma_wait3A_78 = arith.constant 9920 : i32
      %dma_wait3A_79 = tpu.memref_slice %arg8[%dma_wait3A_78] : memref<10000xi32, #tpu.memory_space<vmem>> -> memref<80xi32, #tpu.memory_space<vmem>>
      %dma_wait3A_80 = arith.constant 0 : i32
      %dma_wait3A_81 = arith.constant 0 : i32
      %dma_wait3A_82 = tpu.memref_slice %arg12[%dma_wait3A_80, %dma_wait3A_81] : memref<10000x128xf32, #tpu.memory_space<vmem_shared>> -> memref<10000x128xf32, #tpu.memory_space<vmem_shared>>
      tpu.wait_indirect_dma semaphore(%run_scoped3A : memref<!tpu.dma_semaphore, #tpu.memory_space<semaphore_mem>>) src(%arg10 : memref<80x128xf32, #tpu.memory_space<vmem>>) dst(%dma_wait3A_82 : memref<10000x128xf32, #tpu.memory_space<vmem_shared>>)
      tpu.yield
    }) : () -> ()
    %barrier3A_63 = arith.constant 0 : index
    tpu.barrier barrier_id(%barrier3A_63)
    %lt3A = arith.constant 15 : i32
    %lt3A_64 = arith.cmpi slt, %arg1, %lt3A : i32
    %convert_element_type3A_65 = arith.extui %lt3A_64 : i1 to i32
    %cond3A_66 = arith.constant 0 : i32
    %cond3A_67 = arith.cmpi ne, %convert_element_type3A_65, %cond3A_66 : i32
    scf.if %cond3A_67 {
      "tpu.region"() ({
        %run_scoped3A = tpu.sem_alloc : memref<!tpu.dma_semaphore, #tpu.memory_space<semaphore_mem>>
        %dma_start3A_73 = arith.constant 0 : i32
        %dma_start3A_74 = tpu.memref_slice %arg6[%arg0, %multiple_of3A, %dma_start3A_73] : memref<2x10000x128xf32, #tpu.memory_space<hbm>> -> memref<1x632x128xf32, #tpu.memory_space<hbm>>
        %dma_start3A_75 = tpu.memref_squeeze %dma_start3A_74 : memref<1x632x128xf32, #tpu.memory_space<hbm>> -> memref<632x128xf32, #tpu.memory_space<hbm>>
        %dma_start3A_76 = arith.constant 0 : i32
        %dma_start3A_77 = tpu.memref_slice %arg12[%multiple_of3A, %dma_start3A_76] : memref<10000x128xf32, #tpu.memory_space<vmem_shared>> -> memref<632x128xf32, #tpu.memory_space<vmem_shared>>
        tpu.enqueue_dma source(%dma_start3A_77 : memref<632x128xf32, #tpu.memory_space<vmem_shared>>) target(%dma_start3A_75 : memref<632x128xf32, #tpu.memory_space<hbm>>) target_semaphore(%run_scoped3A : memref<!tpu.dma_semaphore, #tpu.memory_space<semaphore_mem>>)
        %dma_wait3A_78 = arith.constant 0 : i32
        %dma_wait3A_79 = tpu.memref_slice %arg6[%arg0, %multiple_of3A, %dma_wait3A_78] : memref<2x10000x128xf32, #tpu.memory_space<hbm>> -> memref<1x632x128xf32, #tpu.memory_space<hbm>>
        %dma_wait3A_80 = tpu.memref_squeeze %dma_wait3A_79 : memref<1x632x128xf32, #tpu.memory_space<hbm>> -> memref<632x128xf32, #tpu.memory_space<hbm>>
        %dma_wait3A_81 = arith.constant 0 : i32
        %dma_wait3A_82 = tpu.memref_slice %arg12[%multiple_of3A, %dma_wait3A_81] : memref<10000x128xf32, #tpu.memory_space<vmem_shared>> -> memref<632x128xf32, #tpu.memory_space<vmem_shared>>
        tpu.wait_dma2 semaphore(%run_scoped3A : memref<!tpu.dma_semaphore, #tpu.memory_space<semaphore_mem>>) src(%dma_wait3A_82 : memref<632x128xf32, #tpu.memory_space<vmem_shared>>) dst(%dma_wait3A_80 : memref<632x128xf32, #tpu.memory_space<hbm>>)
        tpu.yield
      }) : () -> ()
    } else {
    }
    %eq3A_68 = arith.constant 15 : i32
    %eq3A_69 = arith.cmpi eq, %arg1, %eq3A_68 : i32
    %convert_element_type3A_70 = arith.extui %eq3A_69 : i1 to i32
    %cond3A_71 = arith.constant 0 : i32
    %cond3A_72 = arith.cmpi ne, %convert_element_type3A_70, %cond3A_71 : i32
    scf.if %cond3A_72 {
      "tpu.region"() ({
        %run_scoped3A = tpu.sem_alloc : memref<!tpu.dma_semaphore, #tpu.memory_space<semaphore_mem>>
        %dma_start3A_73 = arith.constant 9480 : i32
        %dma_start3A_74 = arith.constant 0 : i32
        %dma_start3A_75 = tpu.memref_slice %arg6[%arg0, %dma_start3A_73, %dma_start3A_74] : memref<2x10000x128xf32, #tpu.memory_space<hbm>> -> memref<1x520x128xf32, #tpu.memory_space<hbm>>
        %dma_start3A_76 = tpu.memref_squeeze %dma_start3A_75 : memref<1x520x128xf32, #tpu.memory_space<hbm>> -> memref<520x128xf32, #tpu.memory_space<hbm>>
        %dma_start3A_77 = arith.constant 9480 : i32
        %dma_start3A_78 = arith.constant 0 : i32
        %dma_start3A_79 = tpu.memref_slice %arg12[%dma_start3A_77, %dma_start3A_78] : memref<10000x128xf32, #tpu.memory_space<vmem_shared>> -> memref<520x128xf32, #tpu.memory_space<vmem_shared>>
        tpu.enqueue_dma source(%dma_start3A_79 : memref<520x128xf32, #tpu.memory_space<vmem_shared>>) target(%dma_start3A_76 : memref<520x128xf32, #tpu.memory_space<hbm>>) target_semaphore(%run_scoped3A : memref<!tpu.dma_semaphore, #tpu.memory_space<semaphore_mem>>)
        %dma_wait3A_80 = arith.constant 9480 : i32
        %dma_wait3A_81 = arith.constant 0 : i32
        %dma_wait3A_82 = tpu.memref_slice %arg6[%arg0, %dma_wait3A_80, %dma_wait3A_81] : memref<2x10000x128xf32, #tpu.memory_space<hbm>> -> memref<1x520x128xf32, #tpu.memory_space<hbm>>
        %dma_wait3A_83 = tpu.memref_squeeze %dma_wait3A_82 : memref<1x520x128xf32, #tpu.memory_space<hbm>> -> memref<520x128xf32, #tpu.memory_space<hbm>>
        %dma_wait3A_84 = arith.constant 9480 : i32
        %dma_wait3A_85 = arith.constant 0 : i32
        %dma_wait3A_86 = tpu.memref_slice %arg12[%dma_wait3A_84, %dma_wait3A_85] : memref<10000x128xf32, #tpu.memory_space<vmem_shared>> -> memref<520x128xf32, #tpu.memory_space<vmem_shared>>
        tpu.wait_dma2 semaphore(%run_scoped3A : memref<!tpu.dma_semaphore, #tpu.memory_space<semaphore_mem>>) src(%dma_wait3A_86 : memref<520x128xf32, #tpu.memory_space<vmem_shared>>) dst(%dma_wait3A_83 : memref<520x128xf32, #tpu.memory_space<hbm>>)
        tpu.yield
      }) : () -> ()
    } else {
    }
    return
  }
}

#map = affine_map<(d0, d1) -> (0, 0)>
#map1 = affine_map<(d0, d1) -> (0)>
#map2 = affine_map<(d0, d1) -> (0, 0, 0)>
module attributes {stable_mosaic.version = 14 : i64} {
  func.func @_sc_agg_body(%arg0: i32, %arg1: i32, %arg2: memref<10000x128xf32, #tpu.memory_space<hbm>>, %arg3: memref<320000xi32, #tpu.memory_space<hbm>>, %arg4: memref<320000xi32, #tpu.memory_space<hbm>>, %arg5: memref<10000x128xf32, #tpu.memory_space<hbm>>, %arg6: memref<2x10000x128xf32, #tpu.memory_space<hbm>>, %arg7: memref<10000xi32, #tpu.memory_space<vmem>>, %arg8: memref<10000xi32, #tpu.memory_space<vmem>>, %arg9: memref<80x128xf32, #tpu.memory_space<vmem>>, %arg10: memref<80x128xf32, #tpu.memory_space<vmem>>, %arg11: memref<80x128xf32, #tpu.memory_space<vmem>>, %arg12: memref<10000x128xf32, #tpu.memory_space<vmem_shared>>, %arg13: memref<!tpu.dma_semaphore, #tpu.memory_space<semaphore_mem>>, %arg14: memref<!tpu.dma_semaphore, #tpu.memory_space<semaphore_mem>>, %arg15: memref<!tpu.dma_semaphore, #tpu.memory_space<semaphore_mem>>, %arg16: memref<!tpu.dma_semaphore, #tpu.memory_space<semaphore_mem>>, %arg17: memref<!tpu.dma_semaphore, #tpu.memory_space<semaphore_mem>>, %arg18: memref<!tpu.dma_semaphore, #tpu.memory_space<semaphore_mem>>) attributes {dimension_semantics = [#tpu.dimension_semantics<core_parallel>, #tpu.dimension_semantics<subcore_parallel>], iteration_bounds = array<i64: 2, 16>, scalar_prefetch = 0 : i64, scratch_operands = 12 : i64, tpu.core_type = #tpu.core_type<sc_vector_subcore>, window_params = [{transform_indices = #map}, {transform_indices = #map1}, {transform_indices = #map1}, {transform_indices = #map}, {transform_indices = #map2}]} {
    %mul3A = arith.constant 2 : i32
    %mul3A_0 = arith.muli %arg1, %mul3A : i32
    %add3A = arith.addi %mul3A_0, %arg0 : i32
    %mul3A_1 = arith.constant 632 : i32
    %mul3A_2 = arith.muli %arg1, %mul3A_1 : i32
    %multiple_of3A = tpu.assume_multiple %mul3A_2, 8 : i32
    %eq3A = arith.constant 15 : i32
    %eq3A_3 = arith.cmpi eq, %arg1, %eq3A : i32
    %convert_element_type3A = arith.extui %eq3A_3 : i1 to i32
    %cond3A = arith.constant 0 : i32
    %cond3A_4 = arith.cmpi ne, %convert_element_type3A, %cond3A : i32
    scf.if %cond3A_4 {
      %eq3A_73 = arith.constant 0 : i32
      %eq3A_74 = arith.cmpi eq, %arg0, %eq3A_73 : i32
      %convert_element_type3A_75 = arith.extui %eq3A_74 : i1 to i32
      %cond3A_76 = arith.constant 0 : i32
      %cond3A_77 = arith.cmpi ne, %convert_element_type3A_75, %cond3A_76 : i32
      scf.if %cond3A_77 {
        %dma_start3A_82 = arith.constant 9480 : i32
        %dma_start3A_83 = arith.constant 0 : i32
        %dma_start3A_84 = tpu.memref_slice %arg12[%dma_start3A_82, %dma_start3A_83] : memref<10000x128xf32, #tpu.memory_space<vmem_shared>> -> memref<520x128xf32, #tpu.memory_space<vmem_shared>>
        %dma_start3A_85 = arith.constant 9480 : i32
        %dma_start3A_86 = arith.constant 0 : i32
        %dma_start3A_87 = tpu.memref_slice %arg2[%dma_start3A_85, %dma_start3A_86] : memref<10000x128xf32, #tpu.memory_space<hbm>> -> memref<520x128xf32, #tpu.memory_space<hbm>>
        tpu.enqueue_dma source(%dma_start3A_87 : memref<520x128xf32, #tpu.memory_space<hbm>>) target(%dma_start3A_84 : memref<520x128xf32, #tpu.memory_space<vmem_shared>>) target_semaphore(%arg17 : memref<!tpu.dma_semaphore, #tpu.memory_space<semaphore_mem>>)
      } else {
      }
      %ne3A = arith.constant 0 : i32
      %ne3A_78 = arith.cmpi ne, %arg0, %ne3A : i32
      %convert_element_type3A_79 = arith.extui %ne3A_78 : i1 to i32
      %cond3A_80 = arith.constant 0 : i32
      %cond3A_81 = arith.cmpi ne, %convert_element_type3A_79, %cond3A_80 : i32
      scf.if %cond3A_81 {
        %dma_start3A_82 = arith.constant 9480 : i32
        %dma_start3A_83 = arith.constant 0 : i32
        %dma_start3A_84 = tpu.memref_slice %arg12[%dma_start3A_82, %dma_start3A_83] : memref<10000x128xf32, #tpu.memory_space<vmem_shared>> -> memref<520x128xf32, #tpu.memory_space<vmem_shared>>
        %dma_start3A_85 = arith.constant 9480 : i32
        %dma_start3A_86 = arith.constant 0 : i32
        %dma_start3A_87 = tpu.memref_slice %arg5[%dma_start3A_85, %dma_start3A_86] : memref<10000x128xf32, #tpu.memory_space<hbm>> -> memref<520x128xf32, #tpu.memory_space<hbm>>
        tpu.enqueue_dma source(%dma_start3A_87 : memref<520x128xf32, #tpu.memory_space<hbm>>) target(%dma_start3A_84 : memref<520x128xf32, #tpu.memory_space<vmem_shared>>) target_semaphore(%arg17 : memref<!tpu.dma_semaphore, #tpu.memory_space<semaphore_mem>>)
      } else {
      }
    } else {
    }
    %not3A = arith.constant true
    %not3A_5 = arith.xori %eq3A_3, %not3A : i1
    %convert_element_type3A_6 = arith.extui %not3A_5 : i1 to i32
    %cond3A_7 = arith.constant 0 : i32
    %cond3A_8 = arith.cmpi ne, %convert_element_type3A_6, %cond3A_7 : i32
    scf.if %cond3A_8 {
      %eq3A_73 = arith.constant 0 : i32
      %eq3A_74 = arith.cmpi eq, %arg0, %eq3A_73 : i32
      %convert_element_type3A_75 = arith.extui %eq3A_74 : i1 to i32
      %cond3A_76 = arith.constant 0 : i32
      %cond3A_77 = arith.cmpi ne, %convert_element_type3A_75, %cond3A_76 : i32
      scf.if %cond3A_77 {
        %dma_start3A_82 = arith.constant 0 : i32
        %dma_start3A_83 = tpu.memref_slice %arg12[%multiple_of3A, %dma_start3A_82] : memref<10000x128xf32, #tpu.memory_space<vmem_shared>> -> memref<632x128xf32, #tpu.memory_space<vmem_shared>>
        %dma_start3A_84 = arith.constant 0 : i32
        %dma_start3A_85 = tpu.memref_slice %arg2[%multiple_of3A, %dma_start3A_84] : memref<10000x128xf32, #tpu.memory_space<hbm>> -> memref<632x128xf32, #tpu.memory_space<hbm>>
        tpu.enqueue_dma source(%dma_start3A_85 : memref<632x128xf32, #tpu.memory_space<hbm>>) target(%dma_start3A_83 : memref<632x128xf32, #tpu.memory_space<vmem_shared>>) target_semaphore(%arg17 : memref<!tpu.dma_semaphore, #tpu.memory_space<semaphore_mem>>)
      } else {
      }
      %ne3A = arith.constant 0 : i32
      %ne3A_78 = arith.cmpi ne, %arg0, %ne3A : i32
      %convert_element_type3A_79 = arith.extui %ne3A_78 : i1 to i32
      %cond3A_80 = arith.constant 0 : i32
      %cond3A_81 = arith.cmpi ne, %convert_element_type3A_79, %cond3A_80 : i32
      scf.if %cond3A_81 {
        %dma_start3A_82 = arith.constant 0 : i32
        %dma_start3A_83 = tpu.memref_slice %arg12[%multiple_of3A, %dma_start3A_82] : memref<10000x128xf32, #tpu.memory_space<vmem_shared>> -> memref<632x128xf32, #tpu.memory_space<vmem_shared>>
        %dma_start3A_84 = arith.constant 0 : i32
        %dma_start3A_85 = tpu.memref_slice %arg5[%multiple_of3A, %dma_start3A_84] : memref<10000x128xf32, #tpu.memory_space<hbm>> -> memref<632x128xf32, #tpu.memory_space<hbm>>
        tpu.enqueue_dma source(%dma_start3A_85 : memref<632x128xf32, #tpu.memory_space<hbm>>) target(%dma_start3A_83 : memref<632x128xf32, #tpu.memory_space<vmem_shared>>) target_semaphore(%arg17 : memref<!tpu.dma_semaphore, #tpu.memory_space<semaphore_mem>>)
      } else {
      }
    } else {
    }
    %mul3A_9 = arith.constant 10000 : i32
    %mul3A_10 = arith.muli %add3A, %mul3A_9 : i32
    %multiple_of3A_11 = tpu.assume_multiple %mul3A_10, 8 : i32
    %dma_start3A = tpu.memref_slice %arg3[%multiple_of3A_11] : memref<320000xi32, #tpu.memory_space<hbm>> -> memref<10000xi32, #tpu.memory_space<hbm>>
    %dma_start3A_12 = tpu.memref_slice %arg3[%multiple_of3A_11] : memref<320000xi32, #tpu.memory_space<hbm>> -> memref<10000xi32, #tpu.memory_space<hbm>>
    tpu.enqueue_dma source(%dma_start3A_12 : memref<10000xi32, #tpu.memory_space<hbm>>) target(%arg7 : memref<10000xi32, #tpu.memory_space<vmem>>) target_semaphore(%arg14 : memref<!tpu.dma_semaphore, #tpu.memory_space<semaphore_mem>>)
    %mul3A_13 = arith.constant 10000 : i32
    %mul3A_14 = arith.muli %add3A, %mul3A_13 : i32
    %multiple_of3A_15 = tpu.assume_multiple %mul3A_14, 8 : i32
    %dma_start3A_16 = tpu.memref_slice %arg4[%multiple_of3A_15] : memref<320000xi32, #tpu.memory_space<hbm>> -> memref<10000xi32, #tpu.memory_space<hbm>>
    %dma_start3A_17 = tpu.memref_slice %arg4[%multiple_of3A_15] : memref<320000xi32, #tpu.memory_space<hbm>> -> memref<10000xi32, #tpu.memory_space<hbm>>
    tpu.enqueue_dma source(%dma_start3A_17 : memref<10000xi32, #tpu.memory_space<hbm>>) target(%arg8 : memref<10000xi32, #tpu.memory_space<vmem>>) target_semaphore(%arg16 : memref<!tpu.dma_semaphore, #tpu.memory_space<semaphore_mem>>)
    %dma_wait3A = arith.constant 0 : i32
    %dma_wait3A_18 = tpu.memref_slice %arg3[%dma_wait3A] : memref<320000xi32, #tpu.memory_space<hbm>> -> memref<10000xi32, #tpu.memory_space<hbm>>
    %dma_wait3A_19 = arith.constant 0 : i32
    %dma_wait3A_20 = tpu.memref_slice %arg3[%dma_wait3A_19] : memref<320000xi32, #tpu.memory_space<hbm>> -> memref<10000xi32, #tpu.memory_space<hbm>>
    tpu.wait_dma2 semaphore(%arg14 : memref<!tpu.dma_semaphore, #tpu.memory_space<semaphore_mem>>) src(%dma_wait3A_20 : memref<10000xi32, #tpu.memory_space<hbm>>) dst(%arg7 : memref<10000xi32, #tpu.memory_space<vmem>>)
    %dma_start3A_21 = arith.constant 0 : i32
    %dma_start3A_22 = tpu.memref_slice %arg7[%dma_start3A_21] : memref<10000xi32, #tpu.memory_space<vmem>> -> memref<80xi32, #tpu.memory_space<vmem>>
    %dma_start3A_23 = arith.constant 0 : i32
    %dma_start3A_24 = arith.constant 0 : i32
    %dma_start3A_25 = tpu.memref_slice %arg2[%dma_start3A_23, %dma_start3A_24] : memref<10000x128xf32, #tpu.memory_space<hbm>> -> memref<10000x128xf32, #tpu.memory_space<hbm>>
    tpu.enqueue_indirect_dma source(%dma_start3A_25 : memref<10000x128xf32, #tpu.memory_space<hbm>>) target(%arg9 : memref<80x128xf32, #tpu.memory_space<vmem>>) offsets(%dma_start3A_22 : memref<80xi32, #tpu.memory_space<vmem>>) semaphore(%arg13 : memref<!tpu.dma_semaphore, #tpu.memory_space<semaphore_mem>>)
    %dma_start3A_26 = arith.constant 80 : i32
    %dma_start3A_27 = tpu.memref_slice %arg7[%dma_start3A_26] : memref<10000xi32, #tpu.memory_space<vmem>> -> memref<80xi32, #tpu.memory_space<vmem>>
    %dma_start3A_28 = arith.constant 0 : i32
    %dma_start3A_29 = arith.constant 0 : i32
    %dma_start3A_30 = tpu.memref_slice %arg2[%dma_start3A_28, %dma_start3A_29] : memref<10000x128xf32, #tpu.memory_space<hbm>> -> memref<10000x128xf32, #tpu.memory_space<hbm>>
    tpu.enqueue_indirect_dma source(%dma_start3A_30 : memref<10000x128xf32, #tpu.memory_space<hbm>>) target(%arg10 : memref<80x128xf32, #tpu.memory_space<vmem>>) offsets(%dma_start3A_27 : memref<80xi32, #tpu.memory_space<vmem>>) semaphore(%arg14 : memref<!tpu.dma_semaphore, #tpu.memory_space<semaphore_mem>>)
    %dma_start3A_31 = arith.constant 160 : i32
    %dma_start3A_32 = tpu.memref_slice %arg7[%dma_start3A_31] : memref<10000xi32, #tpu.memory_space<vmem>> -> memref<80xi32, #tpu.memory_space<vmem>>
    %dma_start3A_33 = arith.constant 0 : i32
    %dma_start3A_34 = arith.constant 0 : i32
    %dma_start3A_35 = tpu.memref_slice %arg2[%dma_start3A_33, %dma_start3A_34] : memref<10000x128xf32, #tpu.memory_space<hbm>> -> memref<10000x128xf32, #tpu.memory_space<hbm>>
    tpu.enqueue_indirect_dma source(%dma_start3A_35 : memref<10000x128xf32, #tpu.memory_space<hbm>>) target(%arg11 : memref<80x128xf32, #tpu.memory_space<vmem>>) offsets(%dma_start3A_32 : memref<80xi32, #tpu.memory_space<vmem>>) semaphore(%arg15 : memref<!tpu.dma_semaphore, #tpu.memory_space<semaphore_mem>>)
    %convert_element_type3A_36 = arith.extui %eq3A_3 : i1 to i32
    %cond3A_37 = arith.constant 0 : i32
    %cond3A_38 = arith.cmpi ne, %convert_element_type3A_36, %cond3A_37 : i32
    scf.if %cond3A_38 {
      %dma_wait3A_73 = arith.constant 9480 : i32
      %dma_wait3A_74 = arith.constant 0 : i32
      %dma_wait3A_75 = tpu.memref_slice %arg12[%dma_wait3A_73, %dma_wait3A_74] : memref<10000x128xf32, #tpu.memory_space<vmem_shared>> -> memref<520x128xf32, #tpu.memory_space<vmem_shared>>
      %dma_wait3A_76 = arith.constant 9480 : i32
      %dma_wait3A_77 = arith.constant 0 : i32
      %dma_wait3A_78 = tpu.memref_slice %arg5[%dma_wait3A_76, %dma_wait3A_77] : memref<10000x128xf32, #tpu.memory_space<hbm>> -> memref<520x128xf32, #tpu.memory_space<hbm>>
      tpu.wait_dma2 semaphore(%arg17 : memref<!tpu.dma_semaphore, #tpu.memory_space<semaphore_mem>>) src(%dma_wait3A_78 : memref<520x128xf32, #tpu.memory_space<hbm>>) dst(%dma_wait3A_75 : memref<520x128xf32, #tpu.memory_space<vmem_shared>>)
    } else {
    }
    %not3A_39 = arith.constant true
    %not3A_40 = arith.xori %eq3A_3, %not3A_39 : i1
    %convert_element_type3A_41 = arith.extui %not3A_40 : i1 to i32
    %cond3A_42 = arith.constant 0 : i32
    %cond3A_43 = arith.cmpi ne, %convert_element_type3A_41, %cond3A_42 : i32
    scf.if %cond3A_43 {
      %dma_wait3A_73 = arith.constant 0 : i32
      %dma_wait3A_74 = tpu.memref_slice %arg12[%multiple_of3A, %dma_wait3A_73] : memref<10000x128xf32, #tpu.memory_space<vmem_shared>> -> memref<632x128xf32, #tpu.memory_space<vmem_shared>>
      %dma_wait3A_75 = arith.constant 0 : i32
      %dma_wait3A_76 = tpu.memref_slice %arg5[%multiple_of3A, %dma_wait3A_75] : memref<10000x128xf32, #tpu.memory_space<hbm>> -> memref<632x128xf32, #tpu.memory_space<hbm>>
      tpu.wait_dma2 semaphore(%arg17 : memref<!tpu.dma_semaphore, #tpu.memory_space<semaphore_mem>>) src(%dma_wait3A_76 : memref<632x128xf32, #tpu.memory_space<hbm>>) dst(%dma_wait3A_74 : memref<632x128xf32, #tpu.memory_space<vmem_shared>>)
    } else {
    }
    %dma_wait3A_44 = arith.constant 0 : i32
    %dma_wait3A_45 = tpu.memref_slice %arg4[%dma_wait3A_44] : memref<320000xi32, #tpu.memory_space<hbm>> -> memref<10000xi32, #tpu.memory_space<hbm>>
    %dma_wait3A_46 = arith.constant 0 : i32
    %dma_wait3A_47 = tpu.memref_slice %arg4[%dma_wait3A_46] : memref<320000xi32, #tpu.memory_space<hbm>> -> memref<10000xi32, #tpu.memory_space<hbm>>
    tpu.wait_dma2 semaphore(%arg16 : memref<!tpu.dma_semaphore, #tpu.memory_space<semaphore_mem>>) src(%dma_wait3A_47 : memref<10000xi32, #tpu.memory_space<hbm>>) dst(%arg8 : memref<10000xi32, #tpu.memory_space<vmem>>)
    %barrier3A = arith.constant 0 : index
    tpu.barrier barrier_id(%barrier3A)
    %scan3A = arith.constant 0 : i32
    %scan3A_48 = arith.constant 0 : i32
    %scan3A_49 = arith.constant 41 : i32
    %scan3A_50 = arith.addi %scan3A_48, %scan3A_49 : i32
    %scan3A_51 = arith.constant 1 : i32
    scf.for %scan3A_73 = %scan3A_48 to %scan3A_50 step %scan3A_51  : i32 {
      %mul3A_74 = arith.constant 3 : i32
      %mul3A_75 = arith.muli %mul3A_74, %scan3A_73 : i32
      %mul3A_76 = arith.constant 80 : i32
      %mul3A_77 = arith.muli %mul3A_75, %mul3A_76 : i32
      %dma_wait3A_78 = tpu.memref_slice %arg7[%mul3A_77] : memref<10000xi32, #tpu.memory_space<vmem>> -> memref<80xi32, #tpu.memory_space<vmem>>
      %dma_wait3A_79 = arith.constant 0 : i32
      %dma_wait3A_80 = arith.constant 0 : i32
      %dma_wait3A_81 = tpu.memref_slice %arg2[%dma_wait3A_79, %dma_wait3A_80] : memref<10000x128xf32, #tpu.memory_space<hbm>> -> memref<10000x128xf32, #tpu.memory_space<hbm>>
      tpu.wait_indirect_dma semaphore(%arg13 : memref<!tpu.dma_semaphore, #tpu.memory_space<semaphore_mem>>) src(%dma_wait3A_81 : memref<10000x128xf32, #tpu.memory_space<hbm>>) dst(%arg9 : memref<80x128xf32, #tpu.memory_space<vmem>>)
      %mul3A_82 = arith.constant 80 : i32
      %mul3A_83 = arith.muli %mul3A_75, %mul3A_82 : i32
      %dma_start3A_84 = tpu.memref_slice %arg8[%mul3A_83] : memref<10000xi32, #tpu.memory_space<vmem>> -> memref<80xi32, #tpu.memory_space<vmem>>
      %dma_start3A_85 = arith.constant 0 : i32
      %dma_start3A_86 = arith.constant 0 : i32
      %dma_start3A_87 = tpu.memref_slice %arg12[%dma_start3A_85, %dma_start3A_86] : memref<10000x128xf32, #tpu.memory_space<vmem_shared>> -> memref<10000x128xf32, #tpu.memory_space<vmem_shared>>
      tpu.enqueue_indirect_dma source(%arg9 : memref<80x128xf32, #tpu.memory_space<vmem>>) target(%dma_start3A_87 : memref<10000x128xf32, #tpu.memory_space<vmem_shared>>) offsets(%dma_start3A_84 : memref<80xi32, #tpu.memory_space<vmem>>) semaphore(%arg16 : memref<!tpu.dma_semaphore, #tpu.memory_space<semaphore_mem>>) {add = true}
      %add3A_88 = arith.constant 1 : i32
      %add3A_89 = arith.addi %mul3A_75, %add3A_88 : i32
      %mul3A_90 = arith.constant 80 : i32
      %mul3A_91 = arith.muli %add3A_89, %mul3A_90 : i32
      %dma_wait3A_92 = tpu.memref_slice %arg7[%mul3A_91] : memref<10000xi32, #tpu.memory_space<vmem>> -> memref<80xi32, #tpu.memory_space<vmem>>
      %dma_wait3A_93 = arith.constant 0 : i32
      %dma_wait3A_94 = arith.constant 0 : i32
      %dma_wait3A_95 = tpu.memref_slice %arg2[%dma_wait3A_93, %dma_wait3A_94] : memref<10000x128xf32, #tpu.memory_space<hbm>> -> memref<10000x128xf32, #tpu.memory_space<hbm>>
      tpu.wait_indirect_dma semaphore(%arg14 : memref<!tpu.dma_semaphore, #tpu.memory_space<semaphore_mem>>) src(%dma_wait3A_95 : memref<10000x128xf32, #tpu.memory_space<hbm>>) dst(%arg10 : memref<80x128xf32, #tpu.memory_space<vmem>>)
      %add3A_96 = arith.constant 1 : i32
      %add3A_97 = arith.addi %mul3A_75, %add3A_96 : i32
      %mul3A_98 = arith.constant 80 : i32
      %mul3A_99 = arith.muli %add3A_97, %mul3A_98 : i32
      %dma_start3A_100 = tpu.memref_slice %arg8[%mul3A_99] : memref<10000xi32, #tpu.memory_space<vmem>> -> memref<80xi32, #tpu.memory_space<vmem>>
      %dma_start3A_101 = arith.constant 0 : i32
      %dma_start3A_102 = arith.constant 0 : i32
      %dma_start3A_103 = tpu.memref_slice %arg12[%dma_start3A_101, %dma_start3A_102] : memref<10000x128xf32, #tpu.memory_space<vmem_shared>> -> memref<10000x128xf32, #tpu.memory_space<vmem_shared>>
      tpu.enqueue_indirect_dma source(%arg10 : memref<80x128xf32, #tpu.memory_space<vmem>>) target(%dma_start3A_103 : memref<10000x128xf32, #tpu.memory_space<vmem_shared>>) offsets(%dma_start3A_100 : memref<80xi32, #tpu.memory_space<vmem>>) semaphore(%arg17 : memref<!tpu.dma_semaphore, #tpu.memory_space<semaphore_mem>>) {add = true}
      %mul3A_104 = arith.constant 80 : i32
      %mul3A_105 = arith.muli %mul3A_75, %mul3A_104 : i32
      %dma_wait3A_106 = tpu.memref_slice %arg8[%mul3A_105] : memref<10000xi32, #tpu.memory_space<vmem>> -> memref<80xi32, #tpu.memory_space<vmem>>
      %dma_wait3A_107 = arith.constant 0 : i32
      %dma_wait3A_108 = arith.constant 0 : i32
      %dma_wait3A_109 = tpu.memref_slice %arg12[%dma_wait3A_107, %dma_wait3A_108] : memref<10000x128xf32, #tpu.memory_space<vmem_shared>> -> memref<10000x128xf32, #tpu.memory_space<vmem_shared>>
      tpu.wait_indirect_dma semaphore(%arg16 : memref<!tpu.dma_semaphore, #tpu.memory_space<semaphore_mem>>) src(%arg9 : memref<80x128xf32, #tpu.memory_space<vmem>>) dst(%dma_wait3A_109 : memref<10000x128xf32, #tpu.memory_space<vmem_shared>>)
      %add3A_110 = arith.constant 3 : i32
      %add3A_111 = arith.addi %mul3A_75, %add3A_110 : i32
      %lt3A_112 = arith.constant 125 : i32
      %lt3A_113 = arith.cmpi slt, %add3A_111, %lt3A_112 : i32
      %convert_element_type3A_114 = arith.extui %lt3A_113 : i1 to i32
      %cond3A_115 = arith.constant 0 : i32
      %cond3A_116 = arith.cmpi ne, %convert_element_type3A_114, %cond3A_115 : i32
      scf.if %cond3A_116 {
        %add3A_163 = arith.constant 3 : i32
        %add3A_164 = arith.addi %mul3A_75, %add3A_163 : i32
        %mul3A_165 = arith.constant 80 : i32
        %mul3A_166 = arith.muli %add3A_164, %mul3A_165 : i32
        %dma_start3A_167 = tpu.memref_slice %arg7[%mul3A_166] : memref<10000xi32, #tpu.memory_space<vmem>> -> memref<80xi32, #tpu.memory_space<vmem>>
        %dma_start3A_168 = arith.constant 0 : i32
        %dma_start3A_169 = arith.constant 0 : i32
        %dma_start3A_170 = tpu.memref_slice %arg2[%dma_start3A_168, %dma_start3A_169] : memref<10000x128xf32, #tpu.memory_space<hbm>> -> memref<10000x128xf32, #tpu.memory_space<hbm>>
        tpu.enqueue_indirect_dma source(%dma_start3A_170 : memref<10000x128xf32, #tpu.memory_space<hbm>>) target(%arg9 : memref<80x128xf32, #tpu.memory_space<vmem>>) offsets(%dma_start3A_167 : memref<80xi32, #tpu.memory_space<vmem>>) semaphore(%arg13 : memref<!tpu.dma_semaphore, #tpu.memory_space<semaphore_mem>>)
      } else {
      }
      %add3A_117 = arith.constant 2 : i32
      %add3A_118 = arith.addi %mul3A_75, %add3A_117 : i32
      %mul3A_119 = arith.constant 80 : i32
      %mul3A_120 = arith.muli %add3A_118, %mul3A_119 : i32
      %dma_wait3A_121 = tpu.memref_slice %arg7[%mul3A_120] : memref<10000xi32, #tpu.memory_space<vmem>> -> memref<80xi32, #tpu.memory_space<vmem>>
      %dma_wait3A_122 = arith.constant 0 : i32
      %dma_wait3A_123 = arith.constant 0 : i32
      %dma_wait3A_124 = tpu.memref_slice %arg2[%dma_wait3A_122, %dma_wait3A_123] : memref<10000x128xf32, #tpu.memory_space<hbm>> -> memref<10000x128xf32, #tpu.memory_space<hbm>>
      tpu.wait_indirect_dma semaphore(%arg15 : memref<!tpu.dma_semaphore, #tpu.memory_space<semaphore_mem>>) src(%dma_wait3A_124 : memref<10000x128xf32, #tpu.memory_space<hbm>>) dst(%arg11 : memref<80x128xf32, #tpu.memory_space<vmem>>)
      %add3A_125 = arith.constant 2 : i32
      %add3A_126 = arith.addi %mul3A_75, %add3A_125 : i32
      %mul3A_127 = arith.constant 80 : i32
      %mul3A_128 = arith.muli %add3A_126, %mul3A_127 : i32
      %dma_start3A_129 = tpu.memref_slice %arg8[%mul3A_128] : memref<10000xi32, #tpu.memory_space<vmem>> -> memref<80xi32, #tpu.memory_space<vmem>>
      %dma_start3A_130 = arith.constant 0 : i32
      %dma_start3A_131 = arith.constant 0 : i32
      %dma_start3A_132 = tpu.memref_slice %arg12[%dma_start3A_130, %dma_start3A_131] : memref<10000x128xf32, #tpu.memory_space<vmem_shared>> -> memref<10000x128xf32, #tpu.memory_space<vmem_shared>>
      tpu.enqueue_indirect_dma source(%arg11 : memref<80x128xf32, #tpu.memory_space<vmem>>) target(%dma_start3A_132 : memref<10000x128xf32, #tpu.memory_space<vmem_shared>>) offsets(%dma_start3A_129 : memref<80xi32, #tpu.memory_space<vmem>>) semaphore(%arg18 : memref<!tpu.dma_semaphore, #tpu.memory_space<semaphore_mem>>) {add = true}
      %add3A_133 = arith.constant 1 : i32
      %add3A_134 = arith.addi %mul3A_75, %add3A_133 : i32
      %mul3A_135 = arith.constant 80 : i32
      %mul3A_136 = arith.muli %add3A_134, %mul3A_135 : i32
      %dma_wait3A_137 = tpu.memref_slice %arg8[%mul3A_136] : memref<10000xi32, #tpu.memory_space<vmem>> -> memref<80xi32, #tpu.memory_space<vmem>>
      %dma_wait3A_138 = arith.constant 0 : i32
      %dma_wait3A_139 = arith.constant 0 : i32
      %dma_wait3A_140 = tpu.memref_slice %arg12[%dma_wait3A_138, %dma_wait3A_139] : memref<10000x128xf32, #tpu.memory_space<vmem_shared>> -> memref<10000x128xf32, #tpu.memory_space<vmem_shared>>
      tpu.wait_indirect_dma semaphore(%arg17 : memref<!tpu.dma_semaphore, #tpu.memory_space<semaphore_mem>>) src(%arg10 : memref<80x128xf32, #tpu.memory_space<vmem>>) dst(%dma_wait3A_140 : memref<10000x128xf32, #tpu.memory_space<vmem_shared>>)
      %add3A_141 = arith.constant 4 : i32
      %add3A_142 = arith.addi %mul3A_75, %add3A_141 : i32
      %lt3A_143 = arith.constant 125 : i32
      %lt3A_144 = arith.cmpi slt, %add3A_142, %lt3A_143 : i32
      %convert_element_type3A_145 = arith.extui %lt3A_144 : i1 to i32
      %cond3A_146 = arith.constant 0 : i32
      %cond3A_147 = arith.cmpi ne, %convert_element_type3A_145, %cond3A_146 : i32
      scf.if %cond3A_147 {
        %add3A_163 = arith.constant 4 : i32
        %add3A_164 = arith.addi %mul3A_75, %add3A_163 : i32
        %mul3A_165 = arith.constant 80 : i32
        %mul3A_166 = arith.muli %add3A_164, %mul3A_165 : i32
        %dma_start3A_167 = tpu.memref_slice %arg7[%mul3A_166] : memref<10000xi32, #tpu.memory_space<vmem>> -> memref<80xi32, #tpu.memory_space<vmem>>
        %dma_start3A_168 = arith.constant 0 : i32
        %dma_start3A_169 = arith.constant 0 : i32
        %dma_start3A_170 = tpu.memref_slice %arg2[%dma_start3A_168, %dma_start3A_169] : memref<10000x128xf32, #tpu.memory_space<hbm>> -> memref<10000x128xf32, #tpu.memory_space<hbm>>
        tpu.enqueue_indirect_dma source(%dma_start3A_170 : memref<10000x128xf32, #tpu.memory_space<hbm>>) target(%arg10 : memref<80x128xf32, #tpu.memory_space<vmem>>) offsets(%dma_start3A_167 : memref<80xi32, #tpu.memory_space<vmem>>) semaphore(%arg14 : memref<!tpu.dma_semaphore, #tpu.memory_space<semaphore_mem>>)
      } else {
      }
      %add3A_148 = arith.constant 2 : i32
      %add3A_149 = arith.addi %mul3A_75, %add3A_148 : i32
      %mul3A_150 = arith.constant 80 : i32
      %mul3A_151 = arith.muli %add3A_149, %mul3A_150 : i32
      %dma_wait3A_152 = tpu.memref_slice %arg8[%mul3A_151] : memref<10000xi32, #tpu.memory_space<vmem>> -> memref<80xi32, #tpu.memory_space<vmem>>
      %dma_wait3A_153 = arith.constant 0 : i32
      %dma_wait3A_154 = arith.constant 0 : i32
      %dma_wait3A_155 = tpu.memref_slice %arg12[%dma_wait3A_153, %dma_wait3A_154] : memref<10000x128xf32, #tpu.memory_space<vmem_shared>> -> memref<10000x128xf32, #tpu.memory_space<vmem_shared>>
      tpu.wait_indirect_dma semaphore(%arg18 : memref<!tpu.dma_semaphore, #tpu.memory_space<semaphore_mem>>) src(%arg11 : memref<80x128xf32, #tpu.memory_space<vmem>>) dst(%dma_wait3A_155 : memref<10000x128xf32, #tpu.memory_space<vmem_shared>>)
      %add3A_156 = arith.constant 5 : i32
      %add3A_157 = arith.addi %mul3A_75, %add3A_156 : i32
      %lt3A_158 = arith.constant 125 : i32
      %lt3A_159 = arith.cmpi slt, %add3A_157, %lt3A_158 : i32
      %convert_element_type3A_160 = arith.extui %lt3A_159 : i1 to i32
      %cond3A_161 = arith.constant 0 : i32
      %cond3A_162 = arith.cmpi ne, %convert_element_type3A_160, %cond3A_161 : i32
      scf.if %cond3A_162 {
        %add3A_163 = arith.constant 5 : i32
        %add3A_164 = arith.addi %mul3A_75, %add3A_163 : i32
        %mul3A_165 = arith.constant 80 : i32
        %mul3A_166 = arith.muli %add3A_164, %mul3A_165 : i32
        %dma_start3A_167 = tpu.memref_slice %arg7[%mul3A_166] : memref<10000xi32, #tpu.memory_space<vmem>> -> memref<80xi32, #tpu.memory_space<vmem>>
        %dma_start3A_168 = arith.constant 0 : i32
        %dma_start3A_169 = arith.constant 0 : i32
        %dma_start3A_170 = tpu.memref_slice %arg2[%dma_start3A_168, %dma_start3A_169] : memref<10000x128xf32, #tpu.memory_space<hbm>> -> memref<10000x128xf32, #tpu.memory_space<hbm>>
        tpu.enqueue_indirect_dma source(%dma_start3A_170 : memref<10000x128xf32, #tpu.memory_space<hbm>>) target(%arg11 : memref<80x128xf32, #tpu.memory_space<vmem>>) offsets(%dma_start3A_167 : memref<80xi32, #tpu.memory_space<vmem>>) semaphore(%arg15 : memref<!tpu.dma_semaphore, #tpu.memory_space<semaphore_mem>>)
      } else {
      }
    }
    %scan3A_52 = arith.constant 41 : i32
    %dma_wait3A_53 = arith.constant 9840 : i32
    %dma_wait3A_54 = tpu.memref_slice %arg7[%dma_wait3A_53] : memref<10000xi32, #tpu.memory_space<vmem>> -> memref<80xi32, #tpu.memory_space<vmem>>
    %dma_wait3A_55 = arith.constant 0 : i32
    %dma_wait3A_56 = arith.constant 0 : i32
    %dma_wait3A_57 = tpu.memref_slice %arg2[%dma_wait3A_55, %dma_wait3A_56] : memref<10000x128xf32, #tpu.memory_space<hbm>> -> memref<10000x128xf32, #tpu.memory_space<hbm>>
    tpu.wait_indirect_dma semaphore(%arg13 : memref<!tpu.dma_semaphore, #tpu.memory_space<semaphore_mem>>) src(%dma_wait3A_57 : memref<10000x128xf32, #tpu.memory_space<hbm>>) dst(%arg9 : memref<80x128xf32, #tpu.memory_space<vmem>>)
    "tpu.region"() ({
      %run_scoped3A = tpu.sem_alloc : memref<!tpu.dma_semaphore, #tpu.memory_space<semaphore_mem>>
      %dma_start3A_73 = arith.constant 9840 : i32
      %dma_start3A_74 = tpu.memref_slice %arg8[%dma_start3A_73] : memref<10000xi32, #tpu.memory_space<vmem>> -> memref<80xi32, #tpu.memory_space<vmem>>
      %dma_start3A_75 = arith.constant 0 : i32
      %dma_start3A_76 = arith.constant 0 : i32
      %dma_start3A_77 = tpu.memref_slice %arg12[%dma_start3A_75, %dma_start3A_76] : memref<10000x128xf32, #tpu.memory_space<vmem_shared>> -> memref<10000x128xf32, #tpu.memory_space<vmem_shared>>
      tpu.enqueue_indirect_dma source(%arg9 : memref<80x128xf32, #tpu.memory_space<vmem>>) target(%dma_start3A_77 : memref<10000x128xf32, #tpu.memory_space<vmem_shared>>) offsets(%dma_start3A_74 : memref<80xi32, #tpu.memory_space<vmem>>) semaphore(%run_scoped3A : memref<!tpu.dma_semaphore, #tpu.memory_space<semaphore_mem>>) {add = true}
      %dma_wait3A_78 = arith.constant 9840 : i32
      %dma_wait3A_79 = tpu.memref_slice %arg8[%dma_wait3A_78] : memref<10000xi32, #tpu.memory_space<vmem>> -> memref<80xi32, #tpu.memory_space<vmem>>
      %dma_wait3A_80 = arith.constant 0 : i32
      %dma_wait3A_81 = arith.constant 0 : i32
      %dma_wait3A_82 = tpu.memref_slice %arg12[%dma_wait3A_80, %dma_wait3A_81] : memref<10000x128xf32, #tpu.memory_space<vmem_shared>> -> memref<10000x128xf32, #tpu.memory_space<vmem_shared>>
      tpu.wait_indirect_dma semaphore(%run_scoped3A : memref<!tpu.dma_semaphore, #tpu.memory_space<semaphore_mem>>) src(%arg9 : memref<80x128xf32, #tpu.memory_space<vmem>>) dst(%dma_wait3A_82 : memref<10000x128xf32, #tpu.memory_space<vmem_shared>>)
      tpu.yield
    }) : () -> ()
    %dma_wait3A_58 = arith.constant 9920 : i32
    %dma_wait3A_59 = tpu.memref_slice %arg7[%dma_wait3A_58] : memref<10000xi32, #tpu.memory_space<vmem>> -> memref<80xi32, #tpu.memory_space<vmem>>
    %dma_wait3A_60 = arith.constant 0 : i32
    %dma_wait3A_61 = arith.constant 0 : i32
    %dma_wait3A_62 = tpu.memref_slice %arg2[%dma_wait3A_60, %dma_wait3A_61] : memref<10000x128xf32, #tpu.memory_space<hbm>> -> memref<10000x128xf32, #tpu.memory_space<hbm>>
    tpu.wait_indirect_dma semaphore(%arg14 : memref<!tpu.dma_semaphore, #tpu.memory_space<semaphore_mem>>) src(%dma_wait3A_62 : memref<10000x128xf32, #tpu.memory_space<hbm>>) dst(%arg10 : memref<80x128xf32, #tpu.memory_space<vmem>>)
    "tpu.region"() ({
      %run_scoped3A = tpu.sem_alloc : memref<!tpu.dma_semaphore, #tpu.memory_space<semaphore_mem>>
      %dma_start3A_73 = arith.constant 9920 : i32
      %dma_start3A_74 = tpu.memref_slice %arg8[%dma_start3A_73] : memref<10000xi32, #tpu.memory_space<vmem>> -> memref<80xi32, #tpu.memory_space<vmem>>
      %dma_start3A_75 = arith.constant 0 : i32
      %dma_start3A_76 = arith.constant 0 : i32
      %dma_start3A_77 = tpu.memref_slice %arg12[%dma_start3A_75, %dma_start3A_76] : memref<10000x128xf32, #tpu.memory_space<vmem_shared>> -> memref<10000x128xf32, #tpu.memory_space<vmem_shared>>
      tpu.enqueue_indirect_dma source(%arg10 : memref<80x128xf32, #tpu.memory_space<vmem>>) target(%dma_start3A_77 : memref<10000x128xf32, #tpu.memory_space<vmem_shared>>) offsets(%dma_start3A_74 : memref<80xi32, #tpu.memory_space<vmem>>) semaphore(%run_scoped3A : memref<!tpu.dma_semaphore, #tpu.memory_space<semaphore_mem>>) {add = true}
      %dma_wait3A_78 = arith.constant 9920 : i32
      %dma_wait3A_79 = tpu.memref_slice %arg8[%dma_wait3A_78] : memref<10000xi32, #tpu.memory_space<vmem>> -> memref<80xi32, #tpu.memory_space<vmem>>
      %dma_wait3A_80 = arith.constant 0 : i32
      %dma_wait3A_81 = arith.constant 0 : i32
      %dma_wait3A_82 = tpu.memref_slice %arg12[%dma_wait3A_80, %dma_wait3A_81] : memref<10000x128xf32, #tpu.memory_space<vmem_shared>> -> memref<10000x128xf32, #tpu.memory_space<vmem_shared>>
      tpu.wait_indirect_dma semaphore(%run_scoped3A : memref<!tpu.dma_semaphore, #tpu.memory_space<semaphore_mem>>) src(%arg10 : memref<80x128xf32, #tpu.memory_space<vmem>>) dst(%dma_wait3A_82 : memref<10000x128xf32, #tpu.memory_space<vmem_shared>>)
      tpu.yield
    }) : () -> ()
    %barrier3A_63 = arith.constant 0 : index
    tpu.barrier barrier_id(%barrier3A_63)
    %lt3A = arith.constant 15 : i32
    %lt3A_64 = arith.cmpi slt, %arg1, %lt3A : i32
    %convert_element_type3A_65 = arith.extui %lt3A_64 : i1 to i32
    %cond3A_66 = arith.constant 0 : i32
    %cond3A_67 = arith.cmpi ne, %convert_element_type3A_65, %cond3A_66 : i32
    scf.if %cond3A_67 {
      "tpu.region"() ({
        %run_scoped3A = tpu.sem_alloc : memref<!tpu.dma_semaphore, #tpu.memory_space<semaphore_mem>>
        %dma_start3A_73 = arith.constant 0 : i32
        %dma_start3A_74 = tpu.memref_slice %arg6[%arg0, %multiple_of3A, %dma_start3A_73] : memref<2x10000x128xf32, #tpu.memory_space<hbm>> -> memref<1x632x128xf32, #tpu.memory_space<hbm>>
        %dma_start3A_75 = tpu.memref_squeeze %dma_start3A_74 : memref<1x632x128xf32, #tpu.memory_space<hbm>> -> memref<632x128xf32, #tpu.memory_space<hbm>>
        %dma_start3A_76 = arith.constant 0 : i32
        %dma_start3A_77 = tpu.memref_slice %arg12[%multiple_of3A, %dma_start3A_76] : memref<10000x128xf32, #tpu.memory_space<vmem_shared>> -> memref<632x128xf32, #tpu.memory_space<vmem_shared>>
        tpu.enqueue_dma source(%dma_start3A_77 : memref<632x128xf32, #tpu.memory_space<vmem_shared>>) target(%dma_start3A_75 : memref<632x128xf32, #tpu.memory_space<hbm>>) target_semaphore(%run_scoped3A : memref<!tpu.dma_semaphore, #tpu.memory_space<semaphore_mem>>)
        %dma_wait3A_78 = arith.constant 0 : i32
        %dma_wait3A_79 = tpu.memref_slice %arg6[%arg0, %multiple_of3A, %dma_wait3A_78] : memref<2x10000x128xf32, #tpu.memory_space<hbm>> -> memref<1x632x128xf32, #tpu.memory_space<hbm>>
        %dma_wait3A_80 = tpu.memref_squeeze %dma_wait3A_79 : memref<1x632x128xf32, #tpu.memory_space<hbm>> -> memref<632x128xf32, #tpu.memory_space<hbm>>
        %dma_wait3A_81 = arith.constant 0 : i32
        %dma_wait3A_82 = tpu.memref_slice %arg12[%multiple_of3A, %dma_wait3A_81] : memref<10000x128xf32, #tpu.memory_space<vmem_shared>> -> memref<632x128xf32, #tpu.memory_space<vmem_shared>>
        tpu.wait_dma2 semaphore(%run_scoped3A : memref<!tpu.dma_semaphore, #tpu.memory_space<semaphore_mem>>) src(%dma_wait3A_82 : memref<632x128xf32, #tpu.memory_space<vmem_shared>>) dst(%dma_wait3A_80 : memref<632x128xf32, #tpu.memory_space<hbm>>)
        tpu.yield
      }) : () -> ()
    } else {
    }
    %eq3A_68 = arith.constant 15 : i32
    %eq3A_69 = arith.cmpi eq, %arg1, %eq3A_68 : i32
    %convert_element_type3A_70 = arith.extui %eq3A_69 : i1 to i32
    %cond3A_71 = arith.constant 0 : i32
    %cond3A_72 = arith.cmpi ne, %convert_element_type3A_70, %cond3A_71 : i32
    scf.if %cond3A_72 {
      "tpu.region"() ({
        %run_scoped3A = tpu.sem_alloc : memref<!tpu.dma_semaphore, #tpu.memory_space<semaphore_mem>>
        %dma_start3A_73 = arith.constant 9480 : i32
        %dma_start3A_74 = arith.constant 0 : i32
        %dma_start3A_75 = tpu.memref_slice %arg6[%arg0, %dma_start3A_73, %dma_start3A_74] : memref<2x10000x128xf32, #tpu.memory_space<hbm>> -> memref<1x520x128xf32, #tpu.memory_space<hbm>>
        %dma_start3A_76 = tpu.memref_squeeze %dma_start3A_75 : memref<1x520x128xf32, #tpu.memory_space<hbm>> -> memref<520x128xf32, #tpu.memory_space<hbm>>
        %dma_start3A_77 = arith.constant 9480 : i32
        %dma_start3A_78 = arith.constant 0 : i32
        %dma_start3A_79 = tpu.memref_slice %arg12[%dma_start3A_77, %dma_start3A_78] : memref<10000x128xf32, #tpu.memory_space<vmem_shared>> -> memref<520x128xf32, #tpu.memory_space<vmem_shared>>
        tpu.enqueue_dma source(%dma_start3A_79 : memref<520x128xf32, #tpu.memory_space<vmem_shared>>) target(%dma_start3A_76 : memref<520x128xf32, #tpu.memory_space<hbm>>) target_semaphore(%run_scoped3A : memref<!tpu.dma_semaphore, #tpu.memory_space<semaphore_mem>>)
        %dma_wait3A_80 = arith.constant 9480 : i32
        %dma_wait3A_81 = arith.constant 0 : i32
        %dma_wait3A_82 = tpu.memref_slice %arg6[%arg0, %dma_wait3A_80, %dma_wait3A_81] : memref<2x10000x128xf32, #tpu.memory_space<hbm>> -> memref<1x520x128xf32, #tpu.memory_space<hbm>>
        %dma_wait3A_83 = tpu.memref_squeeze %dma_wait3A_82 : memref<1x520x128xf32, #tpu.memory_space<hbm>> -> memref<520x128xf32, #tpu.memory_space<hbm>>
        %dma_wait3A_84 = arith.constant 9480 : i32
        %dma_wait3A_85 = arith.constant 0 : i32
        %dma_wait3A_86 = tpu.memref_slice %arg12[%dma_wait3A_84, %dma_wait3A_85] : memref<10000x128xf32, #tpu.memory_space<vmem_shared>> -> memref<520x128xf32, #tpu.memory_space<vmem_shared>>
        tpu.wait_dma2 semaphore(%run_scoped3A : memref<!tpu.dma_semaphore, #tpu.memory_space<semaphore_mem>>) src(%dma_wait3A_86 : memref<520x128xf32, #tpu.memory_space<vmem_shared>>) dst(%dma_wait3A_83 : memref<520x128xf32, #tpu.memory_space<hbm>>)
        tpu.yield
      }) : () -> ()
    } else {
    }
    return
  }
}

module attributes {stable_mosaic.version = 14 : i64} {
  func.func @_tc_layer_body(%arg0: i32, %arg1: memref<2x10000x128xf32, #tpu.memory_space<vmem>>, %arg2: memref<10000x384xf32, #tpu.memory_space<hbm>>, %arg3: memref<128x128xf32, #tpu.memory_space<vmem>>, %arg4: memref<1x128xf32, #tpu.memory_space<vmem>>, %arg5: memref<128x128xf32, #tpu.memory_space<vmem>>, %arg6: memref<1x128xf32, #tpu.memory_space<vmem>>, %arg7: memref<1x128xf32, #tpu.memory_space<vmem>>, %arg8: memref<1x128xf32, #tpu.memory_space<vmem>>, %arg9: memref<1x10000xi32, #tpu.memory_space<vmem>>, %arg10: memref<10000x128xf32, #tpu.memory_space<vmem>>, %arg11: memref<10000x128xf32, #tpu.memory_space<vmem>>, %arg12: memref<64x128xf32, #tpu.memory_space<vmem>>) attributes {dimension_semantics = [#tpu.dimension_semantics<arbitrary>], iteration_bounds = array<i64: 1>, scalar_prefetch = 0 : i64, scratch_operands = 0 : i64, tpu.core_type = #tpu.core_type<tc>, window_params = [{pipeline_mode = #tpu.pipeline_mode<synchronous>, transform_indices = @transform_0, window_bounds = array<i64: 2, 10000, 128>}, {}, {pipeline_mode = #tpu.pipeline_mode<synchronous>, transform_indices = @transform_2, window_bounds = array<i64: 128, 128>}, {pipeline_mode = #tpu.pipeline_mode<synchronous>, transform_indices = @transform_3, window_bounds = array<i64: 1, 128>}, {pipeline_mode = #tpu.pipeline_mode<synchronous>, transform_indices = @transform_4, window_bounds = array<i64: 128, 128>}, {pipeline_mode = #tpu.pipeline_mode<synchronous>, transform_indices = @transform_5, window_bounds = array<i64: 1, 128>}, {pipeline_mode = #tpu.pipeline_mode<synchronous>, transform_indices = @transform_6, window_bounds = array<i64: 1, 128>}, {pipeline_mode = #tpu.pipeline_mode<synchronous>, transform_indices = @transform_7, window_bounds = array<i64: 1, 128>}, {pipeline_mode = #tpu.pipeline_mode<synchronous>, transform_indices = @transform_8, window_bounds = array<i64: 1, 10000>}, {pipeline_mode = #tpu.pipeline_mode<synchronous>, transform_indices = @transform_9, window_bounds = array<i64: 10000, 128>}, {transform_indices = @transform_10, window_bounds = array<i64: 10000, 128>}, {pipeline_mode = #tpu.pipeline_mode<synchronous>, transform_indices = @transform_11, window_bounds = array<i64: 64, 128>}]} {
    %get3A = arith.constant 0 : index
    %get3A_0 = arith.constant 0 : index
    %get3A_1 = arith.constant 0 : index
    %get3A_2 = vector.load %arg1[%get3A, %get3A_0, %get3A_1] : memref<2x10000x128xf32, #tpu.memory_space<vmem>>, vector<1x10000x128xf32>
    %get3A_3 = vector.shape_cast %get3A_2 : vector<1x10000x128xf32> to vector<10000x128xf32>
    %get3A_4 = arith.constant 1 : index
    %get3A_5 = arith.constant 0 : index
    %get3A_6 = arith.constant 0 : index
    %get3A_7 = vector.load %arg1[%get3A_4, %get3A_5, %get3A_6] : memref<2x10000x128xf32, #tpu.memory_space<vmem>>, vector<1x10000x128xf32>
    %get3A_8 = vector.shape_cast %get3A_7 : vector<1x10000x128xf32> to vector<10000x128xf32>
    %add3A = arith.addf %get3A_3, %get3A_8 : vector<10000x128xf32>
    %get3A_9 = arith.constant 0 : index
    %get3A_10 = arith.constant 0 : index
    %get3A_11 = vector.load %arg3[%get3A_9, %get3A_10] : memref<128x128xf32, #tpu.memory_space<vmem>>, vector<128x128xf32>
    %dot_general3A = arith.constant dense<0.000000e+00> : vector<10000x128xf32>
    %dot_general3A_12 = tpu.matmul %add3A, %get3A_11, %dot_general3A {dimension_numbers = #tpu.dot_dimension_numbers<[1], [0], [0], [1], [0, 0, 1, 1], [], []>, transpose_lhs_hint = false} : vector<10000x128xf32>, vector<128x128xf32>, vector<10000x128xf32> -> vector<10000x128xf32>
    %get3A_13 = arith.constant 0 : index
    %get3A_14 = arith.constant 0 : index
    %get3A_15 = vector.load %arg4[%get3A_13, %get3A_14] : memref<1x128xf32, #tpu.memory_space<vmem>>, vector<1x128xf32>
    %add3A_16 = vector.broadcast %get3A_15 : vector<1x128xf32> to vector<10000x128xf32>
    %add3A_17 = arith.addf %dot_general3A_12, %add3A_16 : vector<10000x128xf32>
    %gt3A = arith.constant 0.000000e+00 : f32
    %gt3A_18 = vector.broadcast %gt3A : f32 to vector<10000x128xf32>
    %gt3A_19 = arith.cmpf ogt, %add3A_17, %gt3A_18 : vector<10000x128xf32>
    %mul3A = arith.constant 0.00999999977 : f32
    %mul3A_20 = vector.broadcast %mul3A : f32 to vector<10000x128xf32>
    %mul3A_21 = arith.mulf %mul3A_20, %add3A_17 : vector<10000x128xf32>
    %select_n3A = arith.select %gt3A_19, %add3A_17, %mul3A_21 : vector<10000x128xi1>, vector<10000x128xf32>
    %get3A_22 = arith.constant 0 : index
    %get3A_23 = arith.constant 0 : index
    %get3A_24 = vector.load %arg5[%get3A_22, %get3A_23] : memref<128x128xf32, #tpu.memory_space<vmem>>, vector<128x128xf32>
    %dot_general3A_25 = arith.constant dense<0.000000e+00> : vector<10000x128xf32>
    %dot_general3A_26 = tpu.matmul %select_n3A, %get3A_24, %dot_general3A_25 {dimension_numbers = #tpu.dot_dimension_numbers<[1], [0], [0], [1], [0, 0, 1, 1], [], []>, transpose_lhs_hint = false} : vector<10000x128xf32>, vector<128x128xf32>, vector<10000x128xf32> -> vector<10000x128xf32>
    %get3A_27 = arith.constant 0 : index
    %get3A_28 = arith.constant 0 : index
    %get3A_29 = vector.load %arg6[%get3A_27, %get3A_28] : memref<1x128xf32, #tpu.memory_space<vmem>>, vector<1x128xf32>
    %add3A_30 = vector.broadcast %get3A_29 : vector<1x128xf32> to vector<10000x128xf32>
    %add3A_31 = arith.addf %dot_general3A_26, %add3A_30 : vector<10000x128xf32>
    %gt3A_32 = arith.constant 0.000000e+00 : f32
    %gt3A_33 = vector.broadcast %gt3A_32 : f32 to vector<10000x128xf32>
    %gt3A_34 = arith.cmpf ogt, %add3A_31, %gt3A_33 : vector<10000x128xf32>
    %mul3A_35 = arith.constant 0.00999999977 : f32
    %mul3A_36 = vector.broadcast %mul3A_35 : f32 to vector<10000x128xf32>
    %mul3A_37 = arith.mulf %mul3A_36, %add3A_31 : vector<10000x128xf32>
    %select_n3A_38 = arith.select %gt3A_34, %add3A_31, %mul3A_37 : vector<10000x128xi1>, vector<10000x128xf32>
    %reduce_sum3A = arith.constant dense<0.000000e+00> : vector<10000xf32>
    %reduce_sum3A_39 = vector.multi_reduction <add>, %select_n3A_38, %reduce_sum3A [1] : vector<10000x128xf32> to vector<10000xf32>
    %broadcast_in_dim3A = vector.shape_cast %reduce_sum3A_39 : vector<10000xf32> to vector<10000x1xf32>
    %div3A = arith.constant 1.280000e+02 : f32
    %div3A_40 = vector.broadcast %div3A : f32 to vector<10000x1xf32>
    %div3A_41 = arith.divf %broadcast_in_dim3A, %div3A_40 : vector<10000x1xf32>
    %sub3A = vector.broadcast %div3A_41 : vector<10000x1xf32> to vector<10000x128xf32>
    %sub3A_42 = arith.subf %select_n3A_38, %sub3A : vector<10000x128xf32>
    %mul3A_43 = arith.mulf %sub3A_42, %sub3A_42 : vector<10000x128xf32>
    %reduce_sum3A_44 = arith.constant dense<0.000000e+00> : vector<10000xf32>
    %reduce_sum3A_45 = vector.multi_reduction <add>, %mul3A_43, %reduce_sum3A_44 [1] : vector<10000x128xf32> to vector<10000xf32>
    %broadcast_in_dim3A_46 = vector.shape_cast %reduce_sum3A_45 : vector<10000xf32> to vector<10000x1xf32>
    %div3A_47 = arith.constant 1.280000e+02 : f32
    %div3A_48 = vector.broadcast %div3A_47 : f32 to vector<10000x1xf32>
    %div3A_49 = arith.divf %broadcast_in_dim3A_46, %div3A_48 : vector<10000x1xf32>
    %add3A_50 = arith.constant 9.99999974E-6 : f32
    %add3A_51 = vector.broadcast %add3A_50 : f32 to vector<10000x1xf32>
    %add3A_52 = arith.addf %div3A_49, %add3A_51 : vector<10000x1xf32>
    %rsqrt3A = math.rsqrt %add3A_52 : vector<10000x1xf32>
    %mul3A_53 = vector.broadcast %rsqrt3A : vector<10000x1xf32> to vector<10000x128xf32>
    %mul3A_54 = arith.mulf %sub3A_42, %mul3A_53 : vector<10000x128xf32>
    %reduce_sum3A_55 = arith.constant dense<0.000000e+00> : vector<128xf32>
    %reduce_sum3A_56 = vector.multi_reduction <add>, %mul3A_54, %reduce_sum3A_55 [0] : vector<10000x128xf32> to vector<128xf32>
    %broadcast_in_dim3A_57 = vector.shape_cast %reduce_sum3A_56 : vector<128xf32> to vector<1x128xf32>
    %div3A_58 = arith.constant 1.000000e+04 : f32
    %div3A_59 = vector.broadcast %div3A_58 : f32 to vector<1x128xf32>
    %div3A_60 = arith.divf %broadcast_in_dim3A_57, %div3A_59 : vector<1x128xf32>
    %sub3A_61 = vector.broadcast %div3A_60 : vector<1x128xf32> to vector<10000x128xf32>
    %sub3A_62 = arith.subf %mul3A_54, %sub3A_61 : vector<10000x128xf32>
    %mul3A_63 = arith.mulf %sub3A_62, %sub3A_62 : vector<10000x128xf32>
    %reduce_sum3A_64 = arith.constant dense<0.000000e+00> : vector<128xf32>
    %reduce_sum3A_65 = vector.multi_reduction <add>, %mul3A_63, %reduce_sum3A_64 [0] : vector<10000x128xf32> to vector<128xf32>
    %broadcast_in_dim3A_66 = vector.shape_cast %reduce_sum3A_65 : vector<128xf32> to vector<1x128xf32>
    %div3A_67 = arith.constant 1.000000e+04 : f32
    %div3A_68 = vector.broadcast %div3A_67 : f32 to vector<1x128xf32>
    %div3A_69 = arith.divf %broadcast_in_dim3A_66, %div3A_68 : vector<1x128xf32>
    %add3A_70 = arith.constant 9.99999974E-6 : f32
    %add3A_71 = vector.broadcast %add3A_70 : f32 to vector<1x128xf32>
    %add3A_72 = arith.addf %div3A_69, %add3A_71 : vector<1x128xf32>
    %rsqrt3A_73 = math.rsqrt %add3A_72 : vector<1x128xf32>
    %mul3A_74 = vector.broadcast %rsqrt3A_73 : vector<1x128xf32> to vector<10000x128xf32>
    %mul3A_75 = arith.mulf %sub3A_62, %mul3A_74 : vector<10000x128xf32>
    %get3A_76 = arith.constant 0 : index
    %get3A_77 = arith.constant 0 : index
    %get3A_78 = vector.load %arg7[%get3A_76, %get3A_77] : memref<1x128xf32, #tpu.memory_space<vmem>>, vector<1x128xf32>
    %mul3A_79 = vector.broadcast %get3A_78 : vector<1x128xf32> to vector<10000x128xf32>
    %mul3A_80 = arith.mulf %mul3A_75, %mul3A_79 : vector<10000x128xf32>
    %get3A_81 = arith.constant 0 : index
    %get3A_82 = arith.constant 0 : index
    %get3A_83 = vector.load %arg8[%get3A_81, %get3A_82] : memref<1x128xf32, #tpu.memory_space<vmem>>, vector<1x128xf32>
    %add3A_84 = vector.broadcast %get3A_83 : vector<1x128xf32> to vector<10000x128xf32>
    %add3A_85 = arith.addf %mul3A_80, %add3A_84 : vector<10000x128xf32>
    %swap3A = arith.constant 0 : index
    %swap3A_86 = arith.constant 0 : index
    %swap3A_87 = vector.load %arg10[%swap3A, %swap3A_86] : memref<10000x128xf32, #tpu.memory_space<vmem>>, vector<10000x128xf32>
    tpu.vector_store %arg10[%swap3A, %swap3A_86], %add3A_85 {strides = array<i32>} : memref<10000x128xf32, #tpu.memory_space<vmem>>, vector<10000x128xf32>,
    %swap3A_88 = arith.constant 0 : index
    %swap3A_89 = arith.constant 0 : index
    %swap3A_90 = vector.load %arg11[%swap3A_88, %swap3A_89] : memref<10000x128xf32, #tpu.memory_space<vmem>>, vector<10000x128xf32>
    tpu.vector_store %arg11[%swap3A_88, %swap3A_89], %add3A_85 {strides = array<i32>} : memref<10000x128xf32, #tpu.memory_space<vmem>>, vector<10000x128xf32>,
    %get3A_91 = arith.constant 0 : index
    %get3A_92 = arith.constant 0 : index
    %get3A_93 = vector.load %arg9[%get3A_91, %get3A_92] : memref<1x10000xi32, #tpu.memory_space<vmem>>, vector<1x10000xi32>
    %iota3A = tpu.iota {dimensions = array<i32: 0>} : vector<64x1xi32>
    %eq3A = vector.broadcast %get3A_93 : vector<1x10000xi32> to vector<64x10000xi32>
    %eq3A_94 = vector.broadcast %iota3A : vector<64x1xi32> to vector<64x10000xi32>
    %eq3A_95 = arith.cmpi eq, %eq3A, %eq3A_94 : vector<64x10000xi32>
    %convert_element_type3A = arith.extui %eq3A_95 : vector<64x10000xi1> to vector<64x10000xi32>
    %convert_element_type3A_96 = arith.sitofp %convert_element_type3A : vector<64x10000xi32> to vector<64x10000xf32>
    %dot_general3A_97 = arith.constant dense<0.000000e+00> : vector<64x128xf32>
    %dot_general3A_98 = tpu.matmul %convert_element_type3A_96, %add3A_85, %dot_general3A_97 {dimension_numbers = #tpu.dot_dimension_numbers<[1], [0], [0], [1], [0, 0, 1, 1], [], []>, transpose_lhs_hint = false} : vector<64x10000xf32>, vector<10000x128xf32>, vector<64x128xf32> -> vector<64x128xf32>
    %swap3A_99 = arith.constant 0 : index
    %swap3A_100 = arith.constant 0 : index
    %swap3A_101 = vector.load %arg12[%swap3A_99, %swap3A_100] : memref<64x128xf32, #tpu.memory_space<vmem>>, vector<64x128xf32>
    tpu.vector_store %arg12[%swap3A_99, %swap3A_100], %dot_general3A_98 {strides = array<i32>} : memref<64x128xf32, #tpu.memory_space<vmem>>, vector<64x128xf32>,
    return
  }
  func.func @transform_0(%arg0: i32) -> (i32, i32, i32) {
    %c0_i32 = arith.constant 0 : i32
    %c0_i32_0 = arith.constant 0 : i32
    %c0_i32_1 = arith.constant 0 : i32
    %c0_i32_2 = arith.constant 0 : i32
    return %c0_i32, %c0_i32_0, %c0_i32_1 : i32, i32, i32
  }
  func.func @transform_2(%arg0: i32) -> (i32, i32) {
    %c0_i32 = arith.constant 0 : i32
    %c0_i32_0 = arith.constant 0 : i32
    %c0_i32_1 = arith.constant 0 : i32
    return %c0_i32, %c0_i32_0 : i32, i32
  }
  func.func @transform_3(%arg0: i32) -> (i32, i32) {
    %c0_i32 = arith.constant 0 : i32
    %c0_i32_0 = arith.constant 0 : i32
    %c0_i32_1 = arith.constant 0 : i32
    return %c0_i32, %c0_i32_0 : i32, i32
  }
  func.func @transform_4(%arg0: i32) -> (i32, i32) {
    %c0_i32 = arith.constant 0 : i32
    %c0_i32_0 = arith.constant 0 : i32
    %c0_i32_1 = arith.constant 0 : i32
    return %c0_i32, %c0_i32_0 : i32, i32
  }
  func.func @transform_5(%arg0: i32) -> (i32, i32) {
    %c0_i32 = arith.constant 0 : i32
    %c0_i32_0 = arith.constant 0 : i32
    %c0_i32_1 = arith.constant 0 : i32
    return %c0_i32, %c0_i32_0 : i32, i32
  }
  func.func @transform_6(%arg0: i32) -> (i32, i32) {
    %c0_i32 = arith.constant 0 : i32
    %c0_i32_0 = arith.constant 0 : i32
    %c0_i32_1 = arith.constant 0 : i32
    return %c0_i32, %c0_i32_0 : i32, i32
  }
  func.func @transform_7(%arg0: i32) -> (i32, i32) {
    %c0_i32 = arith.constant 0 : i32
    %c0_i32_0 = arith.constant 0 : i32
    %c0_i32_1 = arith.constant 0 : i32
    return %c0_i32, %c0_i32_0 : i32, i32
  }
  func.func @transform_8(%arg0: i32) -> (i32, i32) {
    %c0_i32 = arith.constant 0 : i32
    %c0_i32_0 = arith.constant 0 : i32
    %c0_i32_1 = arith.constant 0 : i32
    return %c0_i32, %c0_i32_0 : i32, i32
  }
  func.func @transform_9(%arg0: i32) -> (i32, i32) {
    %c0_i32 = arith.constant 0 : i32
    %c0_i32_0 = arith.constant 0 : i32
    %c0_i32_1 = arith.constant 0 : i32
    return %c0_i32, %c0_i32_0 : i32, i32
  }
  func.func @transform_10(%arg0: i32) -> (i32, i32) {
    %c0_i32 = arith.constant 0 : i32
    %c0_i32_0 = arith.constant 0 : i32
    %c0_i32_1 = arith.constant 0 : i32
    return %c0_i32, %c0_i32_0 : i32, i32
  }
  func.func @transform_11(%arg0: i32) -> (i32, i32) {
    %c0_i32 = arith.constant 0 : i32
    %c0_i32_0 = arith.constant 0 : i32
    %c0_i32_1 = arith.constant 0 : i32
    return %c0_i32, %c0_i32_0 : i32, i32
  }
}

module attributes {stable_mosaic.version = 14 : i64} {
  func.func @_tc_layer_body(%arg0: i32, %arg1: memref<2x10000x128xf32, #tpu.memory_space<vmem>>, %arg2: memref<10000x384xf32, #tpu.memory_space<hbm>>, %arg3: memref<128x128xf32, #tpu.memory_space<vmem>>, %arg4: memref<1x128xf32, #tpu.memory_space<vmem>>, %arg5: memref<128x128xf32, #tpu.memory_space<vmem>>, %arg6: memref<1x128xf32, #tpu.memory_space<vmem>>, %arg7: memref<1x128xf32, #tpu.memory_space<vmem>>, %arg8: memref<1x128xf32, #tpu.memory_space<vmem>>, %arg9: memref<1x10000xi32, #tpu.memory_space<vmem>>, %arg10: memref<10000x128xf32, #tpu.memory_space<vmem>>, %arg11: memref<10000x128xf32, #tpu.memory_space<vmem>>, %arg12: memref<64x128xf32, #tpu.memory_space<vmem>>) attributes {dimension_semantics = [#tpu.dimension_semantics<arbitrary>], iteration_bounds = array<i64: 1>, scalar_prefetch = 0 : i64, scratch_operands = 0 : i64, tpu.core_type = #tpu.core_type<tc>, window_params = [{pipeline_mode = #tpu.pipeline_mode<synchronous>, transform_indices = @transform_0, window_bounds = array<i64: 2, 10000, 128>}, {}, {pipeline_mode = #tpu.pipeline_mode<synchronous>, transform_indices = @transform_2, window_bounds = array<i64: 128, 128>}, {pipeline_mode = #tpu.pipeline_mode<synchronous>, transform_indices = @transform_3, window_bounds = array<i64: 1, 128>}, {pipeline_mode = #tpu.pipeline_mode<synchronous>, transform_indices = @transform_4, window_bounds = array<i64: 128, 128>}, {pipeline_mode = #tpu.pipeline_mode<synchronous>, transform_indices = @transform_5, window_bounds = array<i64: 1, 128>}, {pipeline_mode = #tpu.pipeline_mode<synchronous>, transform_indices = @transform_6, window_bounds = array<i64: 1, 128>}, {pipeline_mode = #tpu.pipeline_mode<synchronous>, transform_indices = @transform_7, window_bounds = array<i64: 1, 128>}, {pipeline_mode = #tpu.pipeline_mode<synchronous>, transform_indices = @transform_8, window_bounds = array<i64: 1, 10000>}, {pipeline_mode = #tpu.pipeline_mode<synchronous>, transform_indices = @transform_9, window_bounds = array<i64: 10000, 128>}, {transform_indices = @transform_10, window_bounds = array<i64: 10000, 128>}, {pipeline_mode = #tpu.pipeline_mode<synchronous>, transform_indices = @transform_11, window_bounds = array<i64: 64, 128>}]} {
    %get3A = arith.constant 0 : index
    %get3A_0 = arith.constant 0 : index
    %get3A_1 = arith.constant 0 : index
    %get3A_2 = vector.load %arg1[%get3A, %get3A_0, %get3A_1] : memref<2x10000x128xf32, #tpu.memory_space<vmem>>, vector<1x10000x128xf32>
    %get3A_3 = vector.shape_cast %get3A_2 : vector<1x10000x128xf32> to vector<10000x128xf32>
    %get3A_4 = arith.constant 1 : index
    %get3A_5 = arith.constant 0 : index
    %get3A_6 = arith.constant 0 : index
    %get3A_7 = vector.load %arg1[%get3A_4, %get3A_5, %get3A_6] : memref<2x10000x128xf32, #tpu.memory_space<vmem>>, vector<1x10000x128xf32>
    %get3A_8 = vector.shape_cast %get3A_7 : vector<1x10000x128xf32> to vector<10000x128xf32>
    %add3A = arith.addf %get3A_3, %get3A_8 : vector<10000x128xf32>
    %get3A_9 = arith.constant 0 : index
    %get3A_10 = arith.constant 0 : index
    %get3A_11 = vector.load %arg3[%get3A_9, %get3A_10] : memref<128x128xf32, #tpu.memory_space<vmem>>, vector<128x128xf32>
    %dot_general3A = arith.constant dense<0.000000e+00> : vector<10000x128xf32>
    %dot_general3A_12 = tpu.matmul %add3A, %get3A_11, %dot_general3A {dimension_numbers = #tpu.dot_dimension_numbers<[1], [0], [0], [1], [0, 0, 1, 1], [], []>, transpose_lhs_hint = false} : vector<10000x128xf32>, vector<128x128xf32>, vector<10000x128xf32> -> vector<10000x128xf32>
    %get3A_13 = arith.constant 0 : index
    %get3A_14 = arith.constant 0 : index
    %get3A_15 = vector.load %arg4[%get3A_13, %get3A_14] : memref<1x128xf32, #tpu.memory_space<vmem>>, vector<1x128xf32>
    %add3A_16 = vector.broadcast %get3A_15 : vector<1x128xf32> to vector<10000x128xf32>
    %add3A_17 = arith.addf %dot_general3A_12, %add3A_16 : vector<10000x128xf32>
    %gt3A = arith.constant 0.000000e+00 : f32
    %gt3A_18 = vector.broadcast %gt3A : f32 to vector<10000x128xf32>
    %gt3A_19 = arith.cmpf ogt, %add3A_17, %gt3A_18 : vector<10000x128xf32>
    %mul3A = arith.constant 0.00999999977 : f32
    %mul3A_20 = vector.broadcast %mul3A : f32 to vector<10000x128xf32>
    %mul3A_21 = arith.mulf %mul3A_20, %add3A_17 : vector<10000x128xf32>
    %select_n3A = arith.select %gt3A_19, %add3A_17, %mul3A_21 : vector<10000x128xi1>, vector<10000x128xf32>
    %get3A_22 = arith.constant 0 : index
    %get3A_23 = arith.constant 0 : index
    %get3A_24 = vector.load %arg5[%get3A_22, %get3A_23] : memref<128x128xf32, #tpu.memory_space<vmem>>, vector<128x128xf32>
    %dot_general3A_25 = arith.constant dense<0.000000e+00> : vector<10000x128xf32>
    %dot_general3A_26 = tpu.matmul %select_n3A, %get3A_24, %dot_general3A_25 {dimension_numbers = #tpu.dot_dimension_numbers<[1], [0], [0], [1], [0, 0, 1, 1], [], []>, transpose_lhs_hint = false} : vector<10000x128xf32>, vector<128x128xf32>, vector<10000x128xf32> -> vector<10000x128xf32>
    %get3A_27 = arith.constant 0 : index
    %get3A_28 = arith.constant 0 : index
    %get3A_29 = vector.load %arg6[%get3A_27, %get3A_28] : memref<1x128xf32, #tpu.memory_space<vmem>>, vector<1x128xf32>
    %add3A_30 = vector.broadcast %get3A_29 : vector<1x128xf32> to vector<10000x128xf32>
    %add3A_31 = arith.addf %dot_general3A_26, %add3A_30 : vector<10000x128xf32>
    %gt3A_32 = arith.constant 0.000000e+00 : f32
    %gt3A_33 = vector.broadcast %gt3A_32 : f32 to vector<10000x128xf32>
    %gt3A_34 = arith.cmpf ogt, %add3A_31, %gt3A_33 : vector<10000x128xf32>
    %mul3A_35 = arith.constant 0.00999999977 : f32
    %mul3A_36 = vector.broadcast %mul3A_35 : f32 to vector<10000x128xf32>
    %mul3A_37 = arith.mulf %mul3A_36, %add3A_31 : vector<10000x128xf32>
    %select_n3A_38 = arith.select %gt3A_34, %add3A_31, %mul3A_37 : vector<10000x128xi1>, vector<10000x128xf32>
    %reduce_sum3A = arith.constant dense<0.000000e+00> : vector<10000xf32>
    %reduce_sum3A_39 = vector.multi_reduction <add>, %select_n3A_38, %reduce_sum3A [1] : vector<10000x128xf32> to vector<10000xf32>
    %broadcast_in_dim3A = vector.shape_cast %reduce_sum3A_39 : vector<10000xf32> to vector<10000x1xf32>
    %div3A = arith.constant 1.280000e+02 : f32
    %div3A_40 = vector.broadcast %div3A : f32 to vector<10000x1xf32>
    %div3A_41 = arith.divf %broadcast_in_dim3A, %div3A_40 : vector<10000x1xf32>
    %sub3A = vector.broadcast %div3A_41 : vector<10000x1xf32> to vector<10000x128xf32>
    %sub3A_42 = arith.subf %select_n3A_38, %sub3A : vector<10000x128xf32>
    %mul3A_43 = arith.mulf %sub3A_42, %sub3A_42 : vector<10000x128xf32>
    %reduce_sum3A_44 = arith.constant dense<0.000000e+00> : vector<10000xf32>
    %reduce_sum3A_45 = vector.multi_reduction <add>, %mul3A_43, %reduce_sum3A_44 [1] : vector<10000x128xf32> to vector<10000xf32>
    %broadcast_in_dim3A_46 = vector.shape_cast %reduce_sum3A_45 : vector<10000xf32> to vector<10000x1xf32>
    %div3A_47 = arith.constant 1.280000e+02 : f32
    %div3A_48 = vector.broadcast %div3A_47 : f32 to vector<10000x1xf32>
    %div3A_49 = arith.divf %broadcast_in_dim3A_46, %div3A_48 : vector<10000x1xf32>
    %add3A_50 = arith.constant 9.99999974E-6 : f32
    %add3A_51 = vector.broadcast %add3A_50 : f32 to vector<10000x1xf32>
    %add3A_52 = arith.addf %div3A_49, %add3A_51 : vector<10000x1xf32>
    %rsqrt3A = math.rsqrt %add3A_52 : vector<10000x1xf32>
    %mul3A_53 = vector.broadcast %rsqrt3A : vector<10000x1xf32> to vector<10000x128xf32>
    %mul3A_54 = arith.mulf %sub3A_42, %mul3A_53 : vector<10000x128xf32>
    %reduce_sum3A_55 = arith.constant dense<0.000000e+00> : vector<128xf32>
    %reduce_sum3A_56 = vector.multi_reduction <add>, %mul3A_54, %reduce_sum3A_55 [0] : vector<10000x128xf32> to vector<128xf32>
    %broadcast_in_dim3A_57 = vector.shape_cast %reduce_sum3A_56 : vector<128xf32> to vector<1x128xf32>
    %div3A_58 = arith.constant 1.000000e+04 : f32
    %div3A_59 = vector.broadcast %div3A_58 : f32 to vector<1x128xf32>
    %div3A_60 = arith.divf %broadcast_in_dim3A_57, %div3A_59 : vector<1x128xf32>
    %sub3A_61 = vector.broadcast %div3A_60 : vector<1x128xf32> to vector<10000x128xf32>
    %sub3A_62 = arith.subf %mul3A_54, %sub3A_61 : vector<10000x128xf32>
    %mul3A_63 = arith.mulf %sub3A_62, %sub3A_62 : vector<10000x128xf32>
    %reduce_sum3A_64 = arith.constant dense<0.000000e+00> : vector<128xf32>
    %reduce_sum3A_65 = vector.multi_reduction <add>, %mul3A_63, %reduce_sum3A_64 [0] : vector<10000x128xf32> to vector<128xf32>
    %broadcast_in_dim3A_66 = vector.shape_cast %reduce_sum3A_65 : vector<128xf32> to vector<1x128xf32>
    %div3A_67 = arith.constant 1.000000e+04 : f32
    %div3A_68 = vector.broadcast %div3A_67 : f32 to vector<1x128xf32>
    %div3A_69 = arith.divf %broadcast_in_dim3A_66, %div3A_68 : vector<1x128xf32>
    %add3A_70 = arith.constant 9.99999974E-6 : f32
    %add3A_71 = vector.broadcast %add3A_70 : f32 to vector<1x128xf32>
    %add3A_72 = arith.addf %div3A_69, %add3A_71 : vector<1x128xf32>
    %rsqrt3A_73 = math.rsqrt %add3A_72 : vector<1x128xf32>
    %mul3A_74 = vector.broadcast %rsqrt3A_73 : vector<1x128xf32> to vector<10000x128xf32>
    %mul3A_75 = arith.mulf %sub3A_62, %mul3A_74 : vector<10000x128xf32>
    %get3A_76 = arith.constant 0 : index
    %get3A_77 = arith.constant 0 : index
    %get3A_78 = vector.load %arg7[%get3A_76, %get3A_77] : memref<1x128xf32, #tpu.memory_space<vmem>>, vector<1x128xf32>
    %mul3A_79 = vector.broadcast %get3A_78 : vector<1x128xf32> to vector<10000x128xf32>
    %mul3A_80 = arith.mulf %mul3A_75, %mul3A_79 : vector<10000x128xf32>
    %get3A_81 = arith.constant 0 : index
    %get3A_82 = arith.constant 0 : index
    %get3A_83 = vector.load %arg8[%get3A_81, %get3A_82] : memref<1x128xf32, #tpu.memory_space<vmem>>, vector<1x128xf32>
    %add3A_84 = vector.broadcast %get3A_83 : vector<1x128xf32> to vector<10000x128xf32>
    %add3A_85 = arith.addf %mul3A_80, %add3A_84 : vector<10000x128xf32>
    %swap3A = arith.constant 0 : index
    %swap3A_86 = arith.constant 0 : index
    %swap3A_87 = vector.load %arg10[%swap3A, %swap3A_86] : memref<10000x128xf32, #tpu.memory_space<vmem>>, vector<10000x128xf32>
    tpu.vector_store %arg10[%swap3A, %swap3A_86], %add3A_85 {strides = array<i32>} : memref<10000x128xf32, #tpu.memory_space<vmem>>, vector<10000x128xf32>,
    %swap3A_88 = arith.constant 0 : index
    %swap3A_89 = arith.constant 0 : index
    %swap3A_90 = vector.load %arg11[%swap3A_88, %swap3A_89] : memref<10000x128xf32, #tpu.memory_space<vmem>>, vector<10000x128xf32>
    tpu.vector_store %arg11[%swap3A_88, %swap3A_89], %add3A_85 {strides = array<i32>} : memref<10000x128xf32, #tpu.memory_space<vmem>>, vector<10000x128xf32>,
    %get3A_91 = arith.constant 0 : index
    %get3A_92 = arith.constant 0 : index
    %get3A_93 = vector.load %arg9[%get3A_91, %get3A_92] : memref<1x10000xi32, #tpu.memory_space<vmem>>, vector<1x10000xi32>
    %iota3A = tpu.iota {dimensions = array<i32: 0>} : vector<64x1xi32>
    %eq3A = vector.broadcast %get3A_93 : vector<1x10000xi32> to vector<64x10000xi32>
    %eq3A_94 = vector.broadcast %iota3A : vector<64x1xi32> to vector<64x10000xi32>
    %eq3A_95 = arith.cmpi eq, %eq3A, %eq3A_94 : vector<64x10000xi32>
    %convert_element_type3A = arith.extui %eq3A_95 : vector<64x10000xi1> to vector<64x10000xi32>
    %convert_element_type3A_96 = arith.sitofp %convert_element_type3A : vector<64x10000xi32> to vector<64x10000xf32>
    %dot_general3A_97 = arith.constant dense<0.000000e+00> : vector<64x128xf32>
    %dot_general3A_98 = tpu.matmul %convert_element_type3A_96, %add3A_85, %dot_general3A_97 {dimension_numbers = #tpu.dot_dimension_numbers<[1], [0], [0], [1], [0, 0, 1, 1], [], []>, transpose_lhs_hint = false} : vector<64x10000xf32>, vector<10000x128xf32>, vector<64x128xf32> -> vector<64x128xf32>
    %swap3A_99 = arith.constant 0 : index
    %swap3A_100 = arith.constant 0 : index
    %swap3A_101 = vector.load %arg12[%swap3A_99, %swap3A_100] : memref<64x128xf32, #tpu.memory_space<vmem>>, vector<64x128xf32>
    tpu.vector_store %arg12[%swap3A_99, %swap3A_100], %dot_general3A_98 {strides = array<i32>} : memref<64x128xf32, #tpu.memory_space<vmem>>, vector<64x128xf32>,
    return
  }
  func.func @transform_0(%arg0: i32) -> (i32, i32, i32) {
    %c0_i32 = arith.constant 0 : i32
    %c0_i32_0 = arith.constant 0 : i32
    %c0_i32_1 = arith.constant 0 : i32
    %c0_i32_2 = arith.constant 0 : i32
    return %c0_i32, %c0_i32_0, %c0_i32_1 : i32, i32, i32
  }
  func.func @transform_2(%arg0: i32) -> (i32, i32) {
    %c0_i32 = arith.constant 0 : i32
    %c0_i32_0 = arith.constant 0 : i32
    %c0_i32_1 = arith.constant 0 : i32
    return %c0_i32, %c0_i32_0 : i32, i32
  }
  func.func @transform_3(%arg0: i32) -> (i32, i32) {
    %c0_i32 = arith.constant 0 : i32
    %c0_i32_0 = arith.constant 0 : i32
    %c0_i32_1 = arith.constant 0 : i32
    return %c0_i32, %c0_i32_0 : i32, i32
  }
  func.func @transform_4(%arg0: i32) -> (i32, i32) {
    %c0_i32 = arith.constant 0 : i32
    %c0_i32_0 = arith.constant 0 : i32
    %c0_i32_1 = arith.constant 0 : i32
    return %c0_i32, %c0_i32_0 : i32, i32
  }
  func.func @transform_5(%arg0: i32) -> (i32, i32) {
    %c0_i32 = arith.constant 0 : i32
    %c0_i32_0 = arith.constant 0 : i32
    %c0_i32_1 = arith.constant 0 : i32
    return %c0_i32, %c0_i32_0 : i32, i32
  }
  func.func @transform_6(%arg0: i32) -> (i32, i32) {
    %c0_i32 = arith.constant 0 : i32
    %c0_i32_0 = arith.constant 0 : i32
    %c0_i32_1 = arith.constant 0 : i32
    return %c0_i32, %c0_i32_0 : i32, i32
  }
  func.func @transform_7(%arg0: i32) -> (i32, i32) {
    %c0_i32 = arith.constant 0 : i32
    %c0_i32_0 = arith.constant 0 : i32
    %c0_i32_1 = arith.constant 0 : i32
    return %c0_i32, %c0_i32_0 : i32, i32
  }
  func.func @transform_8(%arg0: i32) -> (i32, i32) {
    %c0_i32 = arith.constant 0 : i32
    %c0_i32_0 = arith.constant 0 : i32
    %c0_i32_1 = arith.constant 0 : i32
    return %c0_i32, %c0_i32_0 : i32, i32
  }
  func.func @transform_9(%arg0: i32) -> (i32, i32) {
    %c0_i32 = arith.constant 0 : i32
    %c0_i32_0 = arith.constant 0 : i32
    %c0_i32_1 = arith.constant 0 : i32
    return %c0_i32, %c0_i32_0 : i32, i32
  }
  func.func @transform_10(%arg0: i32) -> (i32, i32) {
    %c0_i32 = arith.constant 0 : i32
    %c1_i32 = arith.constant 1 : i32
    %c0_i32_0 = arith.constant 0 : i32
    return %c0_i32, %c1_i32 : i32, i32
  }
  func.func @transform_11(%arg0: i32) -> (i32, i32) {
    %c0_i32 = arith.constant 0 : i32
    %c0_i32_0 = arith.constant 0 : i32
    %c0_i32_1 = arith.constant 0 : i32
    return %c0_i32, %c0_i32_0 : i32, i32
  }
}

module attributes {stable_mosaic.version = 14 : i64} {
  func.func @_tc_layer_body(%arg0: i32, %arg1: memref<2x10000x128xf32, #tpu.memory_space<vmem>>, %arg2: memref<10000x384xf32, #tpu.memory_space<hbm>>, %arg3: memref<128x128xf32, #tpu.memory_space<vmem>>, %arg4: memref<1x128xf32, #tpu.memory_space<vmem>>, %arg5: memref<128x128xf32, #tpu.memory_space<vmem>>, %arg6: memref<1x128xf32, #tpu.memory_space<vmem>>, %arg7: memref<1x128xf32, #tpu.memory_space<vmem>>, %arg8: memref<1x128xf32, #tpu.memory_space<vmem>>, %arg9: memref<1x10000xi32, #tpu.memory_space<vmem>>, %arg10: memref<10000x128xf32, #tpu.memory_space<vmem>>, %arg11: memref<10000x128xf32, #tpu.memory_space<vmem>>, %arg12: memref<64x128xf32, #tpu.memory_space<vmem>>) attributes {dimension_semantics = [#tpu.dimension_semantics<arbitrary>], iteration_bounds = array<i64: 1>, scalar_prefetch = 0 : i64, scratch_operands = 0 : i64, tpu.core_type = #tpu.core_type<tc>, window_params = [{pipeline_mode = #tpu.pipeline_mode<synchronous>, transform_indices = @transform_0, window_bounds = array<i64: 2, 10000, 128>}, {}, {pipeline_mode = #tpu.pipeline_mode<synchronous>, transform_indices = @transform_2, window_bounds = array<i64: 128, 128>}, {pipeline_mode = #tpu.pipeline_mode<synchronous>, transform_indices = @transform_3, window_bounds = array<i64: 1, 128>}, {pipeline_mode = #tpu.pipeline_mode<synchronous>, transform_indices = @transform_4, window_bounds = array<i64: 128, 128>}, {pipeline_mode = #tpu.pipeline_mode<synchronous>, transform_indices = @transform_5, window_bounds = array<i64: 1, 128>}, {pipeline_mode = #tpu.pipeline_mode<synchronous>, transform_indices = @transform_6, window_bounds = array<i64: 1, 128>}, {pipeline_mode = #tpu.pipeline_mode<synchronous>, transform_indices = @transform_7, window_bounds = array<i64: 1, 128>}, {pipeline_mode = #tpu.pipeline_mode<synchronous>, transform_indices = @transform_8, window_bounds = array<i64: 1, 10000>}, {pipeline_mode = #tpu.pipeline_mode<synchronous>, transform_indices = @transform_9, window_bounds = array<i64: 10000, 128>}, {transform_indices = @transform_10, window_bounds = array<i64: 10000, 128>}, {pipeline_mode = #tpu.pipeline_mode<synchronous>, transform_indices = @transform_11, window_bounds = array<i64: 64, 128>}]} {
    %get3A = arith.constant 0 : index
    %get3A_0 = arith.constant 0 : index
    %get3A_1 = arith.constant 0 : index
    %get3A_2 = vector.load %arg1[%get3A, %get3A_0, %get3A_1] : memref<2x10000x128xf32, #tpu.memory_space<vmem>>, vector<1x10000x128xf32>
    %get3A_3 = vector.shape_cast %get3A_2 : vector<1x10000x128xf32> to vector<10000x128xf32>
    %get3A_4 = arith.constant 1 : index
    %get3A_5 = arith.constant 0 : index
    %get3A_6 = arith.constant 0 : index
    %get3A_7 = vector.load %arg1[%get3A_4, %get3A_5, %get3A_6] : memref<2x10000x128xf32, #tpu.memory_space<vmem>>, vector<1x10000x128xf32>
    %get3A_8 = vector.shape_cast %get3A_7 : vector<1x10000x128xf32> to vector<10000x128xf32>
    %add3A = arith.addf %get3A_3, %get3A_8 : vector<10000x128xf32>
    %get3A_9 = arith.constant 0 : index
    %get3A_10 = arith.constant 0 : index
    %get3A_11 = vector.load %arg3[%get3A_9, %get3A_10] : memref<128x128xf32, #tpu.memory_space<vmem>>, vector<128x128xf32>
    %dot_general3A = arith.constant dense<0.000000e+00> : vector<10000x128xf32>
    %dot_general3A_12 = tpu.matmul %add3A, %get3A_11, %dot_general3A {dimension_numbers = #tpu.dot_dimension_numbers<[1], [0], [0], [1], [0, 0, 1, 1], [], []>, transpose_lhs_hint = false} : vector<10000x128xf32>, vector<128x128xf32>, vector<10000x128xf32> -> vector<10000x128xf32>
    %get3A_13 = arith.constant 0 : index
    %get3A_14 = arith.constant 0 : index
    %get3A_15 = vector.load %arg4[%get3A_13, %get3A_14] : memref<1x128xf32, #tpu.memory_space<vmem>>, vector<1x128xf32>
    %add3A_16 = vector.broadcast %get3A_15 : vector<1x128xf32> to vector<10000x128xf32>
    %add3A_17 = arith.addf %dot_general3A_12, %add3A_16 : vector<10000x128xf32>
    %gt3A = arith.constant 0.000000e+00 : f32
    %gt3A_18 = vector.broadcast %gt3A : f32 to vector<10000x128xf32>
    %gt3A_19 = arith.cmpf ogt, %add3A_17, %gt3A_18 : vector<10000x128xf32>
    %mul3A = arith.constant 0.00999999977 : f32
    %mul3A_20 = vector.broadcast %mul3A : f32 to vector<10000x128xf32>
    %mul3A_21 = arith.mulf %mul3A_20, %add3A_17 : vector<10000x128xf32>
    %select_n3A = arith.select %gt3A_19, %add3A_17, %mul3A_21 : vector<10000x128xi1>, vector<10000x128xf32>
    %get3A_22 = arith.constant 0 : index
    %get3A_23 = arith.constant 0 : index
    %get3A_24 = vector.load %arg5[%get3A_22, %get3A_23] : memref<128x128xf32, #tpu.memory_space<vmem>>, vector<128x128xf32>
    %dot_general3A_25 = arith.constant dense<0.000000e+00> : vector<10000x128xf32>
    %dot_general3A_26 = tpu.matmul %select_n3A, %get3A_24, %dot_general3A_25 {dimension_numbers = #tpu.dot_dimension_numbers<[1], [0], [0], [1], [0, 0, 1, 1], [], []>, transpose_lhs_hint = false} : vector<10000x128xf32>, vector<128x128xf32>, vector<10000x128xf32> -> vector<10000x128xf32>
    %get3A_27 = arith.constant 0 : index
    %get3A_28 = arith.constant 0 : index
    %get3A_29 = vector.load %arg6[%get3A_27, %get3A_28] : memref<1x128xf32, #tpu.memory_space<vmem>>, vector<1x128xf32>
    %add3A_30 = vector.broadcast %get3A_29 : vector<1x128xf32> to vector<10000x128xf32>
    %add3A_31 = arith.addf %dot_general3A_26, %add3A_30 : vector<10000x128xf32>
    %gt3A_32 = arith.constant 0.000000e+00 : f32
    %gt3A_33 = vector.broadcast %gt3A_32 : f32 to vector<10000x128xf32>
    %gt3A_34 = arith.cmpf ogt, %add3A_31, %gt3A_33 : vector<10000x128xf32>
    %mul3A_35 = arith.constant 0.00999999977 : f32
    %mul3A_36 = vector.broadcast %mul3A_35 : f32 to vector<10000x128xf32>
    %mul3A_37 = arith.mulf %mul3A_36, %add3A_31 : vector<10000x128xf32>
    %select_n3A_38 = arith.select %gt3A_34, %add3A_31, %mul3A_37 : vector<10000x128xi1>, vector<10000x128xf32>
    %reduce_sum3A = arith.constant dense<0.000000e+00> : vector<10000xf32>
    %reduce_sum3A_39 = vector.multi_reduction <add>, %select_n3A_38, %reduce_sum3A [1] : vector<10000x128xf32> to vector<10000xf32>
    %broadcast_in_dim3A = vector.shape_cast %reduce_sum3A_39 : vector<10000xf32> to vector<10000x1xf32>
    %div3A = arith.constant 1.280000e+02 : f32
    %div3A_40 = vector.broadcast %div3A : f32 to vector<10000x1xf32>
    %div3A_41 = arith.divf %broadcast_in_dim3A, %div3A_40 : vector<10000x1xf32>
    %sub3A = vector.broadcast %div3A_41 : vector<10000x1xf32> to vector<10000x128xf32>
    %sub3A_42 = arith.subf %select_n3A_38, %sub3A : vector<10000x128xf32>
    %mul3A_43 = arith.mulf %sub3A_42, %sub3A_42 : vector<10000x128xf32>
    %reduce_sum3A_44 = arith.constant dense<0.000000e+00> : vector<10000xf32>
    %reduce_sum3A_45 = vector.multi_reduction <add>, %mul3A_43, %reduce_sum3A_44 [1] : vector<10000x128xf32> to vector<10000xf32>
    %broadcast_in_dim3A_46 = vector.shape_cast %reduce_sum3A_45 : vector<10000xf32> to vector<10000x1xf32>
    %div3A_47 = arith.constant 1.280000e+02 : f32
    %div3A_48 = vector.broadcast %div3A_47 : f32 to vector<10000x1xf32>
    %div3A_49 = arith.divf %broadcast_in_dim3A_46, %div3A_48 : vector<10000x1xf32>
    %add3A_50 = arith.constant 9.99999974E-6 : f32
    %add3A_51 = vector.broadcast %add3A_50 : f32 to vector<10000x1xf32>
    %add3A_52 = arith.addf %div3A_49, %add3A_51 : vector<10000x1xf32>
    %rsqrt3A = math.rsqrt %add3A_52 : vector<10000x1xf32>
    %mul3A_53 = vector.broadcast %rsqrt3A : vector<10000x1xf32> to vector<10000x128xf32>
    %mul3A_54 = arith.mulf %sub3A_42, %mul3A_53 : vector<10000x128xf32>
    %reduce_sum3A_55 = arith.constant dense<0.000000e+00> : vector<128xf32>
    %reduce_sum3A_56 = vector.multi_reduction <add>, %mul3A_54, %reduce_sum3A_55 [0] : vector<10000x128xf32> to vector<128xf32>
    %broadcast_in_dim3A_57 = vector.shape_cast %reduce_sum3A_56 : vector<128xf32> to vector<1x128xf32>
    %div3A_58 = arith.constant 1.000000e+04 : f32
    %div3A_59 = vector.broadcast %div3A_58 : f32 to vector<1x128xf32>
    %div3A_60 = arith.divf %broadcast_in_dim3A_57, %div3A_59 : vector<1x128xf32>
    %sub3A_61 = vector.broadcast %div3A_60 : vector<1x128xf32> to vector<10000x128xf32>
    %sub3A_62 = arith.subf %mul3A_54, %sub3A_61 : vector<10000x128xf32>
    %mul3A_63 = arith.mulf %sub3A_62, %sub3A_62 : vector<10000x128xf32>
    %reduce_sum3A_64 = arith.constant dense<0.000000e+00> : vector<128xf32>
    %reduce_sum3A_65 = vector.multi_reduction <add>, %mul3A_63, %reduce_sum3A_64 [0] : vector<10000x128xf32> to vector<128xf32>
    %broadcast_in_dim3A_66 = vector.shape_cast %reduce_sum3A_65 : vector<128xf32> to vector<1x128xf32>
    %div3A_67 = arith.constant 1.000000e+04 : f32
    %div3A_68 = vector.broadcast %div3A_67 : f32 to vector<1x128xf32>
    %div3A_69 = arith.divf %broadcast_in_dim3A_66, %div3A_68 : vector<1x128xf32>
    %add3A_70 = arith.constant 9.99999974E-6 : f32
    %add3A_71 = vector.broadcast %add3A_70 : f32 to vector<1x128xf32>
    %add3A_72 = arith.addf %div3A_69, %add3A_71 : vector<1x128xf32>
    %rsqrt3A_73 = math.rsqrt %add3A_72 : vector<1x128xf32>
    %mul3A_74 = vector.broadcast %rsqrt3A_73 : vector<1x128xf32> to vector<10000x128xf32>
    %mul3A_75 = arith.mulf %sub3A_62, %mul3A_74 : vector<10000x128xf32>
    %get3A_76 = arith.constant 0 : index
    %get3A_77 = arith.constant 0 : index
    %get3A_78 = vector.load %arg7[%get3A_76, %get3A_77] : memref<1x128xf32, #tpu.memory_space<vmem>>, vector<1x128xf32>
    %mul3A_79 = vector.broadcast %get3A_78 : vector<1x128xf32> to vector<10000x128xf32>
    %mul3A_80 = arith.mulf %mul3A_75, %mul3A_79 : vector<10000x128xf32>
    %get3A_81 = arith.constant 0 : index
    %get3A_82 = arith.constant 0 : index
    %get3A_83 = vector.load %arg8[%get3A_81, %get3A_82] : memref<1x128xf32, #tpu.memory_space<vmem>>, vector<1x128xf32>
    %add3A_84 = vector.broadcast %get3A_83 : vector<1x128xf32> to vector<10000x128xf32>
    %add3A_85 = arith.addf %mul3A_80, %add3A_84 : vector<10000x128xf32>
    %swap3A = arith.constant 0 : index
    %swap3A_86 = arith.constant 0 : index
    %swap3A_87 = vector.load %arg10[%swap3A, %swap3A_86] : memref<10000x128xf32, #tpu.memory_space<vmem>>, vector<10000x128xf32>
    tpu.vector_store %arg10[%swap3A, %swap3A_86], %add3A_85 {strides = array<i32>} : memref<10000x128xf32, #tpu.memory_space<vmem>>, vector<10000x128xf32>,
    %swap3A_88 = arith.constant 0 : index
    %swap3A_89 = arith.constant 0 : index
    %swap3A_90 = vector.load %arg11[%swap3A_88, %swap3A_89] : memref<10000x128xf32, #tpu.memory_space<vmem>>, vector<10000x128xf32>
    tpu.vector_store %arg11[%swap3A_88, %swap3A_89], %add3A_85 {strides = array<i32>} : memref<10000x128xf32, #tpu.memory_space<vmem>>, vector<10000x128xf32>,
    %get3A_91 = arith.constant 0 : index
    %get3A_92 = arith.constant 0 : index
    %get3A_93 = vector.load %arg9[%get3A_91, %get3A_92] : memref<1x10000xi32, #tpu.memory_space<vmem>>, vector<1x10000xi32>
    %iota3A = tpu.iota {dimensions = array<i32: 0>} : vector<64x1xi32>
    %eq3A = vector.broadcast %get3A_93 : vector<1x10000xi32> to vector<64x10000xi32>
    %eq3A_94 = vector.broadcast %iota3A : vector<64x1xi32> to vector<64x10000xi32>
    %eq3A_95 = arith.cmpi eq, %eq3A, %eq3A_94 : vector<64x10000xi32>
    %convert_element_type3A = arith.extui %eq3A_95 : vector<64x10000xi1> to vector<64x10000xi32>
    %convert_element_type3A_96 = arith.sitofp %convert_element_type3A : vector<64x10000xi32> to vector<64x10000xf32>
    %dot_general3A_97 = arith.constant dense<0.000000e+00> : vector<64x128xf32>
    %dot_general3A_98 = tpu.matmul %convert_element_type3A_96, %add3A_85, %dot_general3A_97 {dimension_numbers = #tpu.dot_dimension_numbers<[1], [0], [0], [1], [0, 0, 1, 1], [], []>, transpose_lhs_hint = false} : vector<64x10000xf32>, vector<10000x128xf32>, vector<64x128xf32> -> vector<64x128xf32>
    %swap3A_99 = arith.constant 0 : index
    %swap3A_100 = arith.constant 0 : index
    %swap3A_101 = vector.load %arg12[%swap3A_99, %swap3A_100] : memref<64x128xf32, #tpu.memory_space<vmem>>, vector<64x128xf32>
    tpu.vector_store %arg12[%swap3A_99, %swap3A_100], %dot_general3A_98 {strides = array<i32>} : memref<64x128xf32, #tpu.memory_space<vmem>>, vector<64x128xf32>,
    return
  }
  func.func @transform_0(%arg0: i32) -> (i32, i32, i32) {
    %c0_i32 = arith.constant 0 : i32
    %c0_i32_0 = arith.constant 0 : i32
    %c0_i32_1 = arith.constant 0 : i32
    %c0_i32_2 = arith.constant 0 : i32
    return %c0_i32, %c0_i32_0, %c0_i32_1 : i32, i32, i32
  }
  func.func @transform_2(%arg0: i32) -> (i32, i32) {
    %c0_i32 = arith.constant 0 : i32
    %c0_i32_0 = arith.constant 0 : i32
    %c0_i32_1 = arith.constant 0 : i32
    return %c0_i32, %c0_i32_0 : i32, i32
  }
  func.func @transform_3(%arg0: i32) -> (i32, i32) {
    %c0_i32 = arith.constant 0 : i32
    %c0_i32_0 = arith.constant 0 : i32
    %c0_i32_1 = arith.constant 0 : i32
    return %c0_i32, %c0_i32_0 : i32, i32
  }
  func.func @transform_4(%arg0: i32) -> (i32, i32) {
    %c0_i32 = arith.constant 0 : i32
    %c0_i32_0 = arith.constant 0 : i32
    %c0_i32_1 = arith.constant 0 : i32
    return %c0_i32, %c0_i32_0 : i32, i32
  }
  func.func @transform_5(%arg0: i32) -> (i32, i32) {
    %c0_i32 = arith.constant 0 : i32
    %c0_i32_0 = arith.constant 0 : i32
    %c0_i32_1 = arith.constant 0 : i32
    return %c0_i32, %c0_i32_0 : i32, i32
  }
  func.func @transform_6(%arg0: i32) -> (i32, i32) {
    %c0_i32 = arith.constant 0 : i32
    %c0_i32_0 = arith.constant 0 : i32
    %c0_i32_1 = arith.constant 0 : i32
    return %c0_i32, %c0_i32_0 : i32, i32
  }
  func.func @transform_7(%arg0: i32) -> (i32, i32) {
    %c0_i32 = arith.constant 0 : i32
    %c0_i32_0 = arith.constant 0 : i32
    %c0_i32_1 = arith.constant 0 : i32
    return %c0_i32, %c0_i32_0 : i32, i32
  }
  func.func @transform_8(%arg0: i32) -> (i32, i32) {
    %c0_i32 = arith.constant 0 : i32
    %c0_i32_0 = arith.constant 0 : i32
    %c0_i32_1 = arith.constant 0 : i32
    return %c0_i32, %c0_i32_0 : i32, i32
  }
  func.func @transform_9(%arg0: i32) -> (i32, i32) {
    %c0_i32 = arith.constant 0 : i32
    %c0_i32_0 = arith.constant 0 : i32
    %c0_i32_1 = arith.constant 0 : i32
    return %c0_i32, %c0_i32_0 : i32, i32
  }
  func.func @transform_10(%arg0: i32) -> (i32, i32) {
    %c0_i32 = arith.constant 0 : i32
    %c2_i32 = arith.constant 2 : i32
    %c0_i32_0 = arith.constant 0 : i32
    return %c0_i32, %c2_i32 : i32, i32
  }
  func.func @transform_11(%arg0: i32) -> (i32, i32) {
    %c0_i32 = arith.constant 0 : i32
    %c0_i32_0 = arith.constant 0 : i32
    %c0_i32_1 = arith.constant 0 : i32
    return %c0_i32, %c0_i32_0 : i32, i32
  }
}

</mosaic_0001>

<sc_bundles>
// kernel: kernel.11.cloned.1.call-start
scs
__scs_entry_jumppad:
0x0: {  	(pc) =	sbr.rel $0x88, $3  }
0x1: {  	(tag) =	ssettag $0x0;
	lr =	simm.s32 $0x1  }
0x2: {  	[smem:$0x3F8C] =	sst lr;
	_ =	strace $0xD0000000  }
0x3: {  	_ = 	snop  }
0x4: {  	_ = 	snop  }
0x5: {  	_ = 	snop  }
0x6: {  	_ = 	snop  }
0x7: {  	_ = 	snop  }
__scs_overlays_trampoline_lowered:
0x8: {  	[smem:$0x3F9B] =	sst s0  }
0x9: {  	[smem:$0x3F9C] =	sst s1  }
0xa: {  	[smem:$0x3F9D] =	sst s2  }
0xb: {  	[smem:$0x3F9E] =	sst s3  }
0xc: {  	[smem:$0x3F9F] =	sst s4  }
0xd: {  	[smem:$0x3FA0] =	sst s5  }
0xe: {  	[smem:$0x3FA1] =	sst s6  }
0xf: {  	[smem:$0x3FA2] =	sst s7  }
0x10: {  	[smem:$0x3FA3] =	sst s8  }
0x11: {  	[smem:$0x3FA4] =	sst s9;
	s0 =	simm.s32 @!p0 $0x0  }
0x12: {  	s1 =	sld [smem:$0x3F8A];
	s0 =	simm.s32 @p0 $0x1  }
0x13: {  	[smem:$0x3FA5] =	sst s0;
	s0 =	simm.s32 @!p1 $0x0  }
0x14: {  	s2 =	sld [smem:$0x3F89];
	s0 =	simm.s32 @p1 $0x1  }
0x15: {  	[smem:$0x3FA6] =	sst s0;
	s0 =	simm.s32 @!p2 $0x0  }
0x16: {  	s3 =	sld [smem:$0x3FDB];
	s0 =	simm.s32 @p2 $0x1  }
0x17: {  	s4 =	simm.s32 $0x1BF5;
	[smem:$0x3FA8] =	sst s0  }
0x18: {  	s0 =	sld [smem:$0x3F8B];
	_ =	swait.ge [sflag:s4], $0x0  }
0x19: {  	s7 =	sld [smem:$0x3F8C]  }
0x1a: {  	s8 =	sadd.s32 $0xFFFFE003, lr  }
0x1b: {  	s9 =	sadd.s32 $0xFFFFFEF7, lr;
	s5 =	simm.s32 $0xFFFFFFFF;
	p2 =	slt.u32 s8, $0xFFFFF086  }
0x1c: {  	p1 =	slt.u32 s9, $0xF7A;
	s5 =	simm.s32 @!p2 $0x0  }
0x1d: {  	s5 =	simm.s32 @p1 $0x1;
	p0 =	seq.s32 s7, s2  }
0x1e: {  	s7 =	smul.u32 @!p0 $0xF7A, s2;
	p2 =	seq.s32 @!p0 s5, $0x0  }
0x1f: {  	s9 =	smul.u32 $0xF7A, s1;
	s8 =	simm.s32 @!p0 $0x1BF5;
	p2 =	por !p2, p0  }
0x20: {  	[sflag:s8] =	ssyncset.s32 @!p0 $0xFFFFF086;
	s6 =	sadd.s32 @!p0 s3, s7;
	s7 =	simm.s32 @!p0 $0x108  }
0x21: {  	s3 =	sadd.s32 s3, s9;
	s6 =	sadd.s32 @!p0 $0x88, s6;
	s7 =	simm.s32 @p2 $0x1082  }
0x22: {  	[simem:s7], [sflag:s8] =	dma.local @!p0 [hbm:s6], $0xF7A  }
0x23: {  	s9 =	sor.u32 $0xD0000000, s2;
	s6 =	simm.s32 $0x108;
	_ =	swait.ge @!p0 [sflag:s8], $0x0  }
0x24: {  	s3 =	sadd.s32 $0x88, s3;
	s6 =	simm.s32 @!p1 $0x1082;
	[sflag:s4] =	ssyncset.s32 $0xFFFFF086  }
0x25: {  	[simem:s6], [sflag:s4] =	dma.local [hbm:s3], $0xF7A  }
0x26: {  	[smem:$0x3F8C] =	sst s1;
	(tag) =	ssettag s2;
	_ =	strace s9  }
0x27: {  	s1 =	sld [smem:$0x3F9C]  }
0x28: {  	s2 =	sld [smem:$0x3F9D]  }
0x29: {  	s4 =	sld [smem:$0x3F9F]  }
0x2a: {  	p0 =	seq.s32 s5, $0x0;
	s5 =	sld [smem:$0x3FA0]  }
0x2b: {  	s6 =	sld [smem:$0x3FA1]  }
0x2c: {  	s7 =	sld [smem:$0x3FA2]  }
0x2d: {  	s3 =	simm.s32 $0x108;
	s8 =	sld [smem:$0x3FA3]  }
0x2e: {  	s3 =	simm.s32 @!p0 $0x1082;
	s9 =	sld [smem:$0x3FA4]  }
0x2f: {  	lr =	sadd.s32 s0, s3;
	s0 =	sld [smem:$0x3F9B]  }
0x30: {  	s3 =	sld [smem:$0x3F9E]  }
0x31: {  	[smem:$0x3FA7] =	sst s10  }
0x32: {  	s10 =	sld [smem:$0x3FA5];
	_ =	sdelay $0x3  }
0x33: {  	p0 =	seq.s32 s10, $0x1;
	s10 =	sld [smem:$0x3FA7];
	_ =	sdelay $0x3  }
0x34: {  	[smem:$0x3FA7] =	sst s10  }
0x35: {  	s10 =	sld [smem:$0x3FA6];
	_ =	sdelay $0x3  }
0x36: {  	p1 =	seq.s32 s10, $0x1;
	s10 =	sld [smem:$0x3FA7];
	_ =	sdelay $0x3  }
0x37: {  	[smem:$0x3FA7] =	sst s10  }
0x38: {  	s10 =	sld [smem:$0x3FA8]  }
0x39: {  	_ = 	snop;
	(pc) =	sbr.ind lr, $3  }
0x3a: {  	_ = 	snop  }
0x3b: {  	_ = 	snop  }
0x3c: {  	p2 =	seq.s32 s10, $0x1;
	s10 =	sld [smem:$0x3FA7]  }
0x3d: {  	_ =	shalt  }
0x3e: {  	_ =	shalt  }
0x3f: {  	_ =	shalt  }
0x40: {  	_ =	shalt  }
0x41: {  	_ =	shalt  }
0x42: {  	_ =	shalt  }
0x43: {  	_ =	shalt  }
0x44: {  	_ =	shalt  }
0x45: {  	_ =	shalt  }
0x46: {  	_ =	shalt  }
0x47: {  	_ =	shalt  }
0x48: {  	_ =	shalt  }
0x49: {  	_ =	shalt  }
0x4a: {  	_ =	shalt  }
0x4b: {  	_ =	shalt  }
0x4c: {  	_ =	shalt  }
0x4d: {  	_ =	shalt  }
0x4e: {  	_ =	shalt  }
0x4f: {  	_ =	shalt  }
0x50: {  	_ =	shalt  }
0x51: {  	_ =	shalt  }
0x52: {  	_ =	shalt  }
0x53: {  	_ =	shalt  }
0x54: {  	_ =	shalt  }
0x55: {  	_ =	shalt  }
0x56: {  	_ =	shalt  }
0x57: {  	_ =	shalt  }
0x58: {  	_ =	shalt  }
0x59: {  	_ =	shalt  }
0x5a: {  	_ =	shalt  }
0x5b: {  	_ =	shalt  }
0x5c: {  	_ =	shalt  }
0x5d: {  	_ =	shalt  }
0x5e: {  	_ =	shalt  }
0x5f: {  	_ =	shalt  }
0x60: {  	_ =	shalt  }
0x61: {  	_ =	shalt  }
0x62: {  	_ =	shalt  }
0x63: {  	_ =	shalt  }
0x64: {  	_ =	shalt  }
0x65: {  	_ =	shalt  }
0x66: {  	_ =	shalt  }
0x67: {  	_ =	shalt  }
0x68: {  	_ =	shalt  }
0x69: {  	_ =	shalt  }
0x6a: {  	_ =	shalt  }
0x6b: {  	_ =	shalt  }
0x6c: {  	_ =	shalt  }
0x6d: {  	_ =	shalt  }
0x6e: {  	_ =	shalt  }
0x6f: {  	_ =	shalt  }
0x70: {  	_ =	shalt  }
0x71: {  	_ =	shalt  }
0x72: {  	_ =	shalt  }
0x73: {  	_ =	shalt  }
0x74: {  	_ =	shalt  }
0x75: {  	_ =	shalt  }
0x76: {  	_ =	shalt  }
0x77: {  	_ =	shalt  }
0x78: {  	_ =	shalt  }
0x79: {  	_ =	shalt  }
0x7a: {  	_ =	shalt  }
0x7b: {  	_ =	shalt  }
0x7c: {  	_ =	shalt  }
0x7d: {  	_ =	shalt  }
0x7e: {  	_ =	shalt  }
0x7f: {  	_ =	shalt  }
0x80: {  	_ =	shalt  }
0x81: {  	_ =	shalt  }
0x82: {  	_ =	shalt  }
0x83: {  	_ =	shalt  }
0x84: {  	_ =	shalt  }
0x85: {  	_ =	shalt  }
0x86: {  	_ =	shalt  }
0x87: {  	_ =	shalt  }
.Lfunc_end0:
.L_simem_size_0:
called_computation.1_lowered:
.L_overlay_start_0:
0x88: {  	s2 =	sld [smem:$0x3FD9]  }
0x89: {  	s3 =	sld [smem:$0x3FFE];
	_ =	sdelay $0x1  }
0x8a: {  	s1 =	srdreg.scid  }
0x8b: {  	s0 =	sand.u32 $0x1, s1  }
0x8c: {  	s16 =	sshll.u32 s0, $0xA;
	s2 =	sadd.s32 s3, s2  }
0x8d: {  	s2 =	sadd.s32 s2, s16  }
0x8e: {  	[smem:$0x3FB3] =	sst s2  }
0x8f: {  	_ = 	snop  }
0x90: {  	(tm) =	ssettm $0x1  }
0x91: {  	s17 =	sld [smem:$0x3FFB];
	_ =	sdelay $0x3  }
0x92: {  	_ =	strace s17  }
0x93: {  	s2 =	sld [smem:$0x3FFC];
	_ =	sdelay $0x3  }
0x94: {  	_ =	strace s2  }
0x95: {  	s2 =	sld [smem:$0x3FFD];
	_ =	sdelay $0x3  }
0x96: {  	_ =	strace s2  }
0x97: {  	_ =	strace $0x8FFFFFFF  }
0x98: {  	s18 =	sld [smem:$0x3FDB];
	_ =	sdelay $0x1  }
0x99: {  	s19 =	simm.s32 $_scs_section_size  }
0x9a: {  	s4 =	simm.s32 $_size__tile_overlayer_lowered;
	s5 =	simm.s32 $_tile_overlayer_lowered  }
0x9b: {  	s22 =	simm.s32 $0x1BFF;
	s21 =	sshll.u32 s5, $0x1;
	s2 =	sadd.s32 s19, s18  }
0x9c: {  	s6 =	simm.s32 $0x0;
	s20 =	sshll.u32 s4, $0x1;
	s4 =	sadd.s32 s21, s2  }
0x9d: {  	[timem:s6], [sflag:s22] =	dma.local [hbm:s4], s20  }
0x9e: {  	_ =	swait.ge [sflag:s22], s20  }
0x9f: {  	s3 =	ssub.s32 $0x0, s20;
	[sflag:s22] =	ssyncset.done $0x0  }
0xa0: {  	[sflag:s22] =	ssyncadd.s32 s3;
	_ =	sdelay $0x1  }
0xa1: {  	s23 =	simm.s32 $0x1B8B  }
0xa2: {  	_ =	swait.ge [sflag:s23], $0x1  }
0xa3: {  	[sflag:s23] =	ssyncset.done $0x0  }
0xa4: {  	s25 =	simm.s32 $0x1B8E;
	s24 =	sld [smem:$0x3FFE];
	[sflag:s23] =	ssyncadd.s32 $0xFFFFFFFF  }
0xa5: {  	s26 =	simm.s32 $execute0_lowered;
	[smem:$0x3FD2] =	sst s25  }
0xa6: {  	s4 =	sshll.u32 s26, $0x1;
	_ =	strace $0x80000049;
	[dreg:$0x1] =	wrdreg $0xFFFFFFFF  }
0xa7: {  	s28 =	simm.s32 $_size_execute0_lowered;
	s2 =	sadd.s32 s2, s4;
	[dreg:$0x0] =	wrdreg $0x0  }
0xa8: {  	s4 =	sshll.u32 s28, $0x1;
	[dreg:$0x2] =	wrdreg s2  }
0xa9: {  	[dreg:$0x3] =	wrdreg s4  }
0xaa: {  	[dreg:$0x4] =	wrdreg $0xC0  }
0xab: {  	_ =	task [dreg:s6], $0x5FFFF  }
0xac: {  	[dreg:$0x1] =	wrdreg $0xFFFFFFFF  }
0xad: {  	[dreg:$0x0] =	wrdreg $0x60  }
0xae: {  	[dreg:$0x2] =	wrdreg s24  }
0xaf: {  	[dreg:$0x3] =	wrdreg $0xC7000  }
0xb0: {  	[dreg:$0x4] =	wrdreg $0x9  }
0xb1: {  	_ =	task.clear_ibuf [dreg:s6], $0x5FFFF;
	_ =	strace $0x90000049  }
0xb2: {  	s29 =	simm.s32 $0x9;
	_ =	strace $0x8000004B  }
0xb3: {  	_ =	swait.ge [sflag:s29], $0x1  }
0xb4: {  	[sflag:s29] =	ssyncadd.s32 $0xFFFFFFFF  }
0xb5: {  	_ =	strace $0x9000004B  }
0xb6: {  	_ =	sfence  }
0xb7: {  	s30 =	sld [smem:$0x0];
	_ =	sdelay $0x2  }
0xb8: {  	s31 =	sshll.u32 s1, $0xD;
	s1 =	sshrl.u32 s1, $0x2  }
0xb9: {  	s3 =	sand.u32 $0x4000, s31;
	s1 =	sadd.s32 s1, s30  }
0xba: {  	s0 =	sor.u32 s3, s0;
	s1 =	sshll.u32 s1, $0x11  }
0xbb: {  	s0 =	sor.u32 s1, s0  }
0xbc: {  	s0 =	sadd.s32 $0x8F2B, s0  }
0xbd: {  	[sflag:s0] =	ssyncadd.remote.s32 $0x1  }
0xbe: {  	_ =	sfence.sel $0xFFFF  }
0xbf: {  	[dreg:$0x0] =	wrdreg $0xFFFFFFFF;
	(pc) =	sbr.abs _section_cstart, $3  }
0xc0: {  	[dreg:$0x1] =	wrdreg $0xFFFFFFFF  }
0xc1: {  	_ =	task.clear_ibuf [dreg:s6], $0x2FFFF;
	_ =	strace $0x9FFFFFFF  }
0xc2: {  	(tm) =	ssettm $0x7FFFFFFF  }
0xc3: {  	_ =	shalt  }
tec
execute0_lowered:
.L_overlay_start_1:
0x0: {  	(tag) =	ssettag $0x1  }
0x1: {  	s0 =	rddreg [dreg:$0x0];
	s1 =	srdreg.scid  }
0x2: {  	s22 =	stileid.u32;
	s2 =	rddreg [dreg:$0x1]  }
0x3: {  	s3 =	simm.s32 $0x0;
	s29 =	simm.s32 $0x9F00;
	s30 =	simm.s32 $0x4  }
0x4: {  	s31 =	simm.s32 $0x1;
	s28 =	simm.s32 $0x7;
	s6 =	smul.u32 $0x2780, s22  }
0x5: {  	s1 =	sand.u32 $0x1, s1;
	s4 =	sshll.u32 s22, $0x1;
	s8 =	smul.u32 $0x4F000, s22  }
0x6: {  	[smem:$0x7FF] =	sst s3;
	s14 =	sadd.s32 $0x65A00, s0;
	s21 =	smul.u32 $0x13C00, s22  }
0x7: {  	s23 =	sadd.s32 $0x3C680, s0;
	p0 =	sne.s32 s22, $0xF;
	p5 =	seq.s32 s22, $0xF  }
0x8: {  	s4 =	sor.u32 s1, s4;
	_ =	strace $0x8000004A;
	s7 =	ssub.s32 $0x2, s1  }
0x9: {  	s13 =	smul.u32 $0x138800, s1;
	[dreg:$0x5] =	wrdreg s23;
	p2 =	sne.s32 @p0 s1, $0x0  }
0xa: {  	p4 =	sne.s32 @!p0 s1, $0x0;
	s23 =	simm.s32 $0x2;
	s1 =	simm.s32 $0x3  }
0xb: {  	s5 =	smul.u32 $0x4E2, s4;
	s4 =	sadd.s32 $0x3E800, s0;
	s10 =	sadd.s32 s6, s0  }
0xc: {  	s18 =	sshrl.u32 s7, $0x1;
	s19 =	sshrl.u32 s8, $0x2;
	s8 =	sadd.s32 $0x128400, s2  }
0xd: {  	p1 =	por !p2, !p0;
	p2 =	por p2, !p0;
	p3 =	por !p4, p0  }
0xe: {  	p4 =	por p4, p0;
	s7 =	ssub.s32 s7, s18;
	s20 =	sadd.s32 $0x17600, s10  }
0xf: {  	s6 =	sadd.s32 s4, s6;
	s24 =	sadd.s32 s21, s13;
	s25 =	sshrl.u32 s13, $0x3  }
0x10: {  	s21 =	sshrl.u32 @!p4 s8, $0x3;
	s9 =	sadd.s32 s5, s0;
	[dreg:$0x3] =	wrdreg s20  }
0x11: {  	s5 =	sadd.s32 s19, s2;
	[dreg:$0x4] =	wrdreg s6;
	s0 =	sadd.s32 $0x63880, s0  }
0x12: {  	s26 =	sadd.s32 s14, s25;
	s15 =	smax.u32 s7, $0x1;
	s20 =	sshrl.u32 @!p3 s8, $0x3  }
0x13: {  	s25 =	simm.s32 $0x4F00;
	s6 =	simm.s32 $0x0;
	[dreg:$0x6] =	wrdreg s0  }
0x14: {  	s11 =	sadd.s32 $0xD800, s9;
	s12 =	sadd.s32 $0x3A00, s9;
	s0 =	sshrl.u32 s24, $0x3  }
0x15: {  	s17 =	sshrl.u32 @!p1 s5, $0x3;
	s19 =	sshrl.u32 @!p2 s5, $0x3;
	s24 =	simm.s32 $0x50  }
0x16: {  	s13 =	sadd.s32 s14, s0;
	s14 =	sadd.s32 $0x25080, s26;
	s0 =	sshll.u32 @!p1 s22, $0x6  }
0x17: {  	s26 =	simm.s32 $0x7700;
	s16 =	sor.u32 @!p1 $0x1C05, s0;
	s0 =	sshll.u32 @!p2 s22, $0x6  }
0x18: {  	s22 =	simm.s32 $0x5;
	s18 =	sor.u32 @!p2 $0x1C05, s0;
	s0 =	simm.s32 $0x6  }
.LBB2_1:
0x19: {  	s7 =	rddreg [dreg:$0x3]  }
0x1a: {  	[spmem:s17], [sflag:s16] =	dma.local @!p1 [hbm:s7], $0x2780  }
0x1b: {  	s7 =	rddreg [dreg:$0x4]  }
0x1c: {  	[spmem:s19], [sflag:s18] =	dma.local @!p2 [hbm:s7], $0x2780  }
0x1d: {  	s7 =	simm.s32 @!p3 $0x1FC5;
	s9 =	rddreg [dreg:$0x5]  }
0x1e: {  	[spmem:s20], [sflag:s7] =	dma.local @!p3 [hbm:s9], $0x2080  }
0x1f: {  	s7 =	simm.s32 @!p4 $0x1FC5;
	s9 =	rddreg [dreg:$0x6]  }
0x20: {  	[spmem:s21], [sflag:s7] =	dma.local @!p4 [hbm:s9], $0x2080  }
0x21: {  	[tilespmem:s3], [sflag:$0x2] =	stream.linear.gather [hbm4b:s11+s3], $0x2710, $0x38;
	[tilespmem:$0x1FF80] =	vst v63  }
0x22: {  	s10 =	simm.s32 $0x2780  }
0x23: {  	[tilespmem:s10], [sflag:$0x4] =	stream.linear.gather [hbm4b:s12+s3], $0x2710, $0x38;
	[tilespmem:$0x1FF80] =	vst v63  }
0x24: {  	_ =	swait.ge [sflag:s23], $0x2710  }
0x25: {  	[sflag:s23] =	ssyncset.done $0x0  }
0x26: {  	[sflag:s23] =	ssyncadd.s32 $0xFFFFD8F0  }
0x27: {  	[tilespmem:s25], [sflag:$0x1] =	stream.indirect.gather [hbm4b:s4+s24], $0x80, s3, s24, $0xb8;
	[tilespmem:$0x1FF80] =	vst v63  }
0x28: {  	_ = 	snop  }
0x29: {  	[tilespmem:s26], [sflag:$0x2] =	stream.indirect.gather [hbm4b:s4+s24], $0x80, s24, s24, $0xb8;
	[tilespmem:$0x1FF80] =	vst v63  }
0x2a: {  	s9 =	simm.s32 $0xA0;
	s7 =	simm.s32 @p0 $0x5  }
0x2b: {  	[tilespmem:s29], [sflag:$0x3] =	stream.indirect.gather [hbm4b:s4+s24], $0x80, s9, s24, $0xb8;
	[tilespmem:$0x1FF80] =	vst v63  }
0x2c: {  	_ =	swait.ge @p0 [sflag:s7], $0x2780  }
0x2d: {  	[sflag:s7] =	ssyncset.done @p0 $0x0  }
0x2e: {  	[sflag:s7] =	ssyncadd.s32 @p0 $0xFFFFD880;
	s7 =	simm.s32 @!p0 $0x5  }
0x2f: {  	_ =	swait.ge @!p0 [sflag:s7], $0x2080  }
0x30: {  	[sflag:s7] =	ssyncset.done @!p0 $0x0  }
0x31: {  	[sflag:s7] =	ssyncadd.s32 @!p0 $0xFFFFDF80  }
0x32: {  	_ =	swait.ge [sflag:s30], $0x2710  }
0x33: {  	[sflag:s30] =	ssyncset.done $0x0  }
0x34: {  	[sflag:s30] =	ssyncadd.s32 $0xFFFFD8F0  }
0x35: {  	[bflag:$0x0] =	sbarrier.arrive $0xFFFF  }
0x36: {  	_ =	swait.ge [sflag:s31], $0x2800  }
0x37: {  	[sflag:s31] =	ssyncset.done $0x0  }
0x38: {  	s10 =	simm.s32 $0x2780;
	[sflag:s31] =	ssyncadd.s32 $0xFFFFD800  }
0x39: {  	[spmem:s2] =	stream.indirect.scatter.add.f32 [tilespmem:s25], [sflag:$0x4], $0x80, s10, s24, $0xb8;
	[tilespmem:$0x1FF80] =	vst v63  }
0x3a: {  	_ =	swait.ge [sflag:s23], $0x2800  }
0x3b: {  	[sflag:s23] =	ssyncset.done $0x0  }
0x3c: {  	s9 =	simm.s32 $0x27D0;
	[sflag:s23] =	ssyncadd.s32 $0xFFFFD800  }
0x3d: {  	[spmem:s2] =	stream.indirect.scatter.add.f32 [tilespmem:s26], [sflag:$0x5], $0x80, s9, s24, $0xb8;
	[tilespmem:$0x1FF80] =	vst v63  }
0x3e: {  	_ =	swait.ge [sflag:s30], $0x2800  }
0x3f: {  	[sflag:s30] =	ssyncset.done $0x0  }
0x40: {  	s10 =	simm.s32 $0xF0;
	[sflag:s30] =	ssyncadd.s32 $0xFFFFD800  }
0x41: {  	[tilespmem:s25], [sflag:$0x1] =	stream.indirect.gather [hbm4b:s4+s24], $0x80, s10, s24, $0xb8;
	[tilespmem:$0x1FF80] =	vst v63  }
0x42: {  	_ =	swait.ge [sflag:s1], $0x2800  }
0x43: {  	[sflag:s1] =	ssyncset.done $0x0  }
0x44: {  	s9 =	simm.s32 $0x2820;
	[sflag:s1] =	ssyncadd.s32 $0xFFFFD800  }
0x45: {  	[spmem:s2] =	stream.indirect.scatter.add.f32 [tilespmem:s29], [sflag:$0x6], $0x80, s9, s24, $0xb8;
	[tilespmem:$0x1FF80] =	vst v63  }
0x46: {  	_ =	swait.ge [sflag:s22], $0x2800  }
0x47: {  	[sflag:s22] =	ssyncset.done $0x0  }
0x48: {  	s10 =	simm.s32 $0x140;
	[sflag:s22] =	ssyncadd.s32 $0xFFFFD800  }
0x49: {  	[tilespmem:s26], [sflag:$0x2] =	stream.indirect.gather [hbm4b:s4+s24], $0x80, s10, s24, $0xb8;
	[tilespmem:$0x1FF80] =	vst v63  }
0x4a: {  	_ =	swait.ge [sflag:s0], $0x2800  }
0x4b: {  	[sflag:s0] =	ssyncset.done $0x0  }
0x4c: {  	s7 =	simm.s32 $0x3C0;
	s9 =	simm.s32 $0x190;
	[sflag:s0] =	ssyncadd.s32 $0xFFFFD800  }
.LBB2_2:
0x4d: {  	[tilespmem:s29], [sflag:$0x3] =	stream.indirect.gather [hbm4b:s4+s24], $0x80, s9, s24, $0xb8;
	[tilespmem:$0x1FF80] =	vst v63  }
0x4e: {  	s9 =	smov.u32 s7  }
0x4f: {  	p6 =	sne.s32 s7, $0x9240;
	s7 =	sadd.s32 $0x3C0, s7;
	_ =	swait.ge [sflag:s31], $0x2800  }
0x50: {  	s9 =	sshra.s32 s9, $0x2;
	[sflag:s31] =	ssyncset.done $0x0  }
0x51: {  	s10 =	sadd.s32 $0x2780, s9;
	[sflag:s31] =	ssyncadd.s32 $0xFFFFD800  }
0x52: {  	[spmem:s2] =	stream.indirect.scatter.add.f32 [tilespmem:s25], [sflag:$0x4], $0x80, s10, s24, $0xb8;
	[tilespmem:$0x1FF80] =	vst v63  }
0x53: {  	_ =	swait.ge [sflag:s23], $0x2800  }
0x54: {  	[sflag:s23] =	ssyncset.done $0x0  }
0x55: {  	s10 =	sadd.s32 $0x27D0, s9;
	[sflag:s23] =	ssyncadd.s32 $0xFFFFD800  }
0x56: {  	[spmem:s2] =	stream.indirect.scatter.add.f32 [tilespmem:s26], [sflag:$0x5], $0x80, s10, s24, $0xb8;
	[tilespmem:$0x1FF80] =	vst v63  }
0x57: {  	_ =	swait.ge [sflag:s30], $0x2800  }
0x58: {  	[sflag:s30] =	ssyncset.done $0x0  }
0x59: {  	s10 =	sadd.s32 $0xF0, s9;
	[sflag:s30] =	ssyncadd.s32 $0xFFFFD800  }
0x5a: {  	[tilespmem:s25], [sflag:$0x1] =	stream.indirect.gather [hbm4b:s4+s24], $0x80, s10, s24, $0xb8;
	[tilespmem:$0x1FF80] =	vst v63  }
0x5b: {  	_ =	swait.ge [sflag:s1], $0x2800  }
0x5c: {  	[sflag:s1] =	ssyncset.done $0x0  }
0x5d: {  	s10 =	sadd.s32 $0x2820, s9;
	[sflag:s1] =	ssyncadd.s32 $0xFFFFD800  }
0x5e: {  	[spmem:s2] =	stream.indirect.scatter.add.f32 [tilespmem:s29], [sflag:$0x6], $0x80, s10, s24, $0xb8;
	[tilespmem:$0x1FF80] =	vst v63  }
0x5f: {  	_ =	swait.ge [sflag:s22], $0x2800  }
0x60: {  	[sflag:s22] =	ssyncset.done $0x0  }
.Ltmp0:
0x61: {  	s10 =	sadd.s32 $0x140, s9;
	[sflag:s22] =	ssyncadd.s32 $0xFFFFD800;
	(pc) =	sbr.rel @p6 .LBB2_2-.Ltmp0, $4  }
0x62: {  	[tilespmem:s26], [sflag:$0x2] =	stream.indirect.gather [hbm4b:s4+s24], $0x80, s10, s24, $0xb8;
	[tilespmem:$0x1FF80] =	vst v63  }
0x63: {  	_ =	swait.ge [sflag:s0], $0x2800  }
0x64: {  	[sflag:s0] =	ssyncset.done $0x0  }
0x65: {  	s9 =	sadd.s32 $0x190, s9;
	[sflag:s0] =	ssyncadd.s32 $0xFFFFD800  }
0x66: {  	[tilespmem:s29], [sflag:$0x3] =	stream.indirect.gather [hbm4b:s4+s24], $0x80, s9, s24, $0xb8;
	[tilespmem:$0x1FF80] =	vst v63  }
0x67: {  	_ =	swait.ge [sflag:s31], $0x2800  }
0x68: {  	[sflag:s31] =	ssyncset.done $0x0  }
0x69: {  	s7 =	simm.s32 $0x4D00;
	[sflag:s31] =	ssyncadd.s32 $0xFFFFD800  }
0x6a: {  	[spmem:s2] =	stream.indirect.scatter.add.f32 [tilespmem:s25], [sflag:$0x4], $0x80, s7, s24, $0xb8;
	[tilespmem:$0x1FF80] =	vst v63  }
0x6b: {  	_ =	swait.ge [sflag:s23], $0x2800  }
0x6c: {  	[sflag:s23] =	ssyncset.done $0x0  }
0x6d: {  	s9 =	simm.s32 $0x4D50;
	[sflag:s23] =	ssyncadd.s32 $0xFFFFD800  }
0x6e: {  	[spmem:s2] =	stream.indirect.scatter.add.f32 [tilespmem:s26], [sflag:$0x5], $0x80, s9, s24, $0xb8;
	[tilespmem:$0x1FF80] =	vst v63  }
0x6f: {  	_ =	swait.ge [sflag:s30], $0x2800  }
0x70: {  	[sflag:s30] =	ssyncset.done $0x0  }
0x71: {  	s10 =	simm.s32 $0x2670;
	[sflag:s30] =	ssyncadd.s32 $0xFFFFD800  }
0x72: {  	[tilespmem:s25], [sflag:$0x1] =	stream.indirect.gather [hbm4b:s4+s24], $0x80, s10, s24, $0xb8;
	[tilespmem:$0x1FF80] =	vst v63  }
0x73: {  	_ =	swait.ge [sflag:s1], $0x2800  }
0x74: {  	[sflag:s1] =	ssyncset.done $0x0  }
0x75: {  	s9 =	simm.s32 $0x4DA0;
	[sflag:s1] =	ssyncadd.s32 $0xFFFFD800  }
0x76: {  	[spmem:s2] =	stream.indirect.scatter.add.f32 [tilespmem:s29], [sflag:$0x6], $0x80, s9, s24, $0xb8;
	[tilespmem:$0x1FF80] =	vst v63  }
0x77: {  	_ =	swait.ge [sflag:s22], $0x2800  }
0x78: {  	[sflag:s22] =	ssyncset.done $0x0  }
0x79: {  	s10 =	simm.s32 $0x26C0;
	[sflag:s22] =	ssyncadd.s32 $0xFFFFD800  }
0x7a: {  	[tilespmem:s26], [sflag:$0x2] =	stream.indirect.gather [hbm4b:s4+s24], $0x80, s10, s24, $0xb8;
	[tilespmem:$0x1FF80] =	vst v63  }
0x7b: {  	_ =	swait.ge [sflag:s0], $0x2800  }
0x7c: {  	[sflag:s0] =	ssyncset.done $0x0  }
0x7d: {  	[sflag:s0] =	ssyncadd.s32 $0xFFFFD800  }
0x7e: {  	_ =	swait.ge [sflag:s31], $0x2800  }
0x7f: {  	[sflag:s31] =	ssyncset.done $0x0  }
0x80: {  	s9 =	simm.s32 $0x4DF0;
	[sflag:s31] =	ssyncadd.s32 $0xFFFFD800  }
0x81: {  	[spmem:s2] =	stream.indirect.scatter.add.f32 [tilespmem:s25], [sflag:$0x7], $0x80, s9, s24, $0xb8;
	[tilespmem:$0x1FF80] =	vst v63  }
0x82: {  	_ =	swait.ge [sflag:s28], $0x2800  }
0x83: {  	[sflag:s28] =	ssyncset.done $0x0  }
0x84: {  	[sflag:s28] =	ssyncadd.s32 $0xFFFFD800  }
0x85: {  	_ =	swait.ge [sflag:s23], $0x2800  }
0x86: {  	[sflag:s23] =	ssyncset.done $0x0  }
0x87: {  	s10 =	simm.s32 $0x4E40;
	[sflag:s23] =	ssyncadd.s32 $0xFFFFD800  }
0x88: {  	[spmem:s2] =	stream.indirect.scatter.add.f32 [tilespmem:s26], [sflag:$0x7], $0x80, s10, s24, $0xb8;
	[tilespmem:$0x1FF80] =	vst v63  }
0x89: {  	_ =	swait.ge [sflag:s28], $0x2800  }
0x8a: {  	[sflag:s28] =	ssyncset.done $0x0  }
0x8b: {  	[sflag:s28] =	ssyncadd.s32 $0xFFFFD800  }
0x8c: {  	s7 =	sshrl.u32 @p5 s8, $0x3;
	s9 =	simm.s32 @p5 $0x1FC7;
	[bflag:$0x0] =	sbarrier.arrive $0xFFFF  }
0x8d: {  	[hbm:s14], [sflag:s9] =	dma.local @p5 [spmem:s7], $0x2080  }
0x8e: {  	s7 =	simm.s32 @p5 $0x7  }
0x8f: {  	s6 =	sadd.s32 $0x1, s6;
	s9 =	stileid.u32;
	_ =	swait.ge @p5 [sflag:s7], $0x2080  }
0x90: {  	p6 =	sne.s32 s6, s15;
	s9 =	sshll.u32 @!p5 s9, $0x6;
	[sflag:s7] =	ssyncset.done @p5 $0x0  }
0x91: {  	[sflag:s7] =	ssyncadd.s32 @p5 $0xFFFFDF80;
	s7 =	sor.u32 @!p5 $0x1C07, s9;
	s9 =	sshrl.u32 @!p5 s5, $0x3  }
0x92: {  	[hbm:s13], [sflag:s7] =	dma.local @!p5 [spmem:s9], $0x2780  }
.Ltmp1:
0x93: {  	_ = 	snop;
	(pc) =	sbr.rel @p6 .LBB2_1-.Ltmp1, $4  }
0x94: {  	s7 =	simm.s32 @!p5 $0x7  }
0x95: {  	_ =	swait.ge @!p5 [sflag:s7], $0x2780  }
0x96: {  	[sflag:s7] =	ssyncset.done @!p5 $0x0  }
0x97: {  	[sflag:s7] =	ssyncadd.s32 @!p5 $0xFFFFD880  }
0x98: {  	_ =	sfence.sel $0x180000  }
0x99: {  	[bflag:$0x0] =	sbarrier.arrive $0xFFFF  }
0x9a: {  	_ =	strace $0x9000004A  }
0x9b: {  	s0 =	stileid.u32;
	[bflag:$0x2] =	sbarrier.arrive $0xFFFF  }
0x9c: {  	p0 =	sne.s32 s0, $0x0;
	s0 =	rddreg [dreg:$0x2]  }
0x9d: {  	s0 =	sadd.s32 @!p0 $0x100000, s0  }
0x9e: {  	[sflag:s0] =	ssyncadd.tile.s32 @!p0 $0x1;
	_ =	shalt  }
.Lfunc_end2:
_tile_overlayer_lowered:
.L_overlay_start_2:
0x9f: {  	(tag) =	ssettag $0x2  }
0xa0: {  	s0 =	rddreg [dreg:$0x0];
	s2 =	stileid.u32  }
0xa1: {  	s1 =	rddreg [dreg:$0x1];
	p0 =	sne.s32 s2, $0x0  }
0xa2: {  	s3 =	rddreg [dreg:$0x2];
	[bflag:$0x3] =	sbarrier.arrive $0xFFFF;
	s2 =	simm.s32 @!p0 $0x1C07  }
0xa3: {  	[timem:s3], [sflag:s2] =	dma.local @!p0 [hbm:s0], s1  }
0xa4: {  	s0 =	simm.s32 @!p0 $0x7  }
0xa5: {  	_ =	swait.ge @!p0 [sflag:s0], s1  }
0xa6: {  	s1 =	ssub.s32 @!p0 $0x0, s1;
	[sflag:s0] =	ssyncset.done @!p0 $0x0  }
0xa7: {  	[sflag:s0] =	ssyncadd.s32 @!p0 s1  }
0xa8: {  	[bflag:$0x3] =	sbarrier.arrive $0xFFFF  }
0xa9: {  	_ =	shalt  }

// kernel: kernel.14.cloned.1.call-start
scs
__scs_entry_jumppad:
0x0: {  	(pc) =	sbr.rel $0x88, $3  }
0x1: {  	(tag) =	ssettag $0x0;
	lr =	simm.s32 $0x1  }
0x2: {  	[smem:$0x3F8C] =	sst lr;
	_ =	strace $0xD0000000  }
0x3: {  	_ = 	snop  }
0x4: {  	_ = 	snop  }
0x5: {  	_ = 	snop  }
0x6: {  	_ = 	snop  }
0x7: {  	_ = 	snop  }
__scs_overlays_trampoline_lowered:
0x8: {  	[smem:$0x3F9B] =	sst s0  }
0x9: {  	[smem:$0x3F9C] =	sst s1  }
0xa: {  	[smem:$0x3F9D] =	sst s2  }
0xb: {  	[smem:$0x3F9E] =	sst s3  }
0xc: {  	[smem:$0x3F9F] =	sst s4  }
0xd: {  	[smem:$0x3FA0] =	sst s5  }
0xe: {  	[smem:$0x3FA1] =	sst s6  }
0xf: {  	[smem:$0x3FA2] =	sst s7  }
0x10: {  	[smem:$0x3FA3] =	sst s8  }
0x11: {  	[smem:$0x3FA4] =	sst s9;
	s0 =	simm.s32 @!p0 $0x0  }
0x12: {  	s1 =	sld [smem:$0x3F8A];
	s0 =	simm.s32 @p0 $0x1  }
0x13: {  	[smem:$0x3FA5] =	sst s0;
	s0 =	simm.s32 @!p1 $0x0  }
0x14: {  	s2 =	sld [smem:$0x3F89];
	s0 =	simm.s32 @p1 $0x1  }
0x15: {  	[smem:$0x3FA6] =	sst s0;
	s0 =	simm.s32 @!p2 $0x0  }
0x16: {  	s3 =	sld [smem:$0x3FDB];
	s0 =	simm.s32 @p2 $0x1  }
0x17: {  	s4 =	simm.s32 $0x1BF5;
	[smem:$0x3FA8] =	sst s0  }
0x18: {  	s0 =	sld [smem:$0x3F8B];
	_ =	swait.ge [sflag:s4], $0x0  }
0x19: {  	s7 =	sld [smem:$0x3F8C]  }
0x1a: {  	s8 =	sadd.s32 $0xFFFFE003, lr  }
0x1b: {  	s9 =	sadd.s32 $0xFFFFFEF7, lr;
	s5 =	simm.s32 $0xFFFFFFFF;
	p2 =	slt.u32 s8, $0xFFFFF086  }
0x1c: {  	p1 =	slt.u32 s9, $0xF7A;
	s5 =	simm.s32 @!p2 $0x0  }
0x1d: {  	s5 =	simm.s32 @p1 $0x1;
	p0 =	seq.s32 s7, s2  }
0x1e: {  	s7 =	smul.u32 @!p0 $0xF7A, s2;
	p2 =	seq.s32 @!p0 s5, $0x0  }
0x1f: {  	s9 =	smul.u32 $0xF7A, s1;
	s8 =	simm.s32 @!p0 $0x1BF5;
	p2 =	por !p2, p0  }
0x20: {  	[sflag:s8] =	ssyncset.s32 @!p0 $0xFFFFF086;
	s6 =	sadd.s32 @!p0 s3, s7;
	s7 =	simm.s32 @!p0 $0x108  }
0x21: {  	s3 =	sadd.s32 s3, s9;
	s6 =	sadd.s32 @!p0 $0x88, s6;
	s7 =	simm.s32 @p2 $0x1082  }
0x22: {  	[simem:s7], [sflag:s8] =	dma.local @!p0 [hbm:s6], $0xF7A  }
0x23: {  	s9 =	sor.u32 $0xD0000000, s2;
	s6 =	simm.s32 $0x108;
	_ =	swait.ge @!p0 [sflag:s8], $0x0  }
0x24: {  	s3 =	sadd.s32 $0x88, s3;
	s6 =	simm.s32 @!p1 $0x1082;
	[sflag:s4] =	ssyncset.s32 $0xFFFFF086  }
0x25: {  	[simem:s6], [sflag:s4] =	dma.local [hbm:s3], $0xF7A  }
0x26: {  	[smem:$0x3F8C] =	sst s1;
	(tag) =	ssettag s2;
	_ =	strace s9  }
0x27: {  	s1 =	sld [smem:$0x3F9C]  }
0x28: {  	s2 =	sld [smem:$0x3F9D]  }
0x29: {  	s4 =	sld [smem:$0x3F9F]  }
0x2a: {  	p0 =	seq.s32 s5, $0x0;
	s5 =	sld [smem:$0x3FA0]  }
0x2b: {  	s6 =	sld [smem:$0x3FA1]  }
0x2c: {  	s7 =	sld [smem:$0x3FA2]  }
0x2d: {  	s3 =	simm.s32 $0x108;
	s8 =	sld [smem:$0x3FA3]  }
0x2e: {  	s3 =	simm.s32 @!p0 $0x1082;
	s9 =	sld [smem:$0x3FA4]  }
0x2f: {  	lr =	sadd.s32 s0, s3;
	s0 =	sld [smem:$0x3F9B]  }
0x30: {  	s3 =	sld [smem:$0x3F9E]  }
0x31: {  	[smem:$0x3FA7] =	sst s10  }
0x32: {  	s10 =	sld [smem:$0x3FA5];
	_ =	sdelay $0x3  }
0x33: {  	p0 =	seq.s32 s10, $0x1;
	s10 =	sld [smem:$0x3FA7];
	_ =	sdelay $0x3  }
0x34: {  	[smem:$0x3FA7] =	sst s10  }
0x35: {  	s10 =	sld [smem:$0x3FA6];
	_ =	sdelay $0x3  }
0x36: {  	p1 =	seq.s32 s10, $0x1;
	s10 =	sld [smem:$0x3FA7];
	_ =	sdelay $0x3  }
0x37: {  	[smem:$0x3FA7] =	sst s10  }
0x38: {  	s10 =	sld [smem:$0x3FA8]  }
0x39: {  	_ = 	snop;
	(pc) =	sbr.ind lr, $3  }
0x3a: {  	_ = 	snop  }
0x3b: {  	_ = 	snop  }
0x3c: {  	p2 =	seq.s32 s10, $0x1;
	s10 =	sld [smem:$0x3FA7]  }
0x3d: {  	_ =	shalt  }
0x3e: {  	_ =	shalt  }
0x3f: {  	_ =	shalt  }
0x40: {  	_ =	shalt  }
0x41: {  	_ =	shalt  }
0x42: {  	_ =	shalt  }
0x43: {  	_ =	shalt  }
0x44: {  	_ =	shalt  }
0x45: {  	_ =	shalt  }
0x46: {  	_ =	shalt  }
0x47: {  	_ =	shalt  }
0x48: {  	_ =	shalt  }
0x49: {  	_ =	shalt  }
0x4a: {  	_ =	shalt  }
0x4b: {  	_ =	shalt  }
0x4c: {  	_ =	shalt  }
0x4d: {  	_ =	shalt  }
0x4e: {  	_ =	shalt  }
0x4f: {  	_ =	shalt  }
0x50: {  	_ =	shalt  }
0x51: {  	_ =	shalt  }
0x52: {  	_ =	shalt  }
0x53: {  	_ =	shalt  }
0x54: {  	_ =	shalt  }
0x55: {  	_ =	shalt  }
0x56: {  	_ =	shalt  }
0x57: {  	_ =	shalt  }
0x58: {  	_ =	shalt  }
0x59: {  	_ =	shalt  }
0x5a: {  	_ =	shalt  }
0x5b: {  	_ =	shalt  }
0x5c: {  	_ =	shalt  }
0x5d: {  	_ =	shalt  }
0x5e: {  	_ =	shalt  }
0x5f: {  	_ =	shalt  }
0x60: {  	_ =	shalt  }
0x61: {  	_ =	shalt  }
0x62: {  	_ =	shalt  }
0x63: {  	_ =	shalt  }
0x64: {  	_ =	shalt  }
0x65: {  	_ =	shalt  }
0x66: {  	_ =	shalt  }
0x67: {  	_ =	shalt  }
0x68: {  	_ =	shalt  }
0x69: {  	_ =	shalt  }
0x6a: {  	_ =	shalt  }
0x6b: {  	_ =	shalt  }
0x6c: {  	_ =	shalt  }
0x6d: {  	_ =	shalt  }
0x6e: {  	_ =	shalt  }
0x6f: {  	_ =	shalt  }
0x70: {  	_ =	shalt  }
0x71: {  	_ =	shalt  }
0x72: {  	_ =	shalt  }
0x73: {  	_ =	shalt  }
0x74: {  	_ =	shalt  }
0x75: {  	_ =	shalt  }
0x76: {  	_ =	shalt  }
0x77: {  	_ =	shalt  }
0x78: {  	_ =	shalt  }
0x79: {  	_ =	shalt  }
0x7a: {  	_ =	shalt  }
0x7b: {  	_ =	shalt  }
0x7c: {  	_ =	shalt  }
0x7d: {  	_ =	shalt  }
0x7e: {  	_ =	shalt  }
0x7f: {  	_ =	shalt  }
0x80: {  	_ =	shalt  }
0x81: {  	_ =	shalt  }
0x82: {  	_ =	shalt  }
0x83: {  	_ =	shalt  }
0x84: {  	_ =	shalt  }
0x85: {  	_ =	shalt  }
0x86: {  	_ =	shalt  }
0x87: {  	_ =	shalt  }
.Lfunc_end0:
.L_simem_size_0:
called_computation.2_lowered:
.L_overlay_start_0:
0x88: {  	s2 =	sld [smem:$0x3FD9]  }
0x89: {  	s3 =	sld [smem:$0x3FFE];
	_ =	sdelay $0x1  }
0x8a: {  	s1 =	srdreg.scid  }
0x8b: {  	s0 =	sand.u32 $0x1, s1  }
0x8c: {  	s16 =	sshll.u32 s0, $0xA;
	s2 =	sadd.s32 s3, s2  }
0x8d: {  	s2 =	sadd.s32 s2, s16  }
0x8e: {  	[smem:$0x3FB3] =	sst s2  }
0x8f: {  	_ = 	snop  }
0x90: {  	(tm) =	ssettm $0x1  }
0x91: {  	s17 =	sld [smem:$0x3FFB];
	_ =	sdelay $0x3  }
0x92: {  	_ =	strace s17  }
0x93: {  	s2 =	sld [smem:$0x3FFC];
	_ =	sdelay $0x3  }
0x94: {  	_ =	strace s2  }
0x95: {  	s2 =	sld [smem:$0x3FFD];
	_ =	sdelay $0x3  }
0x96: {  	_ =	strace s2  }
0x97: {  	_ =	strace $0x8FFFFFFF  }
0x98: {  	s18 =	sld [smem:$0x3FDB];
	_ =	sdelay $0x1  }
0x99: {  	s19 =	simm.s32 $_scs_section_size  }
0x9a: {  	s4 =	simm.s32 $_size__tile_overlayer_lowered;
	s5 =	simm.s32 $_tile_overlayer_lowered  }
0x9b: {  	s22 =	simm.s32 $0x1BFF;
	s21 =	sshll.u32 s5, $0x1;
	s2 =	sadd.s32 s19, s18  }
0x9c: {  	s6 =	simm.s32 $0x0;
	s20 =	sshll.u32 s4, $0x1;
	s4 =	sadd.s32 s21, s2  }
0x9d: {  	[timem:s6], [sflag:s22] =	dma.local [hbm:s4], s20  }
0x9e: {  	_ =	swait.ge [sflag:s22], s20  }
0x9f: {  	s3 =	ssub.s32 $0x0, s20;
	[sflag:s22] =	ssyncset.done $0x0  }
0xa0: {  	[sflag:s22] =	ssyncadd.s32 s3;
	_ =	sdelay $0x1  }
0xa1: {  	s23 =	simm.s32 $0x1B8B  }
0xa2: {  	_ =	swait.ge [sflag:s23], $0x1  }
0xa3: {  	[sflag:s23] =	ssyncset.done $0x0  }
0xa4: {  	s25 =	simm.s32 $0x1B8E;
	s24 =	sld [smem:$0x3FFE];
	[sflag:s23] =	ssyncadd.s32 $0xFFFFFFFF  }
0xa5: {  	s26 =	simm.s32 $execute0_lowered;
	[smem:$0x3FD2] =	sst s25  }
0xa6: {  	s4 =	sshll.u32 s26, $0x1;
	_ =	strace $0x8000004C;
	[dreg:$0x1] =	wrdreg $0xFFFFFFFF  }
0xa7: {  	s28 =	simm.s32 $_size_execute0_lowered;
	s2 =	sadd.s32 s2, s4;
	[dreg:$0x0] =	wrdreg $0x0  }
0xa8: {  	s4 =	sshll.u32 s28, $0x1;
	[dreg:$0x2] =	wrdreg s2  }
0xa9: {  	[dreg:$0x3] =	wrdreg s4  }
0xaa: {  	[dreg:$0x4] =	wrdreg $0xC0  }
0xab: {  	_ =	task [dreg:s6], $0x5FFFF  }
0xac: {  	[dreg:$0x1] =	wrdreg $0xFFFFFFFF  }
0xad: {  	[dreg:$0x0] =	wrdreg $0x60  }
0xae: {  	[dreg:$0x2] =	wrdreg s24  }
0xaf: {  	[dreg:$0x3] =	wrdreg $0xC7000  }
0xb0: {  	[dreg:$0x4] =	wrdreg $0x9  }
0xb1: {  	_ =	task.clear_ibuf [dreg:s6], $0x5FFFF;
	_ =	strace $0x9000004C  }
0xb2: {  	s29 =	simm.s32 $0x9;
	_ =	strace $0x8000004E  }
0xb3: {  	_ =	swait.ge [sflag:s29], $0x1  }
0xb4: {  	[sflag:s29] =	ssyncadd.s32 $0xFFFFFFFF  }
0xb5: {  	_ =	strace $0x9000004E  }
0xb6: {  	_ =	sfence  }
0xb7: {  	s30 =	sld [smem:$0x0];
	_ =	sdelay $0x2  }
0xb8: {  	s31 =	sshll.u32 s1, $0xD;
	s1 =	sshrl.u32 s1, $0x2  }
0xb9: {  	s3 =	sand.u32 $0x4000, s31;
	s1 =	sadd.s32 s1, s30  }
0xba: {  	s0 =	sor.u32 s3, s0;
	s1 =	sshll.u32 s1, $0x11  }
0xbb: {  	s0 =	sor.u32 s1, s0  }
0xbc: {  	s0 =	sadd.s32 $0x8F2B, s0  }
0xbd: {  	[sflag:s0] =	ssyncadd.remote.s32 $0x1  }
0xbe: {  	_ =	sfence.sel $0xFFFF  }
0xbf: {  	[dreg:$0x0] =	wrdreg $0xFFFFFFFF;
	(pc) =	sbr.abs _section_cstart, $3  }
0xc0: {  	[dreg:$0x1] =	wrdreg $0xFFFFFFFF  }
0xc1: {  	_ =	task.clear_ibuf [dreg:s6], $0x2FFFF;
	_ =	strace $0x9FFFFFFF  }
0xc2: {  	(tm) =	ssettm $0x7FFFFFFF  }
0xc3: {  	_ =	shalt  }
tec
execute0_lowered:
.L_overlay_start_1:
0x0: {  	(tag) =	ssettag $0x1  }
0x1: {  	s0 =	rddreg [dreg:$0x0];
	s1 =	srdreg.scid  }
0x2: {  	s22 =	stileid.u32;
	s2 =	rddreg [dreg:$0x1]  }
0x3: {  	s3 =	simm.s32 $0x0;
	s29 =	simm.s32 $0x9F00;
	s30 =	simm.s32 $0x4  }
0x4: {  	s31 =	simm.s32 $0x1;
	s28 =	simm.s32 $0x7;
	s6 =	smul.u32 $0x2780, s22  }
0x5: {  	s1 =	sand.u32 $0x1, s1;
	s4 =	sshll.u32 s22, $0x1;
	s8 =	smul.u32 $0x4F000, s22  }
0x6: {  	[smem:$0x7FF] =	sst s3;
	s14 =	sadd.s32 $0x65A00, s0;
	s21 =	smul.u32 $0x13C00, s22  }
0x7: {  	s23 =	sadd.s32 $0x3C680, s0;
	p0 =	sne.s32 s22, $0xF;
	p5 =	seq.s32 s22, $0xF  }
0x8: {  	s4 =	sor.u32 s1, s4;
	_ =	strace $0x8000004D;
	s7 =	ssub.s32 $0x2, s1  }
0x9: {  	s13 =	smul.u32 $0x138800, s1;
	[dreg:$0x5] =	wrdreg s23;
	p2 =	sne.s32 @p0 s1, $0x0  }
0xa: {  	p4 =	sne.s32 @!p0 s1, $0x0;
	s23 =	simm.s32 $0x2;
	s1 =	simm.s32 $0x3  }
0xb: {  	s5 =	smul.u32 $0x4E2, s4;
	s4 =	sadd.s32 $0x3E800, s0;
	s10 =	sadd.s32 s6, s0  }
0xc: {  	s18 =	sshrl.u32 s7, $0x1;
	s19 =	sshrl.u32 s8, $0x2;
	s8 =	sadd.s32 $0x128400, s2  }
0xd: {  	p1 =	por !p2, !p0;
	p2 =	por p2, !p0;
	p3 =	por !p4, p0  }
0xe: {  	p4 =	por p4, p0;
	s7 =	ssub.s32 s7, s18;
	s20 =	sadd.s32 $0x17600, s10  }
0xf: {  	s6 =	sadd.s32 s4, s6;
	s24 =	sadd.s32 s21, s13;
	s25 =	sshrl.u32 s13, $0x3  }
0x10: {  	s21 =	sshrl.u32 @!p4 s8, $0x3;
	s9 =	sadd.s32 s5, s0;
	[dreg:$0x3] =	wrdreg s20  }
0x11: {  	s5 =	sadd.s32 s19, s2;
	[dreg:$0x4] =	wrdreg s6;
	s0 =	sadd.s32 $0x63880, s0  }
0x12: {  	s26 =	sadd.s32 s14, s25;
	s15 =	smax.u32 s7, $0x1;
	s20 =	sshrl.u32 @!p3 s8, $0x3  }
0x13: {  	s25 =	simm.s32 $0x4F00;
	s6 =	simm.s32 $0x0;
	[dreg:$0x6] =	wrdreg s0  }
0x14: {  	s11 =	sadd.s32 $0xD800, s9;
	s12 =	sadd.s32 $0x3A00, s9;
	s0 =	sshrl.u32 s24, $0x3  }
0x15: {  	s17 =	sshrl.u32 @!p1 s5, $0x3;
	s19 =	sshrl.u32 @!p2 s5, $0x3;
	s24 =	simm.s32 $0x50  }
0x16: {  	s13 =	sadd.s32 s14, s0;
	s14 =	sadd.s32 $0x25080, s26;
	s0 =	sshll.u32 @!p1 s22, $0x6  }
0x17: {  	s26 =	simm.s32 $0x7700;
	s16 =	sor.u32 @!p1 $0x1C05, s0;
	s0 =	sshll.u32 @!p2 s22, $0x6  }
0x18: {  	s22 =	simm.s32 $0x5;
	s18 =	sor.u32 @!p2 $0x1C05, s0;
	s0 =	simm.s32 $0x6  }
.LBB2_1:
0x19: {  	s7 =	rddreg [dreg:$0x3]  }
0x1a: {  	[spmem:s17], [sflag:s16] =	dma.local @!p1 [hbm:s7], $0x2780  }
0x1b: {  	s7 =	rddreg [dreg:$0x4]  }
0x1c: {  	[spmem:s19], [sflag:s18] =	dma.local @!p2 [hbm:s7], $0x2780  }
0x1d: {  	s7 =	simm.s32 @!p3 $0x1FC5;
	s9 =	rddreg [dreg:$0x5]  }
0x1e: {  	[spmem:s20], [sflag:s7] =	dma.local @!p3 [hbm:s9], $0x2080  }
0x1f: {  	s7 =	simm.s32 @!p4 $0x1FC5;
	s9 =	rddreg [dreg:$0x6]  }
0x20: {  	[spmem:s21], [sflag:s7] =	dma.local @!p4 [hbm:s9], $0x2080  }
0x21: {  	[tilespmem:s3], [sflag:$0x2] =	stream.linear.gather [hbm4b:s11+s3], $0x2710, $0x38;
	[tilespmem:$0x1FF80] =	vst v63  }
0x22: {  	s10 =	simm.s32 $0x2780  }
0x23: {  	[tilespmem:s10], [sflag:$0x4] =	stream.linear.gather [hbm4b:s12+s3], $0x2710, $0x38;
	[tilespmem:$0x1FF80] =	vst v63  }
0x24: {  	_ =	swait.ge [sflag:s23], $0x2710  }
0x25: {  	[sflag:s23] =	ssyncset.done $0x0  }
0x26: {  	[sflag:s23] =	ssyncadd.s32 $0xFFFFD8F0  }
0x27: {  	[tilespmem:s25], [sflag:$0x1] =	stream.indirect.gather [hbm4b:s4+s24], $0x80, s3, s24, $0xb8;
	[tilespmem:$0x1FF80] =	vst v63  }
0x28: {  	_ = 	snop  }
0x29: {  	[tilespmem:s26], [sflag:$0x2] =	stream.indirect.gather [hbm4b:s4+s24], $0x80, s24, s24, $0xb8;
	[tilespmem:$0x1FF80] =	vst v63  }
0x2a: {  	s9 =	simm.s32 $0xA0;
	s7 =	simm.s32 @p0 $0x5  }
0x2b: {  	[tilespmem:s29], [sflag:$0x3] =	stream.indirect.gather [hbm4b:s4+s24], $0x80, s9, s24, $0xb8;
	[tilespmem:$0x1FF80] =	vst v63  }
0x2c: {  	_ =	swait.ge @p0 [sflag:s7], $0x2780  }
0x2d: {  	[sflag:s7] =	ssyncset.done @p0 $0x0  }
0x2e: {  	[sflag:s7] =	ssyncadd.s32 @p0 $0xFFFFD880;
	s7 =	simm.s32 @!p0 $0x5  }
0x2f: {  	_ =	swait.ge @!p0 [sflag:s7], $0x2080  }
0x30: {  	[sflag:s7] =	ssyncset.done @!p0 $0x0  }
0x31: {  	[sflag:s7] =	ssyncadd.s32 @!p0 $0xFFFFDF80  }
0x32: {  	_ =	swait.ge [sflag:s30], $0x2710  }
0x33: {  	[sflag:s30] =	ssyncset.done $0x0  }
0x34: {  	[sflag:s30] =	ssyncadd.s32 $0xFFFFD8F0  }
0x35: {  	[bflag:$0x0] =	sbarrier.arrive $0xFFFF  }
0x36: {  	_ =	swait.ge [sflag:s31], $0x2800  }
0x37: {  	[sflag:s31] =	ssyncset.done $0x0  }
0x38: {  	s10 =	simm.s32 $0x2780;
	[sflag:s31] =	ssyncadd.s32 $0xFFFFD800  }
0x39: {  	[spmem:s2] =	stream.indirect.scatter.add.f32 [tilespmem:s25], [sflag:$0x4], $0x80, s10, s24, $0xb8;
	[tilespmem:$0x1FF80] =	vst v63  }
0x3a: {  	_ =	swait.ge [sflag:s23], $0x2800  }
0x3b: {  	[sflag:s23] =	ssyncset.done $0x0  }
0x3c: {  	s9 =	simm.s32 $0x27D0;
	[sflag:s23] =	ssyncadd.s32 $0xFFFFD800  }
0x3d: {  	[spmem:s2] =	stream.indirect.scatter.add.f32 [tilespmem:s26], [sflag:$0x5], $0x80, s9, s24, $0xb8;
	[tilespmem:$0x1FF80] =	vst v63  }
0x3e: {  	_ =	swait.ge [sflag:s30], $0x2800  }
0x3f: {  	[sflag:s30] =	ssyncset.done $0x0  }
0x40: {  	s10 =	simm.s32 $0xF0;
	[sflag:s30] =	ssyncadd.s32 $0xFFFFD800  }
0x41: {  	[tilespmem:s25], [sflag:$0x1] =	stream.indirect.gather [hbm4b:s4+s24], $0x80, s10, s24, $0xb8;
	[tilespmem:$0x1FF80] =	vst v63  }
0x42: {  	_ =	swait.ge [sflag:s1], $0x2800  }
0x43: {  	[sflag:s1] =	ssyncset.done $0x0  }
0x44: {  	s9 =	simm.s32 $0x2820;
	[sflag:s1] =	ssyncadd.s32 $0xFFFFD800  }
0x45: {  	[spmem:s2] =	stream.indirect.scatter.add.f32 [tilespmem:s29], [sflag:$0x6], $0x80, s9, s24, $0xb8;
	[tilespmem:$0x1FF80] =	vst v63  }
0x46: {  	_ =	swait.ge [sflag:s22], $0x2800  }
0x47: {  	[sflag:s22] =	ssyncset.done $0x0  }
0x48: {  	s10 =	simm.s32 $0x140;
	[sflag:s22] =	ssyncadd.s32 $0xFFFFD800  }
0x49: {  	[tilespmem:s26], [sflag:$0x2] =	stream.indirect.gather [hbm4b:s4+s24], $0x80, s10, s24, $0xb8;
	[tilespmem:$0x1FF80] =	vst v63  }
0x4a: {  	_ =	swait.ge [sflag:s0], $0x2800  }
0x4b: {  	[sflag:s0] =	ssyncset.done $0x0  }
0x4c: {  	s7 =	simm.s32 $0x3C0;
	s9 =	simm.s32 $0x190;
	[sflag:s0] =	ssyncadd.s32 $0xFFFFD800  }
.LBB2_2:
0x4d: {  	[tilespmem:s29], [sflag:$0x3] =	stream.indirect.gather [hbm4b:s4+s24], $0x80, s9, s24, $0xb8;
	[tilespmem:$0x1FF80] =	vst v63  }
0x4e: {  	s9 =	smov.u32 s7  }
0x4f: {  	p6 =	sne.s32 s7, $0x9240;
	s7 =	sadd.s32 $0x3C0, s7;
	_ =	swait.ge [sflag:s31], $0x2800  }
0x50: {  	s9 =	sshra.s32 s9, $0x2;
	[sflag:s31] =	ssyncset.done $0x0  }
0x51: {  	s10 =	sadd.s32 $0x2780, s9;
	[sflag:s31] =	ssyncadd.s32 $0xFFFFD800  }
0x52: {  	[spmem:s2] =	stream.indirect.scatter.add.f32 [tilespmem:s25], [sflag:$0x4], $0x80, s10, s24, $0xb8;
	[tilespmem:$0x1FF80] =	vst v63  }
0x53: {  	_ =	swait.ge [sflag:s23], $0x2800  }
0x54: {  	[sflag:s23] =	ssyncset.done $0x0  }
0x55: {  	s10 =	sadd.s32 $0x27D0, s9;
	[sflag:s23] =	ssyncadd.s32 $0xFFFFD800  }
0x56: {  	[spmem:s2] =	stream.indirect.scatter.add.f32 [tilespmem:s26], [sflag:$0x5], $0x80, s10, s24, $0xb8;
	[tilespmem:$0x1FF80] =	vst v63  }
0x57: {  	_ =	swait.ge [sflag:s30], $0x2800  }
0x58: {  	[sflag:s30] =	ssyncset.done $0x0  }
0x59: {  	s10 =	sadd.s32 $0xF0, s9;
	[sflag:s30] =	ssyncadd.s32 $0xFFFFD800  }
0x5a: {  	[tilespmem:s25], [sflag:$0x1] =	stream.indirect.gather [hbm4b:s4+s24], $0x80, s10, s24, $0xb8;
	[tilespmem:$0x1FF80] =	vst v63  }
0x5b: {  	_ =	swait.ge [sflag:s1], $0x2800  }
0x5c: {  	[sflag:s1] =	ssyncset.done $0x0  }
0x5d: {  	s10 =	sadd.s32 $0x2820, s9;
	[sflag:s1] =	ssyncadd.s32 $0xFFFFD800  }
0x5e: {  	[spmem:s2] =	stream.indirect.scatter.add.f32 [tilespmem:s29], [sflag:$0x6], $0x80, s10, s24, $0xb8;
	[tilespmem:$0x1FF80] =	vst v63  }
0x5f: {  	_ =	swait.ge [sflag:s22], $0x2800  }
0x60: {  	[sflag:s22] =	ssyncset.done $0x0  }
.Ltmp0:
0x61: {  	s10 =	sadd.s32 $0x140, s9;
	[sflag:s22] =	ssyncadd.s32 $0xFFFFD800;
	(pc) =	sbr.rel @p6 .LBB2_2-.Ltmp0, $4  }
0x62: {  	[tilespmem:s26], [sflag:$0x2] =	stream.indirect.gather [hbm4b:s4+s24], $0x80, s10, s24, $0xb8;
	[tilespmem:$0x1FF80] =	vst v63  }
0x63: {  	_ =	swait.ge [sflag:s0], $0x2800  }
0x64: {  	[sflag:s0] =	ssyncset.done $0x0  }
0x65: {  	s9 =	sadd.s32 $0x190, s9;
	[sflag:s0] =	ssyncadd.s32 $0xFFFFD800  }
0x66: {  	[tilespmem:s29], [sflag:$0x3] =	stream.indirect.gather [hbm4b:s4+s24], $0x80, s9, s24, $0xb8;
	[tilespmem:$0x1FF80] =	vst v63  }
0x67: {  	_ =	swait.ge [sflag:s31], $0x2800  }
0x68: {  	[sflag:s31] =	ssyncset.done $0x0  }
0x69: {  	s7 =	simm.s32 $0x4D00;
	[sflag:s31] =	ssyncadd.s32 $0xFFFFD800  }
0x6a: {  	[spmem:s2] =	stream.indirect.scatter.add.f32 [tilespmem:s25], [sflag:$0x4], $0x80, s7, s24, $0xb8;
	[tilespmem:$0x1FF80] =	vst v63  }
0x6b: {  	_ =	swait.ge [sflag:s23], $0x2800  }
0x6c: {  	[sflag:s23] =	ssyncset.done $0x0  }
0x6d: {  	s9 =	simm.s32 $0x4D50;
	[sflag:s23] =	ssyncadd.s32 $0xFFFFD800  }
0x6e: {  	[spmem:s2] =	stream.indirect.scatter.add.f32 [tilespmem:s26], [sflag:$0x5], $0x80, s9, s24, $0xb8;
	[tilespmem:$0x1FF80] =	vst v63  }
0x6f: {  	_ =	swait.ge [sflag:s30], $0x2800  }
0x70: {  	[sflag:s30] =	ssyncset.done $0x0  }
0x71: {  	s10 =	simm.s32 $0x2670;
	[sflag:s30] =	ssyncadd.s32 $0xFFFFD800  }
0x72: {  	[tilespmem:s25], [sflag:$0x1] =	stream.indirect.gather [hbm4b:s4+s24], $0x80, s10, s24, $0xb8;
	[tilespmem:$0x1FF80] =	vst v63  }
0x73: {  	_ =	swait.ge [sflag:s1], $0x2800  }
0x74: {  	[sflag:s1] =	ssyncset.done $0x0  }
0x75: {  	s9 =	simm.s32 $0x4DA0;
	[sflag:s1] =	ssyncadd.s32 $0xFFFFD800  }
0x76: {  	[spmem:s2] =	stream.indirect.scatter.add.f32 [tilespmem:s29], [sflag:$0x6], $0x80, s9, s24, $0xb8;
	[tilespmem:$0x1FF80] =	vst v63  }
0x77: {  	_ =	swait.ge [sflag:s22], $0x2800  }
0x78: {  	[sflag:s22] =	ssyncset.done $0x0  }
0x79: {  	s10 =	simm.s32 $0x26C0;
	[sflag:s22] =	ssyncadd.s32 $0xFFFFD800  }
0x7a: {  	[tilespmem:s26], [sflag:$0x2] =	stream.indirect.gather [hbm4b:s4+s24], $0x80, s10, s24, $0xb8;
	[tilespmem:$0x1FF80] =	vst v63  }
0x7b: {  	_ =	swait.ge [sflag:s0], $0x2800  }
0x7c: {  	[sflag:s0] =	ssyncset.done $0x0  }
0x7d: {  	[sflag:s0] =	ssyncadd.s32 $0xFFFFD800  }
0x7e: {  	_ =	swait.ge [sflag:s31], $0x2800  }
0x7f: {  	[sflag:s31] =	ssyncset.done $0x0  }
0x80: {  	s9 =	simm.s32 $0x4DF0;
	[sflag:s31] =	ssyncadd.s32 $0xFFFFD800  }
0x81: {  	[spmem:s2] =	stream.indirect.scatter.add.f32 [tilespmem:s25], [sflag:$0x7], $0x80, s9, s24, $0xb8;
	[tilespmem:$0x1FF80] =	vst v63  }
0x82: {  	_ =	swait.ge [sflag:s28], $0x2800  }
0x83: {  	[sflag:s28] =	ssyncset.done $0x0  }
0x84: {  	[sflag:s28] =	ssyncadd.s32 $0xFFFFD800  }
0x85: {  	_ =	swait.ge [sflag:s23], $0x2800  }
0x86: {  	[sflag:s23] =	ssyncset.done $0x0  }
0x87: {  	s10 =	simm.s32 $0x4E40;
	[sflag:s23] =	ssyncadd.s32 $0xFFFFD800  }
0x88: {  	[spmem:s2] =	stream.indirect.scatter.add.f32 [tilespmem:s26], [sflag:$0x7], $0x80, s10, s24, $0xb8;
	[tilespmem:$0x1FF80] =	vst v63  }
0x89: {  	_ =	swait.ge [sflag:s28], $0x2800  }
0x8a: {  	[sflag:s28] =	ssyncset.done $0x0  }
0x8b: {  	[sflag:s28] =	ssyncadd.s32 $0xFFFFD800  }
0x8c: {  	s7 =	sshrl.u32 @p5 s8, $0x3;
	s9 =	simm.s32 @p5 $0x1FC7;
	[bflag:$0x0] =	sbarrier.arrive $0xFFFF  }
0x8d: {  	[hbm:s14], [sflag:s9] =	dma.local @p5 [spmem:s7], $0x2080  }
0x8e: {  	s7 =	simm.s32 @p5 $0x7  }
0x8f: {  	s6 =	sadd.s32 $0x1, s6;
	s9 =	stileid.u32;
	_ =	swait.ge @p5 [sflag:s7], $0x2080  }
0x90: {  	p6 =	sne.s32 s6, s15;
	s9 =	sshll.u32 @!p5 s9, $0x6;
	[sflag:s7] =	ssyncset.done @p5 $0x0  }
0x91: {  	[sflag:s7] =	ssyncadd.s32 @p5 $0xFFFFDF80;
	s7 =	sor.u32 @!p5 $0x1C07, s9;
	s9 =	sshrl.u32 @!p5 s5, $0x3  }
0x92: {  	[hbm:s13], [sflag:s7] =	dma.local @!p5 [spmem:s9], $0x2780  }
.Ltmp1:
0x93: {  	_ = 	snop;
	(pc) =	sbr.rel @p6 .LBB2_1-.Ltmp1, $4  }
0x94: {  	s7 =	simm.s32 @!p5 $0x7  }
0x95: {  	_ =	swait.ge @!p5 [sflag:s7], $0x2780  }
0x96: {  	[sflag:s7] =	ssyncset.done @!p5 $0x0  }
0x97: {  	[sflag:s7] =	ssyncadd.s32 @!p5 $0xFFFFD880  }
0x98: {  	_ =	sfence.sel $0x180000  }
0x99: {  	[bflag:$0x0] =	sbarrier.arrive $0xFFFF  }
0x9a: {  	_ =	strace $0x9000004D  }
0x9b: {  	s0 =	stileid.u32;
	[bflag:$0x2] =	sbarrier.arrive $0xFFFF  }
0x9c: {  	p0 =	sne.s32 s0, $0x0;
	s0 =	rddreg [dreg:$0x2]  }
0x9d: {  	s0 =	sadd.s32 @!p0 $0x100000, s0  }
0x9e: {  	[sflag:s0] =	ssyncadd.tile.s32 @!p0 $0x1;
	_ =	shalt  }
.Lfunc_end2:
_tile_overlayer_lowered:
.L_overlay_start_2:
0x9f: {  	(tag) =	ssettag $0x2  }
0xa0: {  	s0 =	rddreg [dreg:$0x0];
	s2 =	stileid.u32  }
0xa1: {  	s1 =	rddreg [dreg:$0x1];
	p0 =	sne.s32 s2, $0x0  }
0xa2: {  	s3 =	rddreg [dreg:$0x2];
	[bflag:$0x3] =	sbarrier.arrive $0xFFFF;
	s2 =	simm.s32 @!p0 $0x1C07  }
0xa3: {  	[timem:s3], [sflag:s2] =	dma.local @!p0 [hbm:s0], s1  }
0xa4: {  	s0 =	simm.s32 @!p0 $0x7  }
0xa5: {  	_ =	swait.ge @!p0 [sflag:s0], s1  }
0xa6: {  	s1 =	ssub.s32 @!p0 $0x0, s1;
	[sflag:s0] =	ssyncset.done @!p0 $0x0  }
0xa7: {  	[sflag:s0] =	ssyncadd.s32 @!p0 s1  }
0xa8: {  	[bflag:$0x3] =	sbarrier.arrive $0xFFFF  }
0xa9: {  	_ =	shalt  }

// kernel: kernel.8.cloned.1.call-start
scs
__scs_entry_jumppad:
0x0: {  	(pc) =	sbr.rel $0x88, $3  }
0x1: {  	(tag) =	ssettag $0x0;
	lr =	simm.s32 $0x1  }
0x2: {  	[smem:$0x3F8C] =	sst lr;
	_ =	strace $0xD0000000  }
0x3: {  	_ = 	snop  }
0x4: {  	_ = 	snop  }
0x5: {  	_ = 	snop  }
0x6: {  	_ = 	snop  }
0x7: {  	_ = 	snop  }
__scs_overlays_trampoline_lowered:
0x8: {  	[smem:$0x3F9B] =	sst s0  }
0x9: {  	[smem:$0x3F9C] =	sst s1  }
0xa: {  	[smem:$0x3F9D] =	sst s2  }
0xb: {  	[smem:$0x3F9E] =	sst s3  }
0xc: {  	[smem:$0x3F9F] =	sst s4  }
0xd: {  	[smem:$0x3FA0] =	sst s5  }
0xe: {  	[smem:$0x3FA1] =	sst s6  }
0xf: {  	[smem:$0x3FA2] =	sst s7  }
0x10: {  	[smem:$0x3FA3] =	sst s8  }
0x11: {  	[smem:$0x3FA4] =	sst s9;
	s0 =	simm.s32 @!p0 $0x0  }
0x12: {  	s1 =	sld [smem:$0x3F8A];
	s0 =	simm.s32 @p0 $0x1  }
0x13: {  	[smem:$0x3FA5] =	sst s0;
	s0 =	simm.s32 @!p1 $0x0  }
0x14: {  	s2 =	sld [smem:$0x3F89];
	s0 =	simm.s32 @p1 $0x1  }
0x15: {  	[smem:$0x3FA6] =	sst s0;
	s0 =	simm.s32 @!p2 $0x0  }
0x16: {  	s3 =	sld [smem:$0x3FDB];
	s0 =	simm.s32 @p2 $0x1  }
0x17: {  	s4 =	simm.s32 $0x1BF5;
	[smem:$0x3FA8] =	sst s0  }
0x18: {  	s0 =	sld [smem:$0x3F8B];
	_ =	swait.ge [sflag:s4], $0x0  }
0x19: {  	s7 =	sld [smem:$0x3F8C]  }
0x1a: {  	s8 =	sadd.s32 $0xFFFFE003, lr  }
0x1b: {  	s9 =	sadd.s32 $0xFFFFFEF7, lr;
	s5 =	simm.s32 $0xFFFFFFFF;
	p2 =	slt.u32 s8, $0xFFFFF086  }
0x1c: {  	p1 =	slt.u32 s9, $0xF7A;
	s5 =	simm.s32 @!p2 $0x0  }
0x1d: {  	s5 =	simm.s32 @p1 $0x1;
	p0 =	seq.s32 s7, s2  }
0x1e: {  	s7 =	smul.u32 @!p0 $0xF7A, s2;
	p2 =	seq.s32 @!p0 s5, $0x0  }
0x1f: {  	s9 =	smul.u32 $0xF7A, s1;
	s8 =	simm.s32 @!p0 $0x1BF5;
	p2 =	por !p2, p0  }
0x20: {  	[sflag:s8] =	ssyncset.s32 @!p0 $0xFFFFF086;
	s6 =	sadd.s32 @!p0 s3, s7;
	s7 =	simm.s32 @!p0 $0x108  }
0x21: {  	s3 =	sadd.s32 s3, s9;
	s6 =	sadd.s32 @!p0 $0x88, s6;
	s7 =	simm.s32 @p2 $0x1082  }
0x22: {  	[simem:s7], [sflag:s8] =	dma.local @!p0 [hbm:s6], $0xF7A  }
0x23: {  	s9 =	sor.u32 $0xD0000000, s2;
	s6 =	simm.s32 $0x108;
	_ =	swait.ge @!p0 [sflag:s8], $0x0  }
0x24: {  	s3 =	sadd.s32 $0x88, s3;
	s6 =	simm.s32 @!p1 $0x1082;
	[sflag:s4] =	ssyncset.s32 $0xFFFFF086  }
0x25: {  	[simem:s6], [sflag:s4] =	dma.local [hbm:s3], $0xF7A  }
0x26: {  	[smem:$0x3F8C] =	sst s1;
	(tag) =	ssettag s2;
	_ =	strace s9  }
0x27: {  	s1 =	sld [smem:$0x3F9C]  }
0x28: {  	s2 =	sld [smem:$0x3F9D]  }
0x29: {  	s4 =	sld [smem:$0x3F9F]  }
0x2a: {  	p0 =	seq.s32 s5, $0x0;
	s5 =	sld [smem:$0x3FA0]  }
0x2b: {  	s6 =	sld [smem:$0x3FA1]  }
0x2c: {  	s7 =	sld [smem:$0x3FA2]  }
0x2d: {  	s3 =	simm.s32 $0x108;
	s8 =	sld [smem:$0x3FA3]  }
0x2e: {  	s3 =	simm.s32 @!p0 $0x1082;
	s9 =	sld [smem:$0x3FA4]  }
0x2f: {  	lr =	sadd.s32 s0, s3;
	s0 =	sld [smem:$0x3F9B]  }
0x30: {  	s3 =	sld [smem:$0x3F9E]  }
0x31: {  	[smem:$0x3FA7] =	sst s10  }
0x32: {  	s10 =	sld [smem:$0x3FA5];
	_ =	sdelay $0x3  }
0x33: {  	p0 =	seq.s32 s10, $0x1;
	s10 =	sld [smem:$0x3FA7];
	_ =	sdelay $0x3  }
0x34: {  	[smem:$0x3FA7] =	sst s10  }
0x35: {  	s10 =	sld [smem:$0x3FA6];
	_ =	sdelay $0x3  }
0x36: {  	p1 =	seq.s32 s10, $0x1;
	s10 =	sld [smem:$0x3FA7];
	_ =	sdelay $0x3  }
0x37: {  	[smem:$0x3FA7] =	sst s10  }
0x38: {  	s10 =	sld [smem:$0x3FA8]  }
0x39: {  	_ = 	snop;
	(pc) =	sbr.ind lr, $3  }
0x3a: {  	_ = 	snop  }
0x3b: {  	_ = 	snop  }
0x3c: {  	p2 =	seq.s32 s10, $0x1;
	s10 =	sld [smem:$0x3FA7]  }
0x3d: {  	_ =	shalt  }
0x3e: {  	_ =	shalt  }
0x3f: {  	_ =	shalt  }
0x40: {  	_ =	shalt  }
0x41: {  	_ =	shalt  }
0x42: {  	_ =	shalt  }
0x43: {  	_ =	shalt  }
0x44: {  	_ =	shalt  }
0x45: {  	_ =	shalt  }
0x46: {  	_ =	shalt  }
0x47: {  	_ =	shalt  }
0x48: {  	_ =	shalt  }
0x49: {  	_ =	shalt  }
0x4a: {  	_ =	shalt  }
0x4b: {  	_ =	shalt  }
0x4c: {  	_ =	shalt  }
0x4d: {  	_ =	shalt  }
0x4e: {  	_ =	shalt  }
0x4f: {  	_ =	shalt  }
0x50: {  	_ =	shalt  }
0x51: {  	_ =	shalt  }
0x52: {  	_ =	shalt  }
0x53: {  	_ =	shalt  }
0x54: {  	_ =	shalt  }
0x55: {  	_ =	shalt  }
0x56: {  	_ =	shalt  }
0x57: {  	_ =	shalt  }
0x58: {  	_ =	shalt  }
0x59: {  	_ =	shalt  }
0x5a: {  	_ =	shalt  }
0x5b: {  	_ =	shalt  }
0x5c: {  	_ =	shalt  }
0x5d: {  	_ =	shalt  }
0x5e: {  	_ =	shalt  }
0x5f: {  	_ =	shalt  }
0x60: {  	_ =	shalt  }
0x61: {  	_ =	shalt  }
0x62: {  	_ =	shalt  }
0x63: {  	_ =	shalt  }
0x64: {  	_ =	shalt  }
0x65: {  	_ =	shalt  }
0x66: {  	_ =	shalt  }
0x67: {  	_ =	shalt  }
0x68: {  	_ =	shalt  }
0x69: {  	_ =	shalt  }
0x6a: {  	_ =	shalt  }
0x6b: {  	_ =	shalt  }
0x6c: {  	_ =	shalt  }
0x6d: {  	_ =	shalt  }
0x6e: {  	_ =	shalt  }
0x6f: {  	_ =	shalt  }
0x70: {  	_ =	shalt  }
0x71: {  	_ =	shalt  }
0x72: {  	_ =	shalt  }
0x73: {  	_ =	shalt  }
0x74: {  	_ =	shalt  }
0x75: {  	_ =	shalt  }
0x76: {  	_ =	shalt  }
0x77: {  	_ =	shalt  }
0x78: {  	_ =	shalt  }
0x79: {  	_ =	shalt  }
0x7a: {  	_ =	shalt  }
0x7b: {  	_ =	shalt  }
0x7c: {  	_ =	shalt  }
0x7d: {  	_ =	shalt  }
0x7e: {  	_ =	shalt  }
0x7f: {  	_ =	shalt  }
0x80: {  	_ =	shalt  }
0x81: {  	_ =	shalt  }
0x82: {  	_ =	shalt  }
0x83: {  	_ =	shalt  }
0x84: {  	_ =	shalt  }
0x85: {  	_ =	shalt  }
0x86: {  	_ =	shalt  }
0x87: {  	_ =	shalt  }
.Lfunc_end0:
.L_simem_size_0:
called_computation_lowered:
.L_overlay_start_0:
0x88: {  	s2 =	sld [smem:$0x3FD9]  }
0x89: {  	s3 =	sld [smem:$0x3FFE];
	_ =	sdelay $0x1  }
0x8a: {  	s1 =	srdreg.scid  }
0x8b: {  	s0 =	sand.u32 $0x1, s1  }
0x8c: {  	s17 =	sshll.u32 s0, $0xA;
	s2 =	sadd.s32 s3, s2  }
0x8d: {  	s2 =	sadd.s32 s2, s17  }
0x8e: {  	[smem:$0x3FB3] =	sst s2  }
0x8f: {  	_ = 	snop  }
0x90: {  	s2 =	sld [smem:$0x3FC9];
	(tm) =	ssettm $0x1  }
0x91: {  	s18 =	sld [smem:$0x3FFB];
	_ =	sdelay $0x3  }
0x92: {  	_ =	strace s18  }
0x93: {  	s3 =	sld [smem:$0x3FFC];
	_ =	sdelay $0x3  }
0x94: {  	_ =	strace s3  }
0x95: {  	s3 =	sld [smem:$0x3FFD];
	_ =	sdelay $0x3  }
0x96: {  	_ =	strace s3  }
0x97: {  	_ =	strace $0x8FFFFFFF  }
0x98: {  	s19 =	sld [smem:$0x3FDB];
	_ =	sdelay $0x1  }
0x99: {  	s4 =	simm.s32 $_scs_section_size  }
0x9a: {  	s5 =	simm.s32 $_size__tile_overlayer_lowered;
	s6 =	simm.s32 $_tile_overlayer_lowered  }
0x9b: {  	s22 =	simm.s32 $0x1BFF;
	s21 =	sshll.u32 s6, $0x1;
	s3 =	sadd.s32 s4, s19  }
0x9c: {  	s7 =	simm.s32 $0x0;
	s20 =	sshll.u32 s5, $0x1;
	s5 =	sadd.s32 s21, s3  }
0x9d: {  	[timem:s7], [sflag:s22] =	dma.local [hbm:s5], s20  }
0x9e: {  	_ =	swait.ge [sflag:s22], s20  }
0x9f: {  	s4 =	ssub.s32 $0x0, s20;
	[sflag:s22] =	ssyncset.done $0x0  }
0xa0: {  	[sflag:s22] =	ssyncadd.s32 s4;
	_ =	sdelay $0x1  }
0xa1: {  	s23 =	simm.s32 $0x1B8B  }
0xa2: {  	_ =	swait.ge [sflag:s23], $0x1  }
0xa3: {  	[sflag:s23] =	ssyncset.done $0x0  }
0xa4: {  	s25 =	simm.s32 $0x1B8E;
	s24 =	sld [smem:$0x3FFE];
	[sflag:s23] =	ssyncadd.s32 $0xFFFFFFFF  }
0xa5: {  	s26 =	simm.s32 $execute0_lowered;
	[smem:$0x3FD2] =	sst s25  }
0xa6: {  	s5 =	sshll.u32 s26, $0x1;
	_ =	strace $0x80000046;
	[dreg:$0x1] =	wrdreg $0xFFFFFFFF  }
0xa7: {  	s28 =	simm.s32 $_size_execute0_lowered;
	s3 =	sadd.s32 s3, s5;
	[dreg:$0x0] =	wrdreg $0x0  }
0xa8: {  	s5 =	sshll.u32 s28, $0x1;
	[dreg:$0x2] =	wrdreg s3  }
0xa9: {  	[dreg:$0x3] =	wrdreg s5  }
0xaa: {  	[dreg:$0x4] =	wrdreg $0xC0  }
0xab: {  	_ =	task [dreg:s7], $0x5FFFF  }
0xac: {  	[dreg:$0x1] =	wrdreg $0xFFFFFFFF  }
0xad: {  	[dreg:$0x0] =	wrdreg $0x60  }
0xae: {  	[dreg:$0x2] =	wrdreg s2  }
0xaf: {  	[dreg:$0x3] =	wrdreg s24  }
0xb0: {  	[dreg:$0x4] =	wrdreg $0xC7000  }
0xb1: {  	[dreg:$0x5] =	wrdreg $0x9  }
0xb2: {  	_ =	task.clear_ibuf [dreg:s7], $0x6FFFF;
	_ =	strace $0x90000046  }
0xb3: {  	s29 =	simm.s32 $0x9;
	_ =	strace $0x80000048  }
0xb4: {  	_ =	swait.ge [sflag:s29], $0x1  }
0xb5: {  	[sflag:s29] =	ssyncadd.s32 $0xFFFFFFFF  }
0xb6: {  	_ =	strace $0x90000048  }
0xb7: {  	_ =	sfence  }
0xb8: {  	s30 =	sld [smem:$0x0];
	_ =	sdelay $0x2  }
0xb9: {  	s31 =	sshll.u32 s1, $0xD;
	s1 =	sshrl.u32 s1, $0x2  }
0xba: {  	s3 =	sand.u32 $0x4000, s31;
	s1 =	sadd.s32 s1, s30  }
0xbb: {  	s0 =	sor.u32 s3, s0;
	s1 =	sshll.u32 s1, $0x11  }
0xbc: {  	s0 =	sor.u32 s1, s0  }
0xbd: {  	s0 =	sadd.s32 $0x8F2B, s0  }
0xbe: {  	[sflag:s0] =	ssyncadd.remote.s32 $0x1  }
0xbf: {  	_ =	sfence.sel $0xFFFF  }
0xc0: {  	[dreg:$0x0] =	wrdreg $0xFFFFFFFF;
	(pc) =	sbr.abs _section_cstart, $3  }
0xc1: {  	[dreg:$0x1] =	wrdreg $0xFFFFFFFF  }
0xc2: {  	_ =	task.clear_ibuf [dreg:s7], $0x2FFFF;
	_ =	strace $0x9FFFFFFF  }
0xc3: {  	(tm) =	ssettm $0x7FFFFFFF  }
tec
execute0_lowered:
.L_overlay_start_1:
0x0: {  	(tag) =	ssettag $0x1  }
0x1: {  	s1 =	rddreg [dreg:$0x0];
	s0 =	srdreg.scid  }
0x2: {  	s22 =	stileid.u32;
	s2 =	rddreg [dreg:$0x1]  }
0x3: {  	s3 =	rddreg [dreg:$0x2];
	s29 =	simm.s32 $0x9F00;
	s30 =	simm.s32 $0x4  }
0x4: {  	s31 =	simm.s32 $0x1;
	s28 =	simm.s32 $0x7;
	s6 =	smul.u32 $0x2780, s22  }
0x5: {  	s0 =	sand.u32 $0x1, s0;
	s4 =	sshll.u32 s22, $0x1;
	s8 =	smul.u32 $0x4F000, s22  }
0x6: {  	s14 =	sadd.s32 $0x3E800, s2;
	s21 =	smul.u32 $0x13C00, s22;
	s23 =	sadd.s32 $0x25080, s1  }
0x7: {  	p0 =	sne.s32 s22, $0xF;
	p5 =	seq.s32 s22, $0xF;
	s5 =	sor.u32 s0, s4  }
0x8: {  	s4 =	simm.s32 $0x0;
	s7 =	ssub.s32 $0x2, s0;
	s13 =	smul.u32 $0x138800, s0  }
0x9: {  	p2 =	sne.s32 @p0 s0, $0x0;
	p4 =	sne.s32 @!p0 s0, $0x0;
	s0 =	simm.s32 $0x6  }
0xa: {  	s5 =	smul.u32 $0x4E2, s5;
	[smem:$0x7FF] =	sst s4;
	s10 =	sadd.s32 s6, s2  }
0xb: {  	s18 =	sshrl.u32 s7, $0x1;
	s19 =	sshrl.u32 s8, $0x2;
	s6 =	sadd.s32 s1, s6  }
0xc: {  	s8 =	sadd.s32 $0x128400, s3;
	p1 =	por !p2, !p0;
	p2 =	por p2, !p0  }
0xd: {  	p3 =	por !p4, p0;
	p4 =	por p4, p0;
	_ =	strace $0x80000047  }
0xe: {  	s7 =	ssub.s32 s7, s18;
	s20 =	sadd.s32 $0x17600, s10;
	[dreg:$0x5] =	wrdreg s6  }
0xf: {  	[dreg:$0x7] =	wrdreg s23;
	s24 =	sadd.s32 s21, s13;
	s25 =	sshrl.u32 s13, $0x3  }
0x10: {  	s21 =	sshrl.u32 @!p4 s8, $0x3;
	s23 =	simm.s32 $0x2;
	s6 =	simm.s32 $0x0  }
0x11: {  	s9 =	sadd.s32 s5, s2;
	s5 =	sadd.s32 s19, s3;
	[dreg:$0x4] =	wrdreg s20  }
0x12: {  	s2 =	sadd.s32 $0x3C680, s2;
	s26 =	sadd.s32 s14, s25;
	s15 =	smax.u32 s7, $0x1  }
0x13: {  	s20 =	sshrl.u32 @!p3 s8, $0x3;
	s25 =	simm.s32 $0x4F00;
	[dreg:$0x6] =	wrdreg s2  }
0x14: {  	s11 =	sadd.s32 $0xD800, s9;
	s12 =	sadd.s32 $0x3A00, s9;
	s2 =	sshrl.u32 s24, $0x3  }
0x15: {  	s17 =	sshrl.u32 @!p1 s5, $0x3;
	s19 =	sshrl.u32 @!p2 s5, $0x3;
	s24 =	simm.s32 $0x50  }
0x16: {  	s13 =	sadd.s32 s14, s2;
	s14 =	sadd.s32 $0x25080, s26;
	s2 =	sshll.u32 @!p1 s22, $0x6  }
0x17: {  	s26 =	simm.s32 $0x7700;
	s16 =	sor.u32 @!p1 $0x1C05, s2;
	s2 =	sshll.u32 @!p2 s22, $0x6  }
0x18: {  	s22 =	simm.s32 $0x5;
	s18 =	sor.u32 @!p2 $0x1C05, s2;
	s2 =	simm.s32 $0x3  }
.LBB2_1:
0x19: {  	s7 =	rddreg [dreg:$0x4]  }
0x1a: {  	[spmem:s17], [sflag:s16] =	dma.local @!p1 [hbm:s7], $0x2780  }
0x1b: {  	s7 =	rddreg [dreg:$0x5]  }
0x1c: {  	[spmem:s19], [sflag:s18] =	dma.local @!p2 [hbm:s7], $0x2780  }
0x1d: {  	s7 =	simm.s32 @!p3 $0x1FC5;
	s9 =	rddreg [dreg:$0x6]  }
0x1e: {  	[spmem:s20], [sflag:s7] =	dma.local @!p3 [hbm:s9], $0x2080  }
0x1f: {  	s7 =	simm.s32 @!p4 $0x1FC5;
	s9 =	rddreg [dreg:$0x7]  }
0x20: {  	[spmem:s21], [sflag:s7] =	dma.local @!p4 [hbm:s9], $0x2080  }
0x21: {  	[tilespmem:s4], [sflag:$0x2] =	stream.linear.gather [hbm4b:s11+s4], $0x2710, $0x38;
	[tilespmem:$0x1FF80] =	vst v63  }
0x22: {  	s10 =	simm.s32 $0x2780  }
0x23: {  	[tilespmem:s10], [sflag:$0x4] =	stream.linear.gather [hbm4b:s12+s4], $0x2710, $0x38;
	[tilespmem:$0x1FF80] =	vst v63  }
0x24: {  	_ =	swait.ge [sflag:s23], $0x2710  }
0x25: {  	[sflag:s23] =	ssyncset.done $0x0  }
0x26: {  	[sflag:s23] =	ssyncadd.s32 $0xFFFFD8F0  }
0x27: {  	[tilespmem:s25], [sflag:$0x1] =	stream.indirect.gather [hbm4b:s1+s24], $0x80, s4, s24, $0xb8;
	[tilespmem:$0x1FF80] =	vst v63  }
0x28: {  	_ = 	snop  }
0x29: {  	[tilespmem:s26], [sflag:$0x2] =	stream.indirect.gather [hbm4b:s1+s24], $0x80, s24, s24, $0xb8;
	[tilespmem:$0x1FF80] =	vst v63  }
0x2a: {  	s9 =	simm.s32 $0xA0;
	s7 =	simm.s32 @p0 $0x5  }
0x2b: {  	[tilespmem:s29], [sflag:$0x3] =	stream.indirect.gather [hbm4b:s1+s24], $0x80, s9, s24, $0xb8;
	[tilespmem:$0x1FF80] =	vst v63  }
0x2c: {  	_ =	swait.ge @p0 [sflag:s7], $0x2780  }
0x2d: {  	[sflag:s7] =	ssyncset.done @p0 $0x0  }
0x2e: {  	[sflag:s7] =	ssyncadd.s32 @p0 $0xFFFFD880;
	s7 =	simm.s32 @!p0 $0x5  }
0x2f: {  	_ =	swait.ge @!p0 [sflag:s7], $0x2080  }
0x30: {  	[sflag:s7] =	ssyncset.done @!p0 $0x0  }
0x31: {  	[sflag:s7] =	ssyncadd.s32 @!p0 $0xFFFFDF80  }
0x32: {  	_ =	swait.ge [sflag:s30], $0x2710  }
0x33: {  	[sflag:s30] =	ssyncset.done $0x0  }
0x34: {  	[sflag:s30] =	ssyncadd.s32 $0xFFFFD8F0  }
0x35: {  	[bflag:$0x0] =	sbarrier.arrive $0xFFFF  }
0x36: {  	_ =	swait.ge [sflag:s31], $0x2800  }
0x37: {  	[sflag:s31] =	ssyncset.done $0x0  }
0x38: {  	s10 =	simm.s32 $0x2780;
	[sflag:s31] =	ssyncadd.s32 $0xFFFFD800  }
0x39: {  	[spmem:s3] =	stream.indirect.scatter.add.f32 [tilespmem:s25], [sflag:$0x4], $0x80, s10, s24, $0xb8;
	[tilespmem:$0x1FF80] =	vst v63  }
0x3a: {  	_ =	swait.ge [sflag:s23], $0x2800  }
0x3b: {  	[sflag:s23] =	ssyncset.done $0x0  }
0x3c: {  	s9 =	simm.s32 $0x27D0;
	[sflag:s23] =	ssyncadd.s32 $0xFFFFD800  }
0x3d: {  	[spmem:s3] =	stream.indirect.scatter.add.f32 [tilespmem:s26], [sflag:$0x5], $0x80, s9, s24, $0xb8;
	[tilespmem:$0x1FF80] =	vst v63  }
0x3e: {  	_ =	swait.ge [sflag:s30], $0x2800  }
0x3f: {  	[sflag:s30] =	ssyncset.done $0x0  }
0x40: {  	s10 =	simm.s32 $0xF0;
	[sflag:s30] =	ssyncadd.s32 $0xFFFFD800  }
0x41: {  	[tilespmem:s25], [sflag:$0x1] =	stream.indirect.gather [hbm4b:s1+s24], $0x80, s10, s24, $0xb8;
	[tilespmem:$0x1FF80] =	vst v63  }
0x42: {  	_ =	swait.ge [sflag:s2], $0x2800  }
0x43: {  	[sflag:s2] =	ssyncset.done $0x0  }
0x44: {  	s9 =	simm.s32 $0x2820;
	[sflag:s2] =	ssyncadd.s32 $0xFFFFD800  }
0x45: {  	[spmem:s3] =	stream.indirect.scatter.add.f32 [tilespmem:s29], [sflag:$0x6], $0x80, s9, s24, $0xb8;
	[tilespmem:$0x1FF80] =	vst v63  }
0x46: {  	_ =	swait.ge [sflag:s22], $0x2800  }
0x47: {  	[sflag:s22] =	ssyncset.done $0x0  }
0x48: {  	s10 =	simm.s32 $0x140;
	[sflag:s22] =	ssyncadd.s32 $0xFFFFD800  }
0x49: {  	[tilespmem:s26], [sflag:$0x2] =	stream.indirect.gather [hbm4b:s1+s24], $0x80, s10, s24, $0xb8;
	[tilespmem:$0x1FF80] =	vst v63  }
0x4a: {  	_ =	swait.ge [sflag:s0], $0x2800  }
0x4b: {  	[sflag:s0] =	ssyncset.done $0x0  }
0x4c: {  	s7 =	simm.s32 $0x3C0;
	s9 =	simm.s32 $0x190;
	[sflag:s0] =	ssyncadd.s32 $0xFFFFD800  }
.LBB2_2:
0x4d: {  	[tilespmem:s29], [sflag:$0x3] =	stream.indirect.gather [hbm4b:s1+s24], $0x80, s9, s24, $0xb8;
	[tilespmem:$0x1FF80] =	vst v63  }
0x4e: {  	s9 =	smov.u32 s7  }
0x4f: {  	p6 =	sne.s32 s7, $0x9240;
	s7 =	sadd.s32 $0x3C0, s7;
	_ =	swait.ge [sflag:s31], $0x2800  }
0x50: {  	s9 =	sshra.s32 s9, $0x2;
	[sflag:s31] =	ssyncset.done $0x0  }
0x51: {  	s10 =	sadd.s32 $0x2780, s9;
	[sflag:s31] =	ssyncadd.s32 $0xFFFFD800  }
0x52: {  	[spmem:s3] =	stream.indirect.scatter.add.f32 [tilespmem:s25], [sflag:$0x4], $0x80, s10, s24, $0xb8;
	[tilespmem:$0x1FF80] =	vst v63  }
0x53: {  	_ =	swait.ge [sflag:s23], $0x2800  }
0x54: {  	[sflag:s23] =	ssyncset.done $0x0  }
0x55: {  	s10 =	sadd.s32 $0x27D0, s9;
	[sflag:s23] =	ssyncadd.s32 $0xFFFFD800  }
0x56: {  	[spmem:s3] =	stream.indirect.scatter.add.f32 [tilespmem:s26], [sflag:$0x5], $0x80, s10, s24, $0xb8;
	[tilespmem:$0x1FF80] =	vst v63  }
0x57: {  	_ =	swait.ge [sflag:s30], $0x2800  }
0x58: {  	[sflag:s30] =	ssyncset.done $0x0  }
0x59: {  	s10 =	sadd.s32 $0xF0, s9;
	[sflag:s30] =	ssyncadd.s32 $0xFFFFD800  }
0x5a: {  	[tilespmem:s25], [sflag:$0x1] =	stream.indirect.gather [hbm4b:s1+s24], $0x80, s10, s24, $0xb8;
	[tilespmem:$0x1FF80] =	vst v63  }
0x5b: {  	_ =	swait.ge [sflag:s2], $0x2800  }
0x5c: {  	[sflag:s2] =	ssyncset.done $0x0  }
0x5d: {  	s10 =	sadd.s32 $0x2820, s9;
	[sflag:s2] =	ssyncadd.s32 $0xFFFFD800  }
0x5e: {  	[spmem:s3] =	stream.indirect.scatter.add.f32 [tilespmem:s29], [sflag:$0x6], $0x80, s10, s24, $0xb8;
	[tilespmem:$0x1FF80] =	vst v63  }
0x5f: {  	_ =	swait.ge [sflag:s22], $0x2800  }
0x60: {  	[sflag:s22] =	ssyncset.done $0x0  }
.Ltmp0:
0x61: {  	s10 =	sadd.s32 $0x140, s9;
	[sflag:s22] =	ssyncadd.s32 $0xFFFFD800;
	(pc) =	sbr.rel @p6 .LBB2_2-.Ltmp0, $4  }
0x62: {  	[tilespmem:s26], [sflag:$0x2] =	stream.indirect.gather [hbm4b:s1+s24], $0x80, s10, s24, $0xb8;
	[tilespmem:$0x1FF80] =	vst v63  }
0x63: {  	_ =	swait.ge [sflag:s0], $0x2800  }
0x64: {  	[sflag:s0] =	ssyncset.done $0x0  }
0x65: {  	s9 =	sadd.s32 $0x190, s9;
	[sflag:s0] =	ssyncadd.s32 $0xFFFFD800  }
0x66: {  	[tilespmem:s29], [sflag:$0x3] =	stream.indirect.gather [hbm4b:s1+s24], $0x80, s9, s24, $0xb8;
	[tilespmem:$0x1FF80] =	vst v63  }
0x67: {  	_ =	swait.ge [sflag:s31], $0x2800  }
0x68: {  	[sflag:s31] =	ssyncset.done $0x0  }
0x69: {  	s7 =	simm.s32 $0x4D00;
	[sflag:s31] =	ssyncadd.s32 $0xFFFFD800  }
0x6a: {  	[spmem:s3] =	stream.indirect.scatter.add.f32 [tilespmem:s25], [sflag:$0x4], $0x80, s7, s24, $0xb8;
	[tilespmem:$0x1FF80] =	vst v63  }
0x6b: {  	_ =	swait.ge [sflag:s23], $0x2800  }
0x6c: {  	[sflag:s23] =	ssyncset.done $0x0  }
0x6d: {  	s9 =	simm.s32 $0x4D50;
	[sflag:s23] =	ssyncadd.s32 $0xFFFFD800  }
0x6e: {  	[spmem:s3] =	stream.indirect.scatter.add.f32 [tilespmem:s26], [sflag:$0x5], $0x80, s9, s24, $0xb8;
	[tilespmem:$0x1FF80] =	vst v63  }
0x6f: {  	_ =	swait.ge [sflag:s30], $0x2800  }
0x70: {  	[sflag:s30] =	ssyncset.done $0x0  }
0x71: {  	s10 =	simm.s32 $0x2670;
	[sflag:s30] =	ssyncadd.s32 $0xFFFFD800  }
0x72: {  	[tilespmem:s25], [sflag:$0x1] =	stream.indirect.gather [hbm4b:s1+s24], $0x80, s10, s24, $0xb8;
	[tilespmem:$0x1FF80] =	vst v63  }
0x73: {  	_ =	swait.ge [sflag:s2], $0x2800  }
0x74: {  	[sflag:s2] =	ssyncset.done $0x0  }
0x75: {  	s9 =	simm.s32 $0x4DA0;
	[sflag:s2] =	ssyncadd.s32 $0xFFFFD800  }
0x76: {  	[spmem:s3] =	stream.indirect.scatter.add.f32 [tilespmem:s29], [sflag:$0x6], $0x80, s9, s24, $0xb8;
	[tilespmem:$0x1FF80] =	vst v63  }
0x77: {  	_ =	swait.ge [sflag:s22], $0x2800  }
0x78: {  	[sflag:s22] =	ssyncset.done $0x0  }
0x79: {  	s10 =	simm.s32 $0x26C0;
	[sflag:s22] =	ssyncadd.s32 $0xFFFFD800  }
0x7a: {  	[tilespmem:s26], [sflag:$0x2] =	stream.indirect.gather [hbm4b:s1+s24], $0x80, s10, s24, $0xb8;
	[tilespmem:$0x1FF80] =	vst v63  }
0x7b: {  	_ =	swait.ge [sflag:s0], $0x2800  }
0x7c: {  	[sflag:s0] =	ssyncset.done $0x0  }
0x7d: {  	[sflag:s0] =	ssyncadd.s32 $0xFFFFD800  }
0x7e: {  	_ =	swait.ge [sflag:s31], $0x2800  }
0x7f: {  	[sflag:s31] =	ssyncset.done $0x0  }
0x80: {  	s9 =	simm.s32 $0x4DF0;
	[sflag:s31] =	ssyncadd.s32 $0xFFFFD800  }
0x81: {  	[spmem:s3] =	stream.indirect.scatter.add.f32 [tilespmem:s25], [sflag:$0x7], $0x80, s9, s24, $0xb8;
	[tilespmem:$0x1FF80] =	vst v63  }
0x82: {  	_ =	swait.ge [sflag:s28], $0x2800  }
0x83: {  	[sflag:s28] =	ssyncset.done $0x0  }
0x84: {  	[sflag:s28] =	ssyncadd.s32 $0xFFFFD800  }
0x85: {  	_ =	swait.ge [sflag:s23], $0x2800  }
0x86: {  	[sflag:s23] =	ssyncset.done $0x0  }
0x87: {  	s10 =	simm.s32 $0x4E40;
	[sflag:s23] =	ssyncadd.s32 $0xFFFFD800  }
0x88: {  	[spmem:s3] =	stream.indirect.scatter.add.f32 [tilespmem:s26], [sflag:$0x7], $0x80, s10, s24, $0xb8;
	[tilespmem:$0x1FF80] =	vst v63  }
0x89: {  	_ =	swait.ge [sflag:s28], $0x2800  }
0x8a: {  	[sflag:s28] =	ssyncset.done $0x0  }
0x8b: {  	[sflag:s28] =	ssyncadd.s32 $0xFFFFD800  }
0x8c: {  	s7 =	sshrl.u32 @p5 s8, $0x3;
	s9 =	simm.s32 @p5 $0x1FC7;
	[bflag:$0x0] =	sbarrier.arrive $0xFFFF  }
0x8d: {  	[hbm:s14], [sflag:s9] =	dma.local @p5 [spmem:s7], $0x2080  }
0x8e: {  	s7 =	simm.s32 @p5 $0x7  }
0x8f: {  	s6 =	sadd.s32 $0x1, s6;
	s9 =	stileid.u32;
	_ =	swait.ge @p5 [sflag:s7], $0x2080  }
0x90: {  	p6 =	sne.s32 s6, s15;
	s9 =	sshll.u32 @!p5 s9, $0x6;
	[sflag:s7] =	ssyncset.done @p5 $0x0  }
0x91: {  	[sflag:s7] =	ssyncadd.s32 @p5 $0xFFFFDF80;
	s7 =	sor.u32 @!p5 $0x1C07, s9;
	s9 =	sshrl.u32 @!p5 s5, $0x3  }
0x92: {  	[hbm:s13], [sflag:s7] =	dma.local @!p5 [spmem:s9], $0x2780  }
.Ltmp1:
0x93: {  	_ = 	snop;
	(pc) =	sbr.rel @p6 .LBB2_1-.Ltmp1, $4  }
0x94: {  	s7 =	simm.s32 @!p5 $0x7  }
0x95: {  	_ =	swait.ge @!p5 [sflag:s7], $0x2780  }
0x96: {  	[sflag:s7] =	ssyncset.done @!p5 $0x0  }
0x97: {  	[sflag:s7] =	ssyncadd.s32 @!p5 $0xFFFFD880  }
0x98: {  	_ =	sfence.sel $0x180000  }
0x99: {  	[bflag:$0x0] =	sbarrier.arrive $0xFFFF  }
0x9a: {  	_ =	strace $0x90000047  }
0x9b: {  	s0 =	stileid.u32;
	[bflag:$0x2] =	sbarrier.arrive $0xFFFF  }
0x9c: {  	p0 =	sne.s32 s0, $0x0;
	s0 =	rddreg [dreg:$0x3]  }
0x9d: {  	s0 =	sadd.s32 @!p0 $0x100000, s0  }
0x9e: {  	[sflag:s0] =	ssyncadd.tile.s32 @!p0 $0x1;
	_ =	shalt  }
.Lfunc_end2:
_tile_overlayer_lowered:
.L_overlay_start_2:
0x9f: {  	(tag) =	ssettag $0x2  }
0xa0: {  	s0 =	rddreg [dreg:$0x0];
	s2 =	stileid.u32  }
0xa1: {  	s1 =	rddreg [dreg:$0x1];
	p0 =	sne.s32 s2, $0x0  }
0xa2: {  	s3 =	rddreg [dreg:$0x2];
	[bflag:$0x3] =	sbarrier.arrive $0xFFFF;
	s2 =	simm.s32 @!p0 $0x1C07  }
0xa3: {  	[timem:s3], [sflag:s2] =	dma.local @!p0 [hbm:s0], s1  }
0xa4: {  	s0 =	simm.s32 @!p0 $0x7  }
0xa5: {  	_ =	swait.ge @!p0 [sflag:s0], s1  }
0xa6: {  	s1 =	ssub.s32 @!p0 $0x0, s1;
	[sflag:s0] =	ssyncset.done @!p0 $0x0  }
0xa7: {  	[sflag:s0] =	ssyncadd.s32 @!p0 s1  }
0xa8: {  	[bflag:$0x3] =	sbarrier.arrive $0xFFFF  }
0xa9: {  	_ =	shalt  }

</sc_bundles>
